<compile_context>
chip_gen: v7x
topology: tpu7x:2x2x1
jax: 0.10.2.dev20260603
libtpu: 0.0.44.dev20260713+nightly
codegen_flags: <defaults>
</compile_context>

<pallas_src>
import functools

import jax
import jax.numpy as jnp
from jax import lax
from jax.experimental import pallas as pl
from jax.experimental.pallas import tpu as pltpu
from jax.experimental.pallas import tpu_sc as plsc

N = 100000
D = 128
NSEG = D // 16
NC = 2
NS = 16
NW = NC * NS

S = 57344
RPW = S // NW
CH = 128
NFULL = RPW // CH
BT = 2048
NBT = -(-(N - S) // BT)

_mesh = plsc.VectorSubcoreMesh(
    core_axis_name="c", subcore_axis_name="s", num_cores=NC, num_subcores=NS)

_params = pltpu.CompilerParams(needs_layout_passes=False)

_NEG_INF = float("-inf")
_IMAX = 2**31 - 1


def _row_key(buf, row, dsegs):
  acc_d = jnp.zeros((16,), jnp.float32)
  acc_n = jnp.zeros((16,), jnp.float32)
  for k in range(NSEG):
    v = buf[row, pl.ds(16 * k, 16)]
    acc_d = acc_d + v * dsegs[k]
    acc_n = acc_n + v * v
  return jnp.sum(acc_d), jnp.sum(acc_n)


def _process_chunk(buf, base, dsegs, lane, runk, runi, ngroups):

  def group_body(g, carry):
    runk, runi = carry

    def quad_body(q, kc):
      kd, kn = kc
      for rr in range(4):
        r = q * 4 + rr
        dot, nsq = _row_key(buf, g * 16 + r, dsegs)
        m = lane == r
        kd = jnp.where(m, dot, kd)
        kn = jnp.where(m, nsq, kn)
      return kd, kn

    zero = jnp.zeros((16,), jnp.float32)
    kd, kn = lax.fori_loop(0, 4, quad_body, (zero, zero))
    key = kd * jnp.abs(kd) / jnp.maximum(kn, jnp.float32(1e-30))
    gidx = base + g * 16 + lane
    upd = key > runk
    runi = jnp.where(upd, gidx, runi)
    runk = jnp.where(upd, key, runk)
    return runk, runi

  return lax.fori_loop(0, ngroups, group_body, (runk, runi))


def _stage1_body(ctx_h, cen_h, tract_h, keys_h, idxs_h,
                 ctx_v, cen_v, buf0, buf1, kout_v, iout_v, sem0, sem1):
  c = lax.axis_index("c")
  s = lax.axis_index("s")
  wid = s * NC + c
  start = pl.multiple_of(wid * RPW, 8)

  pltpu.sync_copy(ctx_h, ctx_v)
  pltpu.sync_copy(cen_h, cen_v)
  dsegs = [ctx_v[pl.ds(16 * k, 16)] - cen_v[pl.ds(16 * k, 16)]
           for k in range(NSEG)]
  lane = lax.iota(jnp.int32, 16)

  bufs = (buf0, buf1)
  sems = (sem0, sem1)

  def full_copy(g, b):
    return pltpu.make_async_copy(
        tract_h.at[pl.ds(start + g * CH, CH)], bufs[b], sems[b])

  full_copy(0, 0).start()
  full_copy(1, 1).start()

  runk = jnp.full((16,), _NEG_INF, jnp.float32)
  runi = jnp.zeros((16,), jnp.int32)

  def pair_body(p, carry):
    runk, runi = carry
    for b in range(2):
      g = 2 * p + b
      full_copy(g, b).wait()
      runk, runi = _process_chunk(
          bufs[b], start + g * CH, dsegs, lane, runk, runi, 8)
      full_copy(g + 2, b).start()
    return runk, runi

  runk, runi = lax.fori_loop(0, NFULL // 2 - 1, pair_body, (runk, runi))

  full_copy(NFULL - 2, 0).wait()
  runk, runi = _process_chunk(
      buf0, start + (NFULL - 2) * CH, dsegs, lane, runk, runi, 8)
  full_copy(NFULL - 1, 1).wait()
  runk, runi = _process_chunk(
      buf1, start + (NFULL - 1) * CH, dsegs, lane, runk, runi, 8)

  m = jnp.max(runk)
  cand = jnp.where(runk == m, runi, _IMAX)
  bi = jnp.min(cand)
  for i in range(8):
    kout_v[i, :] = jnp.zeros((16,), jnp.float32) + m
    iout_v[i, :] = jnp.zeros((16,), jnp.int32) + bi
  off = pl.multiple_of(wid * 8, 8)
  pltpu.sync_copy(kout_v, keys_h.at[pl.ds(off, 8)])
  pltpu.sync_copy(iout_v, idxs_h.at[pl.ds(off, 8)])


_stage1 = pl.kernel(
    _stage1_body,
    out_type=(
        jax.ShapeDtypeStruct((NW * 8, 16), jnp.float32),
        jax.ShapeDtypeStruct((NW * 8, 16), jnp.int32),
    ),
    mesh=_mesh,
    compiler_params=_params,
    scratch_types=[
        pltpu.VMEM((D,), jnp.float32),
        pltpu.VMEM((D,), jnp.float32),
        pltpu.VMEM((CH, D), jnp.float32),
        pltpu.VMEM((CH, D), jnp.float32),
        pltpu.VMEM((8, 16), jnp.float32),
        pltpu.VMEM((8, 16), jnp.int32),
        pltpu.SemaphoreType.DMA,
        pltpu.SemaphoreType.DMA,
    ],
)


def _tc_scan_body(ctx_ref, cen_ref, x_ref, key_ref, idx_ref, bk_s, bi_s):
  i = pl.program_id(0)
  x = x_ref[...]
  dvec = ctx_ref[...] - cen_ref[...]
  ones = jnp.ones((1, D), jnp.float32)
  dot = jax.lax.dot_general(
      dvec, x, (((1,), (1,)), ((), ())),
      preferred_element_type=jnp.float32)
  nsq = jax.lax.dot_general(
      ones, x * x, (((1,), (1,)), ((), ())),
      preferred_element_type=jnp.float32)
  key = dot * jnp.abs(dot) / jnp.maximum(nsq, jnp.float32(1e-30))
  gidx = S + i * BT + lax.broadcasted_iota(jnp.int32, (1, BT), 1)
  key = jnp.where(gidx < N, key, _NEG_INF)
  m = jnp.max(key)
  bi = jnp.min(jnp.where(key == m, gidx, _IMAX))

  @pl.when(i == 0)
  def _init():
    bk_s[0] = m
    bi_s[0] = bi

  @pl.when(i > 0)
  def _update():
    better = m > bk_s[0]
    bk_s[0] = jnp.where(better, m, bk_s[0])
    bi_s[0] = jnp.where(better, bi, bi_s[0])

  @pl.when(i == NBT - 1)
  def _emit():
    key_ref[...] = jnp.full((1, 1), bk_s[0], jnp.float32)
    idx_ref[...] = jnp.full((1, 1), bi_s[0], jnp.int32)


_tc_scan = pl.pallas_call(
    _tc_scan_body,
    grid=(NBT,),
    out_shape=(
        jax.ShapeDtypeStruct((1, 1), jnp.float32),
        jax.ShapeDtypeStruct((1, 1), jnp.int32),
    ),
    in_specs=[
        pl.BlockSpec((1, D), lambda i: (0, 0)),
        pl.BlockSpec((1, D), lambda i: (0, 0)),
        pl.BlockSpec((BT, D), lambda i: (S // BT + i, 0)),
    ],
    out_specs=(
        pl.BlockSpec((1, 1), lambda i: (0, 0)),
        pl.BlockSpec((1, 1), lambda i: (0, 0)),
    ),
    scratch_shapes=[
        pltpu.SMEM((1,), jnp.float32),
        pltpu.SMEM((1,), jnp.int32),
    ],
)


def _merge_body(keys_ref, idxs_ref, tck_ref, tci_ref, tract_ref,
                row_ref, bi_ref, ci_ref, rows_v, bs_s, sem):
  kmat = keys_ref[...]
  imat = idxs_ref[...]
  m = jnp.max(kmat)
  cand = jnp.where(kmat == m, imat, _IMAX)
  best = jnp.min(cand)
  tck = tck_ref[0, 0]
  tci = tci_ref[0, 0]
  take_tc = tck > m
  best = jnp.where(take_tc, tci, best)
  bs_s[0] = best
  best_s = bs_s[0]
  base8 = pl.multiple_of((best_s // 8) * 8, 8)
  cp = pltpu.make_async_copy(tract_ref.at[pl.ds(base8, 8)], rows_v, sem)
  cp.start()
  cp.wait()
  r = best_s - base8
  row_ref[...] = rows_v[pl.ds(r, 1), :]
  bi_ref[...] = jnp.full((1, 1), best_s, jnp.int32)
  ci_ref[...] = (jnp.full((1, 1), best_s, jnp.int32).astype(jnp.float32)
                 / jnp.float32(100.0)).astype(jnp.int32)


_merge_tc = pl.pallas_call(
    _merge_body,
    out_shape=(
        jax.ShapeDtypeStruct((1, D), jnp.float32),
        jax.ShapeDtypeStruct((1, 1), jnp.int32),
        jax.ShapeDtypeStruct((1, 1), jnp.int32),
    ),
    in_specs=[
        pl.BlockSpec(memory_space=pltpu.VMEM),
        pl.BlockSpec(memory_space=pltpu.VMEM),
        pl.BlockSpec(memory_space=pltpu.VMEM),
        pl.BlockSpec(memory_space=pltpu.VMEM),
        pl.BlockSpec(memory_space=pl.ANY),
    ],
    scratch_shapes=[
        pltpu.VMEM((8, D), jnp.float32),
        pltpu.SMEM((1,), jnp.int32),
        pltpu.SemaphoreType.DMA,
    ],
)


@jax.jit
def kernel(context_vector, center, tractovki):
  ctx2 = context_vector.reshape(1, D)
  cen2 = center.reshape(1, D)
  tck, tci = _tc_scan(ctx2, cen2, tractovki)
  keys, idxs = _stage1(context_vector, center, tractovki)
  row, besti, ctxi = _merge_tc(keys, idxs, tck, tci, tractovki)
  return row[0], besti[0, 0], ctxi[0, 0]

# --- scband reference (transcript-rebuilt; emitter-appended) ---
"""Pipeline reference for scband-improved-tarot-card-neuron-51737176047634 (READ-ONLY COPY).

The authoritative reference and input builder live on the scoring server;
editing this copy changes nothing except your own understanding.
"""

import jax, jax.numpy as jnp
import numpy as np
import math

EMBED_DIM = 128
NUM_CONTEXTS = 1000
POINTS_PER_CONTEXT = 100
RADIUS = 5.0
NUM_TRACTOVKI = NUM_CONTEXTS * POINTS_PER_CONTEXT


def _init_tractovki(key):
    # Vectorized equivalent of the torch per-point loop: context circles on a sphere
    c = jnp.arange(NUM_CONTEXTS, dtype=jnp.float32)
    phi = math.pi * (c + 0.5) / NUM_CONTEXTS  # [C]
    p = jnp.arange(POINTS_PER_CONTEXT, dtype=jnp.float32)
    theta = 2.0 * math.pi * p / POINTS_PER_CONTEXT  # [P]
    x = (RADIUS * jnp.sin(phi))[:, None] * jnp.cos(theta)[None, :]
    y = (RADIUS * jnp.sin(phi))[:, None] * jnp.sin(theta)[None, :]
    z = (RADIUS * jnp.cos(phi))[:, None] * jnp.ones_like(theta)[None, :]
    t = jnp.zeros((NUM_TRACTOVKI, EMBED_DIM), dtype=jnp.float32)
    t = t.at[:, 0].set(x.reshape(-1))
    t = t.at[:, 1].set(y.reshape(-1))
    t = t.at[:, 2].set(z.reshape(-1))
    rest = jax.random.normal(key, (NUM_TRACTOVKI, EMBED_DIM - 3), dtype=jnp.float32) * 0.1
    t = t.at[:, 3:].set(rest)
    return t


def setup_inputs(seed: int = 0) -> dict:
    key = jax.random.key(seed)
    k1, k2 = jax.random.split(key)
    context_vector = jax.random.normal(k1, (EMBED_DIM,), dtype=jnp.float32)
    center = jnp.zeros((EMBED_DIM,), dtype=jnp.float32)
    tractovki = _init_tractovki(k2)
    return {"context_vector": context_vector, "center": center, "tractovki": tractovki}


def reference(context_vector, center, tractovki):
    eps = 1e-12
    d = context_vector - center
    d = d / jnp.maximum(jnp.linalg.norm(d, axis=-1, keepdims=True), eps)
    tn = tractovki / jnp.maximum(jnp.linalg.norm(tractovki, axis=-1, keepdims=True), eps)
    similarities = tn @ d  # [NUM_TRACTOVKI]
    best_index = jnp.argmax(similarities)
    context_index = best_index // POINTS_PER_CONTEXT
    return (tractovki[best_index], best_index, context_index)

if __name__ == "__main__":
    import jax
    _d = setup_inputs()
    print(jax.jit(kernel)(*tuple(_d.values())))

</pallas_src>

<mosaic_0001>
#map = affine_map<(d0, d1) -> (0)>
#map1 = affine_map<(d0, d1) -> (0, 0)>
module attributes {stable_mosaic.version = 14 : i64} {
  func.func @_stage1_body(%arg0: i32, %arg1: i32, %arg2: memref<128xf32, #tpu.memory_space<hbm>>, %arg3: memref<128xf32, #tpu.memory_space<hbm>>, %arg4: memref<100000x128xf32, #tpu.memory_space<hbm>>, %arg5: memref<256x16xf32, #tpu.memory_space<hbm>>, %arg6: memref<256x16xi32, #tpu.memory_space<hbm>>, %arg7: memref<128xf32, #tpu.memory_space<vmem>>, %arg8: memref<128xf32, #tpu.memory_space<vmem>>, %arg9: memref<128x128xf32, #tpu.memory_space<vmem>>, %arg10: memref<128x128xf32, #tpu.memory_space<vmem>>, %arg11: memref<8x16xf32, #tpu.memory_space<vmem>>, %arg12: memref<8x16xi32, #tpu.memory_space<vmem>>, %arg13: memref<!tpu.dma_semaphore, #tpu.memory_space<semaphore_mem>>, %arg14: memref<!tpu.dma_semaphore, #tpu.memory_space<semaphore_mem>>) attributes {dimension_semantics = [#tpu.dimension_semantics<core_parallel>, #tpu.dimension_semantics<subcore_parallel>], iteration_bounds = array<i64: 2, 16>, scalar_prefetch = 0 : i64, scratch_operands = 8 : i64, tpu.core_type = #tpu.core_type<sc_vector_subcore>, window_params = [{transform_indices = #map}, {transform_indices = #map}, {transform_indices = #map1}, {transform_indices = #map1}, {transform_indices = #map1}]} {
    %mul3A = arith.constant 2 : i32
    %mul3A_0 = arith.muli %arg1, %mul3A : i32
    %add3A = arith.addi %mul3A_0, %arg0 : i32
    %mul3A_1 = arith.constant 1792 : i32
    %mul3A_2 = arith.muli %add3A, %mul3A_1 : i32
    %multiple_of3A = tpu.assume_multiple %mul3A_2, 8 : i32
    "tpu.region"() ({
      %run_scoped3A = tpu.sem_alloc : memref<!tpu.dma_semaphore, #tpu.memory_space<semaphore_mem>>
      tpu.enqueue_dma source(%arg2 : memref<128xf32, #tpu.memory_space<hbm>>) target(%arg7 : memref<128xf32, #tpu.memory_space<vmem>>) target_semaphore(%run_scoped3A : memref<!tpu.dma_semaphore, #tpu.memory_space<semaphore_mem>>)
      tpu.wait_dma2 semaphore(%run_scoped3A : memref<!tpu.dma_semaphore, #tpu.memory_space<semaphore_mem>>) src(%arg2 : memref<128xf32, #tpu.memory_space<hbm>>) dst(%arg7 : memref<128xf32, #tpu.memory_space<vmem>>)
      tpu.yield
    }) : () -> ()
    "tpu.region"() ({
      %run_scoped3A = tpu.sem_alloc : memref<!tpu.dma_semaphore, #tpu.memory_space<semaphore_mem>>
      tpu.enqueue_dma source(%arg3 : memref<128xf32, #tpu.memory_space<hbm>>) target(%arg8 : memref<128xf32, #tpu.memory_space<vmem>>) target_semaphore(%run_scoped3A : memref<!tpu.dma_semaphore, #tpu.memory_space<semaphore_mem>>)
      tpu.wait_dma2 semaphore(%run_scoped3A : memref<!tpu.dma_semaphore, #tpu.memory_space<semaphore_mem>>) src(%arg3 : memref<128xf32, #tpu.memory_space<hbm>>) dst(%arg8 : memref<128xf32, #tpu.memory_space<vmem>>)
      tpu.yield
    }) : () -> ()
    %get3A = arith.constant 0 : index
    %get3A_3 = tpu.vector_load %arg7[%get3A] {strides = array<i32>} : memref<128xf32, #tpu.memory_space<vmem>>, vector<16xf32>,
    %get3A_4 = arith.constant 0 : index
    %get3A_5 = tpu.vector_load %arg8[%get3A_4] {strides = array<i32>} : memref<128xf32, #tpu.memory_space<vmem>>, vector<16xf32>,
    %sub3A = arith.subf %get3A_3, %get3A_5 : vector<16xf32>
    %get3A_6 = arith.constant 16 : index
    %get3A_7 = tpu.vector_load %arg7[%get3A_6] {strides = array<i32>} : memref<128xf32, #tpu.memory_space<vmem>>, vector<16xf32>,
    %get3A_8 = arith.constant 16 : index
    %get3A_9 = tpu.vector_load %arg8[%get3A_8] {strides = array<i32>} : memref<128xf32, #tpu.memory_space<vmem>>, vector<16xf32>,
    %sub3A_10 = arith.subf %get3A_7, %get3A_9 : vector<16xf32>
    %get3A_11 = arith.constant 32 : index
    %get3A_12 = tpu.vector_load %arg7[%get3A_11] {strides = array<i32>} : memref<128xf32, #tpu.memory_space<vmem>>, vector<16xf32>,
    %get3A_13 = arith.constant 32 : index
    %get3A_14 = tpu.vector_load %arg8[%get3A_13] {strides = array<i32>} : memref<128xf32, #tpu.memory_space<vmem>>, vector<16xf32>,
    %sub3A_15 = arith.subf %get3A_12, %get3A_14 : vector<16xf32>
    %get3A_16 = arith.constant 48 : index
    %get3A_17 = tpu.vector_load %arg7[%get3A_16] {strides = array<i32>} : memref<128xf32, #tpu.memory_space<vmem>>, vector<16xf32>,
    %get3A_18 = arith.constant 48 : index
    %get3A_19 = tpu.vector_load %arg8[%get3A_18] {strides = array<i32>} : memref<128xf32, #tpu.memory_space<vmem>>, vector<16xf32>,
    %sub3A_20 = arith.subf %get3A_17, %get3A_19 : vector<16xf32>
    %get3A_21 = arith.constant 64 : index
    %get3A_22 = tpu.vector_load %arg7[%get3A_21] {strides = array<i32>} : memref<128xf32, #tpu.memory_space<vmem>>, vector<16xf32>,
    %get3A_23 = arith.constant 64 : index
    %get3A_24 = tpu.vector_load %arg8[%get3A_23] {strides = array<i32>} : memref<128xf32, #tpu.memory_space<vmem>>, vector<16xf32>,
    %sub3A_25 = arith.subf %get3A_22, %get3A_24 : vector<16xf32>
    %get3A_26 = arith.constant 80 : index
    %get3A_27 = tpu.vector_load %arg7[%get3A_26] {strides = array<i32>} : memref<128xf32, #tpu.memory_space<vmem>>, vector<16xf32>,
    %get3A_28 = arith.constant 80 : index
    %get3A_29 = tpu.vector_load %arg8[%get3A_28] {strides = array<i32>} : memref<128xf32, #tpu.memory_space<vmem>>, vector<16xf32>,
    %sub3A_30 = arith.subf %get3A_27, %get3A_29 : vector<16xf32>
    %get3A_31 = arith.constant 96 : index
    %get3A_32 = tpu.vector_load %arg7[%get3A_31] {strides = array<i32>} : memref<128xf32, #tpu.memory_space<vmem>>, vector<16xf32>,
    %get3A_33 = arith.constant 96 : index
    %get3A_34 = tpu.vector_load %arg8[%get3A_33] {strides = array<i32>} : memref<128xf32, #tpu.memory_space<vmem>>, vector<16xf32>,
    %sub3A_35 = arith.subf %get3A_32, %get3A_34 : vector<16xf32>
    %get3A_36 = arith.constant 112 : index
    %get3A_37 = tpu.vector_load %arg7[%get3A_36] {strides = array<i32>} : memref<128xf32, #tpu.memory_space<vmem>>, vector<16xf32>,
    %get3A_38 = arith.constant 112 : index
    %get3A_39 = tpu.vector_load %arg8[%get3A_38] {strides = array<i32>} : memref<128xf32, #tpu.memory_space<vmem>>, vector<16xf32>,
    %sub3A_40 = arith.subf %get3A_37, %get3A_39 : vector<16xf32>
    %iota3A = tpu.iota {dimensions = array<i32: 0>} : vector<16xi32>
    %add3A_41 = arith.constant 0 : i32
    %add3A_42 = arith.addi %multiple_of3A, %add3A_41 : i32
    %dma_start3A = arith.constant 0 : i32
    %dma_start3A_43 = tpu.memref_slice %arg4[%add3A_42, %dma_start3A] : memref<100000x128xf32, #tpu.memory_space<hbm>> -> memref<128x128xf32, #tpu.memory_space<hbm>>
    %dma_start3A_44 = arith.constant 0 : i32
    %dma_start3A_45 = tpu.memref_slice %arg4[%add3A_42, %dma_start3A_44] : memref<100000x128xf32, #tpu.memory_space<hbm>> -> memref<128x128xf32, #tpu.memory_space<hbm>>
    tpu.enqueue_dma source(%dma_start3A_45 : memref<128x128xf32, #tpu.memory_space<hbm>>) target(%arg9 : memref<128x128xf32, #tpu.memory_space<vmem>>) target_semaphore(%arg13 : memref<!tpu.dma_semaphore, #tpu.memory_space<semaphore_mem>>)
    %add3A_46 = arith.constant 128 : i32
    %add3A_47 = arith.addi %multiple_of3A, %add3A_46 : i32
    %dma_start3A_48 = arith.constant 0 : i32
    %dma_start3A_49 = tpu.memref_slice %arg4[%add3A_47, %dma_start3A_48] : memref<100000x128xf32, #tpu.memory_space<hbm>> -> memref<128x128xf32, #tpu.memory_space<hbm>>
    %dma_start3A_50 = arith.constant 0 : i32
    %dma_start3A_51 = tpu.memref_slice %arg4[%add3A_47, %dma_start3A_50] : memref<100000x128xf32, #tpu.memory_space<hbm>> -> memref<128x128xf32, #tpu.memory_space<hbm>>
    tpu.enqueue_dma source(%dma_start3A_51 : memref<128x128xf32, #tpu.memory_space<hbm>>) target(%arg10 : memref<128x128xf32, #tpu.memory_space<vmem>>) target_semaphore(%arg14 : memref<!tpu.dma_semaphore, #tpu.memory_space<semaphore_mem>>)
    %broadcast_in_dim3A = arith.constant 0xFF800000 : f32
    %broadcast_in_dim3A_52 = vector.broadcast %broadcast_in_dim3A : f32 to vector<16xf32>
    %broadcast_in_dim3A_53 = arith.constant 0 : i32
    %broadcast_in_dim3A_54 = vector.broadcast %broadcast_in_dim3A_53 : i32 to vector<16xi32>
    %scan3A = arith.constant 0 : i32
    %scan3A_55 = arith.constant 6 : i32
    %scan3A_56 = arith.addi %scan3A, %scan3A_55 : i32
    %scan3A_57 = arith.constant 1 : i32
    %scan3A_58:2 = scf.for %scan3A_229 = %scan3A to %scan3A_56 step %scan3A_57 iter_args(%scan3A_230 = %broadcast_in_dim3A_52, %scan3A_231 = %broadcast_in_dim3A_54) -> (vector<16xf32>, vector<16xi32>)  : i32 {
      %mul3A_232 = arith.constant 2 : i32
      %mul3A_233 = arith.muli %mul3A_232, %scan3A_229 : i32
      %add3A_234 = arith.constant 0 : i32
      %add3A_235 = arith.addi %mul3A_233, %add3A_234 : i32
      %mul3A_236 = arith.constant 128 : i32
      %mul3A_237 = arith.muli %add3A_235, %mul3A_236 : i32
      %add3A_238 = arith.addi %multiple_of3A, %mul3A_237 : i32
      %dma_wait3A_239 = arith.constant 0 : i32
      %dma_wait3A_240 = tpu.memref_slice %arg4[%add3A_238, %dma_wait3A_239] : memref<100000x128xf32, #tpu.memory_space<hbm>> -> memref<128x128xf32, #tpu.memory_space<hbm>>
      %dma_wait3A_241 = arith.constant 0 : i32
      %dma_wait3A_242 = tpu.memref_slice %arg4[%add3A_238, %dma_wait3A_241] : memref<100000x128xf32, #tpu.memory_space<hbm>> -> memref<128x128xf32, #tpu.memory_space<hbm>>
      tpu.wait_dma2 semaphore(%arg13 : memref<!tpu.dma_semaphore, #tpu.memory_space<semaphore_mem>>) src(%dma_wait3A_242 : memref<128x128xf32, #tpu.memory_space<hbm>>) dst(%arg9 : memref<128x128xf32, #tpu.memory_space<vmem>>)
      %mul3A_243 = arith.constant 128 : i32
      %mul3A_244 = arith.muli %add3A_235, %mul3A_243 : i32
      %add3A_245 = arith.addi %multiple_of3A, %mul3A_244 : i32
      %scan3A_246 = arith.constant 0 : i32
      %scan3A_247 = arith.constant 8 : i32
      %scan3A_248 = arith.addi %scan3A_246, %scan3A_247 : i32
      %scan3A_249 = arith.constant 1 : i32
      %scan3A_250:2 = scf.for %scan3A_290 = %scan3A_246 to %scan3A_248 step %scan3A_249 iter_args(%scan3A_291 = %scan3A_230, %scan3A_292 = %scan3A_231) -> (vector<16xf32>, vector<16xi32>)  : i32 {
        %broadcast_in_dim3A_293 = arith.constant 0.000000e+00 : f32
        %broadcast_in_dim3A_294 = vector.broadcast %broadcast_in_dim3A_293 : f32 to vector<16xf32>
        %scan3A_295 = arith.constant 0 : i32
        %scan3A_296 = arith.constant 4 : i32
        %scan3A_297 = arith.addi %scan3A_295, %scan3A_296 : i32
        %scan3A_298 = arith.constant 1 : i32
        %scan3A_299:2 = scf.for %scan3A_311 = %scan3A_295 to %scan3A_297 step %scan3A_298 iter_args(%scan3A_312 = %broadcast_in_dim3A_294, %scan3A_313 = %broadcast_in_dim3A_294) -> (vector<16xf32>, vector<16xf32>)  : i32 {
          %mul3A_314 = arith.constant 4 : i32
          %mul3A_315 = arith.muli %scan3A_311, %mul3A_314 : i32
          %add3A_316 = arith.constant 0 : i32
          %add3A_317 = arith.addi %mul3A_315, %add3A_316 : i32
          %mul3A_318 = arith.constant 16 : i32
          %mul3A_319 = arith.muli %scan3A_290, %mul3A_318 : i32
          %add3A_320 = arith.addi %mul3A_319, %add3A_317 : i32
          %broadcast_in_dim3A_321 = arith.constant 0.000000e+00 : f32
          %broadcast_in_dim3A_322 = vector.broadcast %broadcast_in_dim3A_321 : f32 to vector<16xf32>
          %broadcast_in_dim3A_323 = arith.constant 0.000000e+00 : f32
          %broadcast_in_dim3A_324 = vector.broadcast %broadcast_in_dim3A_323 : f32 to vector<16xf32>
          %get3A_325 = arith.index_cast %add3A_320 : i32 to index
          %get3A_326 = arith.constant 0 : index
          %get3A_327 = tpu.vector_load %arg9[%get3A_325, %get3A_326] {strides = array<i32>} : memref<128x128xf32, #tpu.memory_space<vmem>>, vector<16xf32>,
          %mul3A_328 = arith.mulf %get3A_327, %sub3A : vector<16xf32>
          %add3A_329 = arith.addf %broadcast_in_dim3A_322, %mul3A_328 : vector<16xf32>
          %mul3A_330 = arith.mulf %get3A_327, %get3A_327 : vector<16xf32>
          %add3A_331 = arith.addf %broadcast_in_dim3A_324, %mul3A_330 : vector<16xf32>
          %get3A_332 = arith.index_cast %add3A_320 : i32 to index
          %get3A_333 = arith.constant 16 : index
          %get3A_334 = tpu.vector_load %arg9[%get3A_332, %get3A_333] {strides = array<i32>} : memref<128x128xf32, #tpu.memory_space<vmem>>, vector<16xf32>,
          %mul3A_335 = arith.mulf %get3A_334, %sub3A_10 : vector<16xf32>
          %add3A_336 = arith.addf %add3A_329, %mul3A_335 : vector<16xf32>
          %mul3A_337 = arith.mulf %get3A_334, %get3A_334 : vector<16xf32>
          %add3A_338 = arith.addf %add3A_331, %mul3A_337 : vector<16xf32>
          %get3A_339 = arith.index_cast %add3A_320 : i32 to index
          %get3A_340 = arith.constant 32 : index
          %get3A_341 = tpu.vector_load %arg9[%get3A_339, %get3A_340] {strides = array<i32>} : memref<128x128xf32, #tpu.memory_space<vmem>>, vector<16xf32>,
          %mul3A_342 = arith.mulf %get3A_341, %sub3A_15 : vector<16xf32>
          %add3A_343 = arith.addf %add3A_336, %mul3A_342 : vector<16xf32>
          %mul3A_344 = arith.mulf %get3A_341, %get3A_341 : vector<16xf32>
          %add3A_345 = arith.addf %add3A_338, %mul3A_344 : vector<16xf32>
          %get3A_346 = arith.index_cast %add3A_320 : i32 to index
          %get3A_347 = arith.constant 48 : index
          %get3A_348 = tpu.vector_load %arg9[%get3A_346, %get3A_347] {strides = array<i32>} : memref<128x128xf32, #tpu.memory_space<vmem>>, vector<16xf32>,
          %mul3A_349 = arith.mulf %get3A_348, %sub3A_20 : vector<16xf32>
          %add3A_350 = arith.addf %add3A_343, %mul3A_349 : vector<16xf32>
          %mul3A_351 = arith.mulf %get3A_348, %get3A_348 : vector<16xf32>
          %add3A_352 = arith.addf %add3A_345, %mul3A_351 : vector<16xf32>
          %get3A_353 = arith.index_cast %add3A_320 : i32 to index
          %get3A_354 = arith.constant 64 : index
          %get3A_355 = tpu.vector_load %arg9[%get3A_353, %get3A_354] {strides = array<i32>} : memref<128x128xf32, #tpu.memory_space<vmem>>, vector<16xf32>,
          %mul3A_356 = arith.mulf %get3A_355, %sub3A_25 : vector<16xf32>
          %add3A_357 = arith.addf %add3A_350, %mul3A_356 : vector<16xf32>
          %mul3A_358 = arith.mulf %get3A_355, %get3A_355 : vector<16xf32>
          %add3A_359 = arith.addf %add3A_352, %mul3A_358 : vector<16xf32>
          %get3A_360 = arith.index_cast %add3A_320 : i32 to index
          %get3A_361 = arith.constant 80 : index
          %get3A_362 = tpu.vector_load %arg9[%get3A_360, %get3A_361] {strides = array<i32>} : memref<128x128xf32, #tpu.memory_space<vmem>>, vector<16xf32>,
          %mul3A_363 = arith.mulf %get3A_362, %sub3A_30 : vector<16xf32>
          %add3A_364 = arith.addf %add3A_357, %mul3A_363 : vector<16xf32>
          %mul3A_365 = arith.mulf %get3A_362, %get3A_362 : vector<16xf32>
          %add3A_366 = arith.addf %add3A_359, %mul3A_365 : vector<16xf32>
          %get3A_367 = arith.index_cast %add3A_320 : i32 to index
          %get3A_368 = arith.constant 96 : index
          %get3A_369 = tpu.vector_load %arg9[%get3A_367, %get3A_368] {strides = array<i32>} : memref<128x128xf32, #tpu.memory_space<vmem>>, vector<16xf32>,
          %mul3A_370 = arith.mulf %get3A_369, %sub3A_35 : vector<16xf32>
          %add3A_371 = arith.addf %add3A_364, %mul3A_370 : vector<16xf32>
          %mul3A_372 = arith.mulf %get3A_369, %get3A_369 : vector<16xf32>
          %add3A_373 = arith.addf %add3A_366, %mul3A_372 : vector<16xf32>
          %get3A_374 = arith.index_cast %add3A_320 : i32 to index
          %get3A_375 = arith.constant 112 : index
          %get3A_376 = tpu.vector_load %arg9[%get3A_374, %get3A_375] {strides = array<i32>} : memref<128x128xf32, #tpu.memory_space<vmem>>, vector<16xf32>,
          %mul3A_377 = arith.mulf %get3A_376, %sub3A_40 : vector<16xf32>
          %add3A_378 = arith.addf %add3A_371, %mul3A_377 : vector<16xf32>
          %mul3A_379 = arith.mulf %get3A_376, %get3A_376 : vector<16xf32>
          %add3A_380 = arith.addf %add3A_373, %mul3A_379 : vector<16xf32>
          %reduce_sum3A = arith.constant true
          %reduce_sum3A_381 = vector.broadcast %reduce_sum3A : i1 to vector<16xi1>
          %reduce_sum3A_382 = tpu.scan <sum>, %add3A_378 masked %reduce_sum3A_381 : vector<16xf32>, vector<16xi1> -> vector<16xf32>
          %reduce_sum3A_383 = vector.extract %reduce_sum3A_382[15] : f32 from vector<16xf32>
          %reduce_sum3A_384 = arith.constant true
          %reduce_sum3A_385 = vector.broadcast %reduce_sum3A_384 : i1 to vector<16xi1>
          %reduce_sum3A_386 = tpu.scan <sum>, %add3A_380 masked %reduce_sum3A_385 : vector<16xf32>, vector<16xi1> -> vector<16xf32>
          %reduce_sum3A_387 = vector.extract %reduce_sum3A_386[15] : f32 from vector<16xf32>
          %eq3A_388 = vector.broadcast %add3A_317 : i32 to vector<16xi32>
          %eq3A_389 = arith.cmpi eq, %iota3A, %eq3A_388 : vector<16xi32>
          %broadcast_in_dim3A_390 = vector.broadcast %reduce_sum3A_383 : f32 to vector<16xf32>
          %select_n3A_391 = arith.select %eq3A_389, %broadcast_in_dim3A_390, %scan3A_312 : vector<16xi1>, vector<16xf32>
          %broadcast_in_dim3A_392 = vector.broadcast %reduce_sum3A_387 : f32 to vector<16xf32>
          %select_n3A_393 = arith.select %eq3A_389, %broadcast_in_dim3A_392, %scan3A_313 : vector<16xi1>, vector<16xf32>
          %mul3A_394 = arith.constant 4 : i32
          %mul3A_395 = arith.muli %scan3A_311, %mul3A_394 : i32
          %add3A_396 = arith.constant 1 : i32
          %add3A_397 = arith.addi %mul3A_395, %add3A_396 : i32
          %mul3A_398 = arith.constant 16 : i32
          %mul3A_399 = arith.muli %scan3A_290, %mul3A_398 : i32
          %add3A_400 = arith.addi %mul3A_399, %add3A_397 : i32
          %broadcast_in_dim3A_401 = arith.constant 0.000000e+00 : f32
          %broadcast_in_dim3A_402 = vector.broadcast %broadcast_in_dim3A_401 : f32 to vector<16xf32>
          %broadcast_in_dim3A_403 = arith.constant 0.000000e+00 : f32
          %broadcast_in_dim3A_404 = vector.broadcast %broadcast_in_dim3A_403 : f32 to vector<16xf32>
          %get3A_405 = arith.index_cast %add3A_400 : i32 to index
          %get3A_406 = arith.constant 0 : index
          %get3A_407 = tpu.vector_load %arg9[%get3A_405, %get3A_406] {strides = array<i32>} : memref<128x128xf32, #tpu.memory_space<vmem>>, vector<16xf32>,
          %mul3A_408 = arith.mulf %get3A_407, %sub3A : vector<16xf32>
          %add3A_409 = arith.addf %broadcast_in_dim3A_402, %mul3A_408 : vector<16xf32>
          %mul3A_410 = arith.mulf %get3A_407, %get3A_407 : vector<16xf32>
          %add3A_411 = arith.addf %broadcast_in_dim3A_404, %mul3A_410 : vector<16xf32>
          %get3A_412 = arith.index_cast %add3A_400 : i32 to index
          %get3A_413 = arith.constant 16 : index
          %get3A_414 = tpu.vector_load %arg9[%get3A_412, %get3A_413] {strides = array<i32>} : memref<128x128xf32, #tpu.memory_space<vmem>>, vector<16xf32>,
          %mul3A_415 = arith.mulf %get3A_414, %sub3A_10 : vector<16xf32>
          %add3A_416 = arith.addf %add3A_409, %mul3A_415 : vector<16xf32>
          %mul3A_417 = arith.mulf %get3A_414, %get3A_414 : vector<16xf32>
          %add3A_418 = arith.addf %add3A_411, %mul3A_417 : vector<16xf32>
          %get3A_419 = arith.index_cast %add3A_400 : i32 to index
          %get3A_420 = arith.constant 32 : index
          %get3A_421 = tpu.vector_load %arg9[%get3A_419, %get3A_420] {strides = array<i32>} : memref<128x128xf32, #tpu.memory_space<vmem>>, vector<16xf32>,
          %mul3A_422 = arith.mulf %get3A_421, %sub3A_15 : vector<16xf32>
          %add3A_423 = arith.addf %add3A_416, %mul3A_422 : vector<16xf32>
          %mul3A_424 = arith.mulf %get3A_421, %get3A_421 : vector<16xf32>
          %add3A_425 = arith.addf %add3A_418, %mul3A_424 : vector<16xf32>
          %get3A_426 = arith.index_cast %add3A_400 : i32 to index
          %get3A_427 = arith.constant 48 : index
          %get3A_428 = tpu.vector_load %arg9[%get3A_426, %get3A_427] {strides = array<i32>} : memref<128x128xf32, #tpu.memory_space<vmem>>, vector<16xf32>,
          %mul3A_429 = arith.mulf %get3A_428, %sub3A_20 : vector<16xf32>
          %add3A_430 = arith.addf %add3A_423, %mul3A_429 : vector<16xf32>
          %mul3A_431 = arith.mulf %get3A_428, %get3A_428 : vector<16xf32>
          %add3A_432 = arith.addf %add3A_425, %mul3A_431 : vector<16xf32>
          %get3A_433 = arith.index_cast %add3A_400 : i32 to index
          %get3A_434 = arith.constant 64 : index
          %get3A_435 = tpu.vector_load %arg9[%get3A_433, %get3A_434] {strides = array<i32>} : memref<128x128xf32, #tpu.memory_space<vmem>>, vector<16xf32>,
          %mul3A_436 = arith.mulf %get3A_435, %sub3A_25 : vector<16xf32>
          %add3A_437 = arith.addf %add3A_430, %mul3A_436 : vector<16xf32>
          %mul3A_438 = arith.mulf %get3A_435, %get3A_435 : vector<16xf32>
          %add3A_439 = arith.addf %add3A_432, %mul3A_438 : vector<16xf32>
          %get3A_440 = arith.index_cast %add3A_400 : i32 to index
          %get3A_441 = arith.constant 80 : index
          %get3A_442 = tpu.vector_load %arg9[%get3A_440, %get3A_441] {strides = array<i32>} : memref<128x128xf32, #tpu.memory_space<vmem>>, vector<16xf32>,
          %mul3A_443 = arith.mulf %get3A_442, %sub3A_30 : vector<16xf32>
          %add3A_444 = arith.addf %add3A_437, %mul3A_443 : vector<16xf32>
          %mul3A_445 = arith.mulf %get3A_442, %get3A_442 : vector<16xf32>
          %add3A_446 = arith.addf %add3A_439, %mul3A_445 : vector<16xf32>
          %get3A_447 = arith.index_cast %add3A_400 : i32 to index
          %get3A_448 = arith.constant 96 : index
          %get3A_449 = tpu.vector_load %arg9[%get3A_447, %get3A_448] {strides = array<i32>} : memref<128x128xf32, #tpu.memory_space<vmem>>, vector<16xf32>,
          %mul3A_450 = arith.mulf %get3A_449, %sub3A_35 : vector<16xf32>
          %add3A_451 = arith.addf %add3A_444, %mul3A_450 : vector<16xf32>
          %mul3A_452 = arith.mulf %get3A_449, %get3A_449 : vector<16xf32>
          %add3A_453 = arith.addf %add3A_446, %mul3A_452 : vector<16xf32>
          %get3A_454 = arith.index_cast %add3A_400 : i32 to index
          %get3A_455 = arith.constant 112 : index
          %get3A_456 = tpu.vector_load %arg9[%get3A_454, %get3A_455] {strides = array<i32>} : memref<128x128xf32, #tpu.memory_space<vmem>>, vector<16xf32>,
          %mul3A_457 = arith.mulf %get3A_456, %sub3A_40 : vector<16xf32>
          %add3A_458 = arith.addf %add3A_451, %mul3A_457 : vector<16xf32>
          %mul3A_459 = arith.mulf %get3A_456, %get3A_456 : vector<16xf32>
          %add3A_460 = arith.addf %add3A_453, %mul3A_459 : vector<16xf32>
          %reduce_sum3A_461 = arith.constant true
          %reduce_sum3A_462 = vector.broadcast %reduce_sum3A_461 : i1 to vector<16xi1>
          %reduce_sum3A_463 = tpu.scan <sum>, %add3A_458 masked %reduce_sum3A_462 : vector<16xf32>, vector<16xi1> -> vector<16xf32>
          %reduce_sum3A_464 = vector.extract %reduce_sum3A_463[15] : f32 from vector<16xf32>
          %reduce_sum3A_465 = arith.constant true
          %reduce_sum3A_466 = vector.broadcast %reduce_sum3A_465 : i1 to vector<16xi1>
          %reduce_sum3A_467 = tpu.scan <sum>, %add3A_460 masked %reduce_sum3A_466 : vector<16xf32>, vector<16xi1> -> vector<16xf32>
          %reduce_sum3A_468 = vector.extract %reduce_sum3A_467[15] : f32 from vector<16xf32>
          %eq3A_469 = vector.broadcast %add3A_397 : i32 to vector<16xi32>
          %eq3A_470 = arith.cmpi eq, %iota3A, %eq3A_469 : vector<16xi32>
          %broadcast_in_dim3A_471 = vector.broadcast %reduce_sum3A_464 : f32 to vector<16xf32>
          %select_n3A_472 = arith.select %eq3A_470, %broadcast_in_dim3A_471, %select_n3A_391 : vector<16xi1>, vector<16xf32>
          %broadcast_in_dim3A_473 = vector.broadcast %reduce_sum3A_468 : f32 to vector<16xf32>
          %select_n3A_474 = arith.select %eq3A_470, %broadcast_in_dim3A_473, %select_n3A_393 : vector<16xi1>, vector<16xf32>
          %mul3A_475 = arith.constant 4 : i32
          %mul3A_476 = arith.muli %scan3A_311, %mul3A_475 : i32
          %add3A_477 = arith.constant 2 : i32
          %add3A_478 = arith.addi %mul3A_476, %add3A_477 : i32
          %mul3A_479 = arith.constant 16 : i32
          %mul3A_480 = arith.muli %scan3A_290, %mul3A_479 : i32
          %add3A_481 = arith.addi %mul3A_480, %add3A_478 : i32
          %broadcast_in_dim3A_482 = arith.constant 0.000000e+00 : f32
          %broadcast_in_dim3A_483 = vector.broadcast %broadcast_in_dim3A_482 : f32 to vector<16xf32>
          %broadcast_in_dim3A_484 = arith.constant 0.000000e+00 : f32
          %broadcast_in_dim3A_485 = vector.broadcast %broadcast_in_dim3A_484 : f32 to vector<16xf32>
          %get3A_486 = arith.index_cast %add3A_481 : i32 to index
          %get3A_487 = arith.constant 0 : index
          %get3A_488 = tpu.vector_load %arg9[%get3A_486, %get3A_487] {strides = array<i32>} : memref<128x128xf32, #tpu.memory_space<vmem>>, vector<16xf32>,
          %mul3A_489 = arith.mulf %get3A_488, %sub3A : vector<16xf32>
          %add3A_490 = arith.addf %broadcast_in_dim3A_483, %mul3A_489 : vector<16xf32>
          %mul3A_491 = arith.mulf %get3A_488, %get3A_488 : vector<16xf32>
          %add3A_492 = arith.addf %broadcast_in_dim3A_485, %mul3A_491 : vector<16xf32>
          %get3A_493 = arith.index_cast %add3A_481 : i32 to index
          %get3A_494 = arith.constant 16 : index
          %get3A_495 = tpu.vector_load %arg9[%get3A_493, %get3A_494] {strides = array<i32>} : memref<128x128xf32, #tpu.memory_space<vmem>>, vector<16xf32>,
          %mul3A_496 = arith.mulf %get3A_495, %sub3A_10 : vector<16xf32>
          %add3A_497 = arith.addf %add3A_490, %mul3A_496 : vector<16xf32>
          %mul3A_498 = arith.mulf %get3A_495, %get3A_495 : vector<16xf32>
          %add3A_499 = arith.addf %add3A_492, %mul3A_498 : vector<16xf32>
          %get3A_500 = arith.index_cast %add3A_481 : i32 to index
          %get3A_501 = arith.constant 32 : index
          %get3A_502 = tpu.vector_load %arg9[%get3A_500, %get3A_501] {strides = array<i32>} : memref<128x128xf32, #tpu.memory_space<vmem>>, vector<16xf32>,
          %mul3A_503 = arith.mulf %get3A_502, %sub3A_15 : vector<16xf32>
          %add3A_504 = arith.addf %add3A_497, %mul3A_503 : vector<16xf32>
          %mul3A_505 = arith.mulf %get3A_502, %get3A_502 : vector<16xf32>
          %add3A_506 = arith.addf %add3A_499, %mul3A_505 : vector<16xf32>
          %get3A_507 = arith.index_cast %add3A_481 : i32 to index
          %get3A_508 = arith.constant 48 : index
          %get3A_509 = tpu.vector_load %arg9[%get3A_507, %get3A_508] {strides = array<i32>} : memref<128x128xf32, #tpu.memory_space<vmem>>, vector<16xf32>,
          %mul3A_510 = arith.mulf %get3A_509, %sub3A_20 : vector<16xf32>
          %add3A_511 = arith.addf %add3A_504, %mul3A_510 : vector<16xf32>
          %mul3A_512 = arith.mulf %get3A_509, %get3A_509 : vector<16xf32>
          %add3A_513 = arith.addf %add3A_506, %mul3A_512 : vector<16xf32>
          %get3A_514 = arith.index_cast %add3A_481 : i32 to index
          %get3A_515 = arith.constant 64 : index
          %get3A_516 = tpu.vector_load %arg9[%get3A_514, %get3A_515] {strides = array<i32>} : memref<128x128xf32, #tpu.memory_space<vmem>>, vector<16xf32>,
          %mul3A_517 = arith.mulf %get3A_516, %sub3A_25 : vector<16xf32>
          %add3A_518 = arith.addf %add3A_511, %mul3A_517 : vector<16xf32>
          %mul3A_519 = arith.mulf %get3A_516, %get3A_516 : vector<16xf32>
          %add3A_520 = arith.addf %add3A_513, %mul3A_519 : vector<16xf32>
          %get3A_521 = arith.index_cast %add3A_481 : i32 to index
          %get3A_522 = arith.constant 80 : index
          %get3A_523 = tpu.vector_load %arg9[%get3A_521, %get3A_522] {strides = array<i32>} : memref<128x128xf32, #tpu.memory_space<vmem>>, vector<16xf32>,
          %mul3A_524 = arith.mulf %get3A_523, %sub3A_30 : vector<16xf32>
          %add3A_525 = arith.addf %add3A_518, %mul3A_524 : vector<16xf32>
          %mul3A_526 = arith.mulf %get3A_523, %get3A_523 : vector<16xf32>
          %add3A_527 = arith.addf %add3A_520, %mul3A_526 : vector<16xf32>
          %get3A_528 = arith.index_cast %add3A_481 : i32 to index
          %get3A_529 = arith.constant 96 : index
          %get3A_530 = tpu.vector_load %arg9[%get3A_528, %get3A_529] {strides = array<i32>} : memref<128x128xf32, #tpu.memory_space<vmem>>, vector<16xf32>,
          %mul3A_531 = arith.mulf %get3A_530, %sub3A_35 : vector<16xf32>
          %add3A_532 = arith.addf %add3A_525, %mul3A_531 : vector<16xf32>
          %mul3A_533 = arith.mulf %get3A_530, %get3A_530 : vector<16xf32>
          %add3A_534 = arith.addf %add3A_527, %mul3A_533 : vector<16xf32>
          %get3A_535 = arith.index_cast %add3A_481 : i32 to index
          %get3A_536 = arith.constant 112 : index
          %get3A_537 = tpu.vector_load %arg9[%get3A_535, %get3A_536] {strides = array<i32>} : memref<128x128xf32, #tpu.memory_space<vmem>>, vector<16xf32>,
          %mul3A_538 = arith.mulf %get3A_537, %sub3A_40 : vector<16xf32>
          %add3A_539 = arith.addf %add3A_532, %mul3A_538 : vector<16xf32>
          %mul3A_540 = arith.mulf %get3A_537, %get3A_537 : vector<16xf32>
          %add3A_541 = arith.addf %add3A_534, %mul3A_540 : vector<16xf32>
          %reduce_sum3A_542 = arith.constant true
          %reduce_sum3A_543 = vector.broadcast %reduce_sum3A_542 : i1 to vector<16xi1>
          %reduce_sum3A_544 = tpu.scan <sum>, %add3A_539 masked %reduce_sum3A_543 : vector<16xf32>, vector<16xi1> -> vector<16xf32>
          %reduce_sum3A_545 = vector.extract %reduce_sum3A_544[15] : f32 from vector<16xf32>
          %reduce_sum3A_546 = arith.constant true
          %reduce_sum3A_547 = vector.broadcast %reduce_sum3A_546 : i1 to vector<16xi1>
          %reduce_sum3A_548 = tpu.scan <sum>, %add3A_541 masked %reduce_sum3A_547 : vector<16xf32>, vector<16xi1> -> vector<16xf32>
          %reduce_sum3A_549 = vector.extract %reduce_sum3A_548[15] : f32 from vector<16xf32>
          %eq3A_550 = vector.broadcast %add3A_478 : i32 to vector<16xi32>
          %eq3A_551 = arith.cmpi eq, %iota3A, %eq3A_550 : vector<16xi32>
          %broadcast_in_dim3A_552 = vector.broadcast %reduce_sum3A_545 : f32 to vector<16xf32>
          %select_n3A_553 = arith.select %eq3A_551, %broadcast_in_dim3A_552, %select_n3A_472 : vector<16xi1>, vector<16xf32>
          %broadcast_in_dim3A_554 = vector.broadcast %reduce_sum3A_549 : f32 to vector<16xf32>
          %select_n3A_555 = arith.select %eq3A_551, %broadcast_in_dim3A_554, %select_n3A_474 : vector<16xi1>, vector<16xf32>
          %mul3A_556 = arith.constant 4 : i32
          %mul3A_557 = arith.muli %scan3A_311, %mul3A_556 : i32
          %add3A_558 = arith.constant 3 : i32
          %add3A_559 = arith.addi %mul3A_557, %add3A_558 : i32
          %mul3A_560 = arith.constant 16 : i32
          %mul3A_561 = arith.muli %scan3A_290, %mul3A_560 : i32
          %add3A_562 = arith.addi %mul3A_561, %add3A_559 : i32
          %broadcast_in_dim3A_563 = arith.constant 0.000000e+00 : f32
          %broadcast_in_dim3A_564 = vector.broadcast %broadcast_in_dim3A_563 : f32 to vector<16xf32>
          %broadcast_in_dim3A_565 = arith.constant 0.000000e+00 : f32
          %broadcast_in_dim3A_566 = vector.broadcast %broadcast_in_dim3A_565 : f32 to vector<16xf32>
          %get3A_567 = arith.index_cast %add3A_562 : i32 to index
          %get3A_568 = arith.constant 0 : index
          %get3A_569 = tpu.vector_load %arg9[%get3A_567, %get3A_568] {strides = array<i32>} : memref<128x128xf32, #tpu.memory_space<vmem>>, vector<16xf32>,
          %mul3A_570 = arith.mulf %get3A_569, %sub3A : vector<16xf32>
          %add3A_571 = arith.addf %broadcast_in_dim3A_564, %mul3A_570 : vector<16xf32>
          %mul3A_572 = arith.mulf %get3A_569, %get3A_569 : vector<16xf32>
          %add3A_573 = arith.addf %broadcast_in_dim3A_566, %mul3A_572 : vector<16xf32>
          %get3A_574 = arith.index_cast %add3A_562 : i32 to index
          %get3A_575 = arith.constant 16 : index
          %get3A_576 = tpu.vector_load %arg9[%get3A_574, %get3A_575] {strides = array<i32>} : memref<128x128xf32, #tpu.memory_space<vmem>>, vector<16xf32>,
          %mul3A_577 = arith.mulf %get3A_576, %sub3A_10 : vector<16xf32>
          %add3A_578 = arith.addf %add3A_571, %mul3A_577 : vector<16xf32>
          %mul3A_579 = arith.mulf %get3A_576, %get3A_576 : vector<16xf32>
          %add3A_580 = arith.addf %add3A_573, %mul3A_579 : vector<16xf32>
          %get3A_581 = arith.index_cast %add3A_562 : i32 to index
          %get3A_582 = arith.constant 32 : index
          %get3A_583 = tpu.vector_load %arg9[%get3A_581, %get3A_582] {strides = array<i32>} : memref<128x128xf32, #tpu.memory_space<vmem>>, vector<16xf32>,
          %mul3A_584 = arith.mulf %get3A_583, %sub3A_15 : vector<16xf32>
          %add3A_585 = arith.addf %add3A_578, %mul3A_584 : vector<16xf32>
          %mul3A_586 = arith.mulf %get3A_583, %get3A_583 : vector<16xf32>
          %add3A_587 = arith.addf %add3A_580, %mul3A_586 : vector<16xf32>
          %get3A_588 = arith.index_cast %add3A_562 : i32 to index
          %get3A_589 = arith.constant 48 : index
          %get3A_590 = tpu.vector_load %arg9[%get3A_588, %get3A_589] {strides = array<i32>} : memref<128x128xf32, #tpu.memory_space<vmem>>, vector<16xf32>,
          %mul3A_591 = arith.mulf %get3A_590, %sub3A_20 : vector<16xf32>
          %add3A_592 = arith.addf %add3A_585, %mul3A_591 : vector<16xf32>
          %mul3A_593 = arith.mulf %get3A_590, %get3A_590 : vector<16xf32>
          %add3A_594 = arith.addf %add3A_587, %mul3A_593 : vector<16xf32>
          %get3A_595 = arith.index_cast %add3A_562 : i32 to index
          %get3A_596 = arith.constant 64 : index
          %get3A_597 = tpu.vector_load %arg9[%get3A_595, %get3A_596] {strides = array<i32>} : memref<128x128xf32, #tpu.memory_space<vmem>>, vector<16xf32>,
          %mul3A_598 = arith.mulf %get3A_597, %sub3A_25 : vector<16xf32>
          %add3A_599 = arith.addf %add3A_592, %mul3A_598 : vector<16xf32>
          %mul3A_600 = arith.mulf %get3A_597, %get3A_597 : vector<16xf32>
          %add3A_601 = arith.addf %add3A_594, %mul3A_600 : vector<16xf32>
          %get3A_602 = arith.index_cast %add3A_562 : i32 to index
          %get3A_603 = arith.constant 80 : index
          %get3A_604 = tpu.vector_load %arg9[%get3A_602, %get3A_603] {strides = array<i32>} : memref<128x128xf32, #tpu.memory_space<vmem>>, vector<16xf32>,
          %mul3A_605 = arith.mulf %get3A_604, %sub3A_30 : vector<16xf32>
          %add3A_606 = arith.addf %add3A_599, %mul3A_605 : vector<16xf32>
          %mul3A_607 = arith.mulf %get3A_604, %get3A_604 : vector<16xf32>
          %add3A_608 = arith.addf %add3A_601, %mul3A_607 : vector<16xf32>
          %get3A_609 = arith.index_cast %add3A_562 : i32 to index
          %get3A_610 = arith.constant 96 : index
          %get3A_611 = tpu.vector_load %arg9[%get3A_609, %get3A_610] {strides = array<i32>} : memref<128x128xf32, #tpu.memory_space<vmem>>, vector<16xf32>,
          %mul3A_612 = arith.mulf %get3A_611, %sub3A_35 : vector<16xf32>
          %add3A_613 = arith.addf %add3A_606, %mul3A_612 : vector<16xf32>
          %mul3A_614 = arith.mulf %get3A_611, %get3A_611 : vector<16xf32>
          %add3A_615 = arith.addf %add3A_608, %mul3A_614 : vector<16xf32>
          %get3A_616 = arith.index_cast %add3A_562 : i32 to index
          %get3A_617 = arith.constant 112 : index
          %get3A_618 = tpu.vector_load %arg9[%get3A_616, %get3A_617] {strides = array<i32>} : memref<128x128xf32, #tpu.memory_space<vmem>>, vector<16xf32>,
          %mul3A_619 = arith.mulf %get3A_618, %sub3A_40 : vector<16xf32>
          %add3A_620 = arith.addf %add3A_613, %mul3A_619 : vector<16xf32>
          %mul3A_621 = arith.mulf %get3A_618, %get3A_618 : vector<16xf32>
          %add3A_622 = arith.addf %add3A_615, %mul3A_621 : vector<16xf32>
          %reduce_sum3A_623 = arith.constant true
          %reduce_sum3A_624 = vector.broadcast %reduce_sum3A_623 : i1 to vector<16xi1>
          %reduce_sum3A_625 = tpu.scan <sum>, %add3A_620 masked %reduce_sum3A_624 : vector<16xf32>, vector<16xi1> -> vector<16xf32>
          %reduce_sum3A_626 = vector.extract %reduce_sum3A_625[15] : f32 from vector<16xf32>
          %reduce_sum3A_627 = arith.constant true
          %reduce_sum3A_628 = vector.broadcast %reduce_sum3A_627 : i1 to vector<16xi1>
          %reduce_sum3A_629 = tpu.scan <sum>, %add3A_622 masked %reduce_sum3A_628 : vector<16xf32>, vector<16xi1> -> vector<16xf32>
          %reduce_sum3A_630 = vector.extract %reduce_sum3A_629[15] : f32 from vector<16xf32>
          %eq3A_631 = vector.broadcast %add3A_559 : i32 to vector<16xi32>
          %eq3A_632 = arith.cmpi eq, %iota3A, %eq3A_631 : vector<16xi32>
          %broadcast_in_dim3A_633 = vector.broadcast %reduce_sum3A_626 : f32 to vector<16xf32>
          %select_n3A_634 = arith.select %eq3A_632, %broadcast_in_dim3A_633, %select_n3A_553 : vector<16xi1>, vector<16xf32>
          %broadcast_in_dim3A_635 = vector.broadcast %reduce_sum3A_630 : f32 to vector<16xf32>
          %select_n3A_636 = arith.select %eq3A_632, %broadcast_in_dim3A_635, %select_n3A_555 : vector<16xi1>, vector<16xf32>
          scf.yield %select_n3A_634, %select_n3A_636 : vector<16xf32>, vector<16xf32>
        }
        %scan3A_300 = arith.constant 4 : i32
        %abs3A = math.absf %scan3A_299#0 : vector<16xf32>
        %mul3A_301 = arith.mulf %scan3A_299#0, %abs3A : vector<16xf32>
        %max3A = arith.constant 1.000000e-30 : f32
        %max3A_302 = vector.broadcast %max3A : f32 to vector<16xf32>
        %max3A_303 = arith.maximumf %scan3A_299#1, %max3A_302 : vector<16xf32>
        %div3A = arith.divf %mul3A_301, %max3A_303 : vector<16xf32>
        %mul3A_304 = arith.constant 16 : i32
        %mul3A_305 = arith.muli %scan3A_290, %mul3A_304 : i32
        %add3A_306 = arith.addi %add3A_245, %mul3A_305 : i32
        %add3A_307 = vector.broadcast %add3A_306 : i32 to vector<16xi32>
        %add3A_308 = arith.addi %add3A_307, %iota3A : vector<16xi32>
        %gt3A = arith.cmpf ogt, %div3A, %scan3A_291 : vector<16xf32>
        %select_n3A_309 = arith.select %gt3A, %add3A_308, %scan3A_292 : vector<16xi1>, vector<16xi32>
        %select_n3A_310 = arith.select %gt3A, %div3A, %scan3A_291 : vector<16xi1>, vector<16xf32>
        scf.yield %select_n3A_310, %select_n3A_309 : vector<16xf32>, vector<16xi32>
      }
      %scan3A_251 = arith.constant 8 : i32
      %add3A_252 = arith.constant 2 : i32
      %add3A_253 = arith.addi %add3A_235, %add3A_252 : i32
      %mul3A_254 = arith.constant 128 : i32
      %mul3A_255 = arith.muli %add3A_253, %mul3A_254 : i32
      %add3A_256 = arith.addi %multiple_of3A, %mul3A_255 : i32
      %dma_start3A_257 = arith.constant 0 : i32
      %dma_start3A_258 = tpu.memref_slice %arg4[%add3A_256, %dma_start3A_257] : memref<100000x128xf32, #tpu.memory_space<hbm>> -> memref<128x128xf32, #tpu.memory_space<hbm>>
      %dma_start3A_259 = arith.constant 0 : i32
      %dma_start3A_260 = tpu.memref_slice %arg4[%add3A_256, %dma_start3A_259] : memref<100000x128xf32, #tpu.memory_space<hbm>> -> memref<128x128xf32, #tpu.memory_space<hbm>>
      tpu.enqueue_dma source(%dma_start3A_260 : memref<128x128xf32, #tpu.memory_space<hbm>>) target(%arg9 : memref<128x128xf32, #tpu.memory_space<vmem>>) target_semaphore(%arg13 : memref<!tpu.dma_semaphore, #tpu.memory_space<semaphore_mem>>)
      %mul3A_261 = arith.constant 2 : i32
      %mul3A_262 = arith.muli %mul3A_261, %scan3A_229 : i32
      %add3A_263 = arith.constant 1 : i32
      %add3A_264 = arith.addi %mul3A_262, %add3A_263 : i32
      %mul3A_265 = arith.constant 128 : i32
      %mul3A_266 = arith.muli %add3A_264, %mul3A_265 : i32
      %add3A_267 = arith.addi %multiple_of3A, %mul3A_266 : i32
      %dma_wait3A_268 = arith.constant 0 : i32
      %dma_wait3A_269 = tpu.memref_slice %arg4[%add3A_267, %dma_wait3A_268] : memref<100000x128xf32, #tpu.memory_space<hbm>> -> memref<128x128xf32, #tpu.memory_space<hbm>>
      %dma_wait3A_270 = arith.constant 0 : i32
      %dma_wait3A_271 = tpu.memref_slice %arg4[%add3A_267, %dma_wait3A_270] : memref<100000x128xf32, #tpu.memory_space<hbm>> -> memref<128x128xf32, #tpu.memory_space<hbm>>
      tpu.wait_dma2 semaphore(%arg14 : memref<!tpu.dma_semaphore, #tpu.memory_space<semaphore_mem>>) src(%dma_wait3A_271 : memref<128x128xf32, #tpu.memory_space<hbm>>) dst(%arg10 : memref<128x128xf32, #tpu.memory_space<vmem>>)
      %mul3A_272 = arith.constant 128 : i32
      %mul3A_273 = arith.muli %add3A_264, %mul3A_272 : i32
      %add3A_274 = arith.addi %multiple_of3A, %mul3A_273 : i32
      %scan3A_275 = arith.constant 0 : i32
      %scan3A_276 = arith.constant 8 : i32
      %scan3A_277 = arith.addi %scan3A_275, %scan3A_276 : i32
      %scan3A_278 = arith.constant 1 : i32
      %scan3A_279:2 = scf.for %scan3A_290 = %scan3A_275 to %scan3A_277 step %scan3A_278 iter_args(%scan3A_291 = %scan3A_250#0, %scan3A_292 = %scan3A_250#1) -> (vector<16xf32>, vector<16xi32>)  : i32 {
        %broadcast_in_dim3A_293 = arith.constant 0.000000e+00 : f32
        %broadcast_in_dim3A_294 = vector.broadcast %broadcast_in_dim3A_293 : f32 to vector<16xf32>
        %scan3A_295 = arith.constant 0 : i32
        %scan3A_296 = arith.constant 4 : i32
        %scan3A_297 = arith.addi %scan3A_295, %scan3A_296 : i32
        %scan3A_298 = arith.constant 1 : i32
        %scan3A_299:2 = scf.for %scan3A_311 = %scan3A_295 to %scan3A_297 step %scan3A_298 iter_args(%scan3A_312 = %broadcast_in_dim3A_294, %scan3A_313 = %broadcast_in_dim3A_294) -> (vector<16xf32>, vector<16xf32>)  : i32 {
          %mul3A_314 = arith.constant 4 : i32
          %mul3A_315 = arith.muli %scan3A_311, %mul3A_314 : i32
          %add3A_316 = arith.constant 0 : i32
          %add3A_317 = arith.addi %mul3A_315, %add3A_316 : i32
          %mul3A_318 = arith.constant 16 : i32
          %mul3A_319 = arith.muli %scan3A_290, %mul3A_318 : i32
          %add3A_320 = arith.addi %mul3A_319, %add3A_317 : i32
          %broadcast_in_dim3A_321 = arith.constant 0.000000e+00 : f32
          %broadcast_in_dim3A_322 = vector.broadcast %broadcast_in_dim3A_321 : f32 to vector<16xf32>
          %broadcast_in_dim3A_323 = arith.constant 0.000000e+00 : f32
          %broadcast_in_dim3A_324 = vector.broadcast %broadcast_in_dim3A_323 : f32 to vector<16xf32>
          %get3A_325 = arith.index_cast %add3A_320 : i32 to index
          %get3A_326 = arith.constant 0 : index
          %get3A_327 = tpu.vector_load %arg10[%get3A_325, %get3A_326] {strides = array<i32>} : memref<128x128xf32, #tpu.memory_space<vmem>>, vector<16xf32>,
          %mul3A_328 = arith.mulf %get3A_327, %sub3A : vector<16xf32>
          %add3A_329 = arith.addf %broadcast_in_dim3A_322, %mul3A_328 : vector<16xf32>
          %mul3A_330 = arith.mulf %get3A_327, %get3A_327 : vector<16xf32>
          %add3A_331 = arith.addf %broadcast_in_dim3A_324, %mul3A_330 : vector<16xf32>
          %get3A_332 = arith.index_cast %add3A_320 : i32 to index
          %get3A_333 = arith.constant 16 : index
          %get3A_334 = tpu.vector_load %arg10[%get3A_332, %get3A_333] {strides = array<i32>} : memref<128x128xf32, #tpu.memory_space<vmem>>, vector<16xf32>,
          %mul3A_335 = arith.mulf %get3A_334, %sub3A_10 : vector<16xf32>
          %add3A_336 = arith.addf %add3A_329, %mul3A_335 : vector<16xf32>
          %mul3A_337 = arith.mulf %get3A_334, %get3A_334 : vector<16xf32>
          %add3A_338 = arith.addf %add3A_331, %mul3A_337 : vector<16xf32>
          %get3A_339 = arith.index_cast %add3A_320 : i32 to index
          %get3A_340 = arith.constant 32 : index
          %get3A_341 = tpu.vector_load %arg10[%get3A_339, %get3A_340] {strides = array<i32>} : memref<128x128xf32, #tpu.memory_space<vmem>>, vector<16xf32>,
          %mul3A_342 = arith.mulf %get3A_341, %sub3A_15 : vector<16xf32>
          %add3A_343 = arith.addf %add3A_336, %mul3A_342 : vector<16xf32>
          %mul3A_344 = arith.mulf %get3A_341, %get3A_341 : vector<16xf32>
          %add3A_345 = arith.addf %add3A_338, %mul3A_344 : vector<16xf32>
          %get3A_346 = arith.index_cast %add3A_320 : i32 to index
          %get3A_347 = arith.constant 48 : index
          %get3A_348 = tpu.vector_load %arg10[%get3A_346, %get3A_347] {strides = array<i32>} : memref<128x128xf32, #tpu.memory_space<vmem>>, vector<16xf32>,
          %mul3A_349 = arith.mulf %get3A_348, %sub3A_20 : vector<16xf32>
          %add3A_350 = arith.addf %add3A_343, %mul3A_349 : vector<16xf32>
          %mul3A_351 = arith.mulf %get3A_348, %get3A_348 : vector<16xf32>
          %add3A_352 = arith.addf %add3A_345, %mul3A_351 : vector<16xf32>
          %get3A_353 = arith.index_cast %add3A_320 : i32 to index
          %get3A_354 = arith.constant 64 : index
          %get3A_355 = tpu.vector_load %arg10[%get3A_353, %get3A_354] {strides = array<i32>} : memref<128x128xf32, #tpu.memory_space<vmem>>, vector<16xf32>,
          %mul3A_356 = arith.mulf %get3A_355, %sub3A_25 : vector<16xf32>
          %add3A_357 = arith.addf %add3A_350, %mul3A_356 : vector<16xf32>
          %mul3A_358 = arith.mulf %get3A_355, %get3A_355 : vector<16xf32>
          %add3A_359 = arith.addf %add3A_352, %mul3A_358 : vector<16xf32>
          %get3A_360 = arith.index_cast %add3A_320 : i32 to index
          %get3A_361 = arith.constant 80 : index
          %get3A_362 = tpu.vector_load %arg10[%get3A_360, %get3A_361] {strides = array<i32>} : memref<128x128xf32, #tpu.memory_space<vmem>>, vector<16xf32>,
          %mul3A_363 = arith.mulf %get3A_362, %sub3A_30 : vector<16xf32>
          %add3A_364 = arith.addf %add3A_357, %mul3A_363 : vector<16xf32>
          %mul3A_365 = arith.mulf %get3A_362, %get3A_362 : vector<16xf32>
          %add3A_366 = arith.addf %add3A_359, %mul3A_365 : vector<16xf32>
          %get3A_367 = arith.index_cast %add3A_320 : i32 to index
          %get3A_368 = arith.constant 96 : index
          %get3A_369 = tpu.vector_load %arg10[%get3A_367, %get3A_368] {strides = array<i32>} : memref<128x128xf32, #tpu.memory_space<vmem>>, vector<16xf32>,
          %mul3A_370 = arith.mulf %get3A_369, %sub3A_35 : vector<16xf32>
          %add3A_371 = arith.addf %add3A_364, %mul3A_370 : vector<16xf32>
          %mul3A_372 = arith.mulf %get3A_369, %get3A_369 : vector<16xf32>
          %add3A_373 = arith.addf %add3A_366, %mul3A_372 : vector<16xf32>
          %get3A_374 = arith.index_cast %add3A_320 : i32 to index
          %get3A_375 = arith.constant 112 : index
          %get3A_376 = tpu.vector_load %arg10[%get3A_374, %get3A_375] {strides = array<i32>} : memref<128x128xf32, #tpu.memory_space<vmem>>, vector<16xf32>,
          %mul3A_377 = arith.mulf %get3A_376, %sub3A_40 : vector<16xf32>
          %add3A_378 = arith.addf %add3A_371, %mul3A_377 : vector<16xf32>
          %mul3A_379 = arith.mulf %get3A_376, %get3A_376 : vector<16xf32>
          %add3A_380 = arith.addf %add3A_373, %mul3A_379 : vector<16xf32>
          %reduce_sum3A = arith.constant true
          %reduce_sum3A_381 = vector.broadcast %reduce_sum3A : i1 to vector<16xi1>
          %reduce_sum3A_382 = tpu.scan <sum>, %add3A_378 masked %reduce_sum3A_381 : vector<16xf32>, vector<16xi1> -> vector<16xf32>
          %reduce_sum3A_383 = vector.extract %reduce_sum3A_382[15] : f32 from vector<16xf32>
          %reduce_sum3A_384 = arith.constant true
          %reduce_sum3A_385 = vector.broadcast %reduce_sum3A_384 : i1 to vector<16xi1>
          %reduce_sum3A_386 = tpu.scan <sum>, %add3A_380 masked %reduce_sum3A_385 : vector<16xf32>, vector<16xi1> -> vector<16xf32>
          %reduce_sum3A_387 = vector.extract %reduce_sum3A_386[15] : f32 from vector<16xf32>
          %eq3A_388 = vector.broadcast %add3A_317 : i32 to vector<16xi32>
          %eq3A_389 = arith.cmpi eq, %iota3A, %eq3A_388 : vector<16xi32>
          %broadcast_in_dim3A_390 = vector.broadcast %reduce_sum3A_383 : f32 to vector<16xf32>
          %select_n3A_391 = arith.select %eq3A_389, %broadcast_in_dim3A_390, %scan3A_312 : vector<16xi1>, vector<16xf32>
          %broadcast_in_dim3A_392 = vector.broadcast %reduce_sum3A_387 : f32 to vector<16xf32>
          %select_n3A_393 = arith.select %eq3A_389, %broadcast_in_dim3A_392, %scan3A_313 : vector<16xi1>, vector<16xf32>
          %mul3A_394 = arith.constant 4 : i32
          %mul3A_395 = arith.muli %scan3A_311, %mul3A_394 : i32
          %add3A_396 = arith.constant 1 : i32
          %add3A_397 = arith.addi %mul3A_395, %add3A_396 : i32
          %mul3A_398 = arith.constant 16 : i32
          %mul3A_399 = arith.muli %scan3A_290, %mul3A_398 : i32
          %add3A_400 = arith.addi %mul3A_399, %add3A_397 : i32
          %broadcast_in_dim3A_401 = arith.constant 0.000000e+00 : f32
          %broadcast_in_dim3A_402 = vector.broadcast %broadcast_in_dim3A_401 : f32 to vector<16xf32>
          %broadcast_in_dim3A_403 = arith.constant 0.000000e+00 : f32
          %broadcast_in_dim3A_404 = vector.broadcast %broadcast_in_dim3A_403 : f32 to vector<16xf32>
          %get3A_405 = arith.index_cast %add3A_400 : i32 to index
          %get3A_406 = arith.constant 0 : index
          %get3A_407 = tpu.vector_load %arg10[%get3A_405, %get3A_406] {strides = array<i32>} : memref<128x128xf32, #tpu.memory_space<vmem>>, vector<16xf32>,
          %mul3A_408 = arith.mulf %get3A_407, %sub3A : vector<16xf32>
          %add3A_409 = arith.addf %broadcast_in_dim3A_402, %mul3A_408 : vector<16xf32>
          %mul3A_410 = arith.mulf %get3A_407, %get3A_407 : vector<16xf32>
          %add3A_411 = arith.addf %broadcast_in_dim3A_404, %mul3A_410 : vector<16xf32>
          %get3A_412 = arith.index_cast %add3A_400 : i32 to index
          %get3A_413 = arith.constant 16 : index
          %get3A_414 = tpu.vector_load %arg10[%get3A_412, %get3A_413] {strides = array<i32>} : memref<128x128xf32, #tpu.memory_space<vmem>>, vector<16xf32>,
          %mul3A_415 = arith.mulf %get3A_414, %sub3A_10 : vector<16xf32>
          %add3A_416 = arith.addf %add3A_409, %mul3A_415 : vector<16xf32>
          %mul3A_417 = arith.mulf %get3A_414, %get3A_414 : vector<16xf32>
          %add3A_418 = arith.addf %add3A_411, %mul3A_417 : vector<16xf32>
          %get3A_419 = arith.index_cast %add3A_400 : i32 to index
          %get3A_420 = arith.constant 32 : index
          %get3A_421 = tpu.vector_load %arg10[%get3A_419, %get3A_420] {strides = array<i32>} : memref<128x128xf32, #tpu.memory_space<vmem>>, vector<16xf32>,
          %mul3A_422 = arith.mulf %get3A_421, %sub3A_15 : vector<16xf32>
          %add3A_423 = arith.addf %add3A_416, %mul3A_422 : vector<16xf32>
          %mul3A_424 = arith.mulf %get3A_421, %get3A_421 : vector<16xf32>
          %add3A_425 = arith.addf %add3A_418, %mul3A_424 : vector<16xf32>
          %get3A_426 = arith.index_cast %add3A_400 : i32 to index
          %get3A_427 = arith.constant 48 : index
          %get3A_428 = tpu.vector_load %arg10[%get3A_426, %get3A_427] {strides = array<i32>} : memref<128x128xf32, #tpu.memory_space<vmem>>, vector<16xf32>,
          %mul3A_429 = arith.mulf %get3A_428, %sub3A_20 : vector<16xf32>
          %add3A_430 = arith.addf %add3A_423, %mul3A_429 : vector<16xf32>
          %mul3A_431 = arith.mulf %get3A_428, %get3A_428 : vector<16xf32>
          %add3A_432 = arith.addf %add3A_425, %mul3A_431 : vector<16xf32>
          %get3A_433 = arith.index_cast %add3A_400 : i32 to index
          %get3A_434 = arith.constant 64 : index
          %get3A_435 = tpu.vector_load %arg10[%get3A_433, %get3A_434] {strides = array<i32>} : memref<128x128xf32, #tpu.memory_space<vmem>>, vector<16xf32>,
          %mul3A_436 = arith.mulf %get3A_435, %sub3A_25 : vector<16xf32>
          %add3A_437 = arith.addf %add3A_430, %mul3A_436 : vector<16xf32>
          %mul3A_438 = arith.mulf %get3A_435, %get3A_435 : vector<16xf32>
          %add3A_439 = arith.addf %add3A_432, %mul3A_438 : vector<16xf32>
          %get3A_440 = arith.index_cast %add3A_400 : i32 to index
          %get3A_441 = arith.constant 80 : index
          %get3A_442 = tpu.vector_load %arg10[%get3A_440, %get3A_441] {strides = array<i32>} : memref<128x128xf32, #tpu.memory_space<vmem>>, vector<16xf32>,
          %mul3A_443 = arith.mulf %get3A_442, %sub3A_30 : vector<16xf32>
          %add3A_444 = arith.addf %add3A_437, %mul3A_443 : vector<16xf32>
          %mul3A_445 = arith.mulf %get3A_442, %get3A_442 : vector<16xf32>
          %add3A_446 = arith.addf %add3A_439, %mul3A_445 : vector<16xf32>
          %get3A_447 = arith.index_cast %add3A_400 : i32 to index
          %get3A_448 = arith.constant 96 : index
          %get3A_449 = tpu.vector_load %arg10[%get3A_447, %get3A_448] {strides = array<i32>} : memref<128x128xf32, #tpu.memory_space<vmem>>, vector<16xf32>,
          %mul3A_450 = arith.mulf %get3A_449, %sub3A_35 : vector<16xf32>
          %add3A_451 = arith.addf %add3A_444, %mul3A_450 : vector<16xf32>
          %mul3A_452 = arith.mulf %get3A_449, %get3A_449 : vector<16xf32>
          %add3A_453 = arith.addf %add3A_446, %mul3A_452 : vector<16xf32>
          %get3A_454 = arith.index_cast %add3A_400 : i32 to index
          %get3A_455 = arith.constant 112 : index
          %get3A_456 = tpu.vector_load %arg10[%get3A_454, %get3A_455] {strides = array<i32>} : memref<128x128xf32, #tpu.memory_space<vmem>>, vector<16xf32>,
          %mul3A_457 = arith.mulf %get3A_456, %sub3A_40 : vector<16xf32>
          %add3A_458 = arith.addf %add3A_451, %mul3A_457 : vector<16xf32>
          %mul3A_459 = arith.mulf %get3A_456, %get3A_456 : vector<16xf32>
          %add3A_460 = arith.addf %add3A_453, %mul3A_459 : vector<16xf32>
          %reduce_sum3A_461 = arith.constant true
          %reduce_sum3A_462 = vector.broadcast %reduce_sum3A_461 : i1 to vector<16xi1>
          %reduce_sum3A_463 = tpu.scan <sum>, %add3A_458 masked %reduce_sum3A_462 : vector<16xf32>, vector<16xi1> -> vector<16xf32>
          %reduce_sum3A_464 = vector.extract %reduce_sum3A_463[15] : f32 from vector<16xf32>
          %reduce_sum3A_465 = arith.constant true
          %reduce_sum3A_466 = vector.broadcast %reduce_sum3A_465 : i1 to vector<16xi1>
          %reduce_sum3A_467 = tpu.scan <sum>, %add3A_460 masked %reduce_sum3A_466 : vector<16xf32>, vector<16xi1> -> vector<16xf32>
          %reduce_sum3A_468 = vector.extract %reduce_sum3A_467[15] : f32 from vector<16xf32>
          %eq3A_469 = vector.broadcast %add3A_397 : i32 to vector<16xi32>
          %eq3A_470 = arith.cmpi eq, %iota3A, %eq3A_469 : vector<16xi32>
          %broadcast_in_dim3A_471 = vector.broadcast %reduce_sum3A_464 : f32 to vector<16xf32>
          %select_n3A_472 = arith.select %eq3A_470, %broadcast_in_dim3A_471, %select_n3A_391 : vector<16xi1>, vector<16xf32>
          %broadcast_in_dim3A_473 = vector.broadcast %reduce_sum3A_468 : f32 to vector<16xf32>
          %select_n3A_474 = arith.select %eq3A_470, %broadcast_in_dim3A_473, %select_n3A_393 : vector<16xi1>, vector<16xf32>
          %mul3A_475 = arith.constant 4 : i32
          %mul3A_476 = arith.muli %scan3A_311, %mul3A_475 : i32
          %add3A_477 = arith.constant 2 : i32
          %add3A_478 = arith.addi %mul3A_476, %add3A_477 : i32
          %mul3A_479 = arith.constant 16 : i32
          %mul3A_480 = arith.muli %scan3A_290, %mul3A_479 : i32
          %add3A_481 = arith.addi %mul3A_480, %add3A_478 : i32
          %broadcast_in_dim3A_482 = arith.constant 0.000000e+00 : f32
          %broadcast_in_dim3A_483 = vector.broadcast %broadcast_in_dim3A_482 : f32 to vector<16xf32>
          %broadcast_in_dim3A_484 = arith.constant 0.000000e+00 : f32
          %broadcast_in_dim3A_485 = vector.broadcast %broadcast_in_dim3A_484 : f32 to vector<16xf32>
          %get3A_486 = arith.index_cast %add3A_481 : i32 to index
          %get3A_487 = arith.constant 0 : index
          %get3A_488 = tpu.vector_load %arg10[%get3A_486, %get3A_487] {strides = array<i32>} : memref<128x128xf32, #tpu.memory_space<vmem>>, vector<16xf32>,
          %mul3A_489 = arith.mulf %get3A_488, %sub3A : vector<16xf32>
          %add3A_490 = arith.addf %broadcast_in_dim3A_483, %mul3A_489 : vector<16xf32>
          %mul3A_491 = arith.mulf %get3A_488, %get3A_488 : vector<16xf32>
          %add3A_492 = arith.addf %broadcast_in_dim3A_485, %mul3A_491 : vector<16xf32>
          %get3A_493 = arith.index_cast %add3A_481 : i32 to index
          %get3A_494 = arith.constant 16 : index
          %get3A_495 = tpu.vector_load %arg10[%get3A_493, %get3A_494] {strides = array<i32>} : memref<128x128xf32, #tpu.memory_space<vmem>>, vector<16xf32>,
          %mul3A_496 = arith.mulf %get3A_495, %sub3A_10 : vector<16xf32>
          %add3A_497 = arith.addf %add3A_490, %mul3A_496 : vector<16xf32>
          %mul3A_498 = arith.mulf %get3A_495, %get3A_495 : vector<16xf32>
          %add3A_499 = arith.addf %add3A_492, %mul3A_498 : vector<16xf32>
          %get3A_500 = arith.index_cast %add3A_481 : i32 to index
          %get3A_501 = arith.constant 32 : index
          %get3A_502 = tpu.vector_load %arg10[%get3A_500, %get3A_501] {strides = array<i32>} : memref<128x128xf32, #tpu.memory_space<vmem>>, vector<16xf32>,
          %mul3A_503 = arith.mulf %get3A_502, %sub3A_15 : vector<16xf32>
          %add3A_504 = arith.addf %add3A_497, %mul3A_503 : vector<16xf32>
          %mul3A_505 = arith.mulf %get3A_502, %get3A_502 : vector<16xf32>
          %add3A_506 = arith.addf %add3A_499, %mul3A_505 : vector<16xf32>
          %get3A_507 = arith.index_cast %add3A_481 : i32 to index
          %get3A_508 = arith.constant 48 : index
          %get3A_509 = tpu.vector_load %arg10[%get3A_507, %get3A_508] {strides = array<i32>} : memref<128x128xf32, #tpu.memory_space<vmem>>, vector<16xf32>,
          %mul3A_510 = arith.mulf %get3A_509, %sub3A_20 : vector<16xf32>
          %add3A_511 = arith.addf %add3A_504, %mul3A_510 : vector<16xf32>
          %mul3A_512 = arith.mulf %get3A_509, %get3A_509 : vector<16xf32>
          %add3A_513 = arith.addf %add3A_506, %mul3A_512 : vector<16xf32>
          %get3A_514 = arith.index_cast %add3A_481 : i32 to index
          %get3A_515 = arith.constant 64 : index
          %get3A_516 = tpu.vector_load %arg10[%get3A_514, %get3A_515] {strides = array<i32>} : memref<128x128xf32, #tpu.memory_space<vmem>>, vector<16xf32>,
          %mul3A_517 = arith.mulf %get3A_516, %sub3A_25 : vector<16xf32>
          %add3A_518 = arith.addf %add3A_511, %mul3A_517 : vector<16xf32>
          %mul3A_519 = arith.mulf %get3A_516, %get3A_516 : vector<16xf32>
          %add3A_520 = arith.addf %add3A_513, %mul3A_519 : vector<16xf32>
          %get3A_521 = arith.index_cast %add3A_481 : i32 to index
          %get3A_522 = arith.constant 80 : index
          %get3A_523 = tpu.vector_load %arg10[%get3A_521, %get3A_522] {strides = array<i32>} : memref<128x128xf32, #tpu.memory_space<vmem>>, vector<16xf32>,
          %mul3A_524 = arith.mulf %get3A_523, %sub3A_30 : vector<16xf32>
          %add3A_525 = arith.addf %add3A_518, %mul3A_524 : vector<16xf32>
          %mul3A_526 = arith.mulf %get3A_523, %get3A_523 : vector<16xf32>
          %add3A_527 = arith.addf %add3A_520, %mul3A_526 : vector<16xf32>
          %get3A_528 = arith.index_cast %add3A_481 : i32 to index
          %get3A_529 = arith.constant 96 : index
          %get3A_530 = tpu.vector_load %arg10[%get3A_528, %get3A_529] {strides = array<i32>} : memref<128x128xf32, #tpu.memory_space<vmem>>, vector<16xf32>,
          %mul3A_531 = arith.mulf %get3A_530, %sub3A_35 : vector<16xf32>
          %add3A_532 = arith.addf %add3A_525, %mul3A_531 : vector<16xf32>
          %mul3A_533 = arith.mulf %get3A_530, %get3A_530 : vector<16xf32>
          %add3A_534 = arith.addf %add3A_527, %mul3A_533 : vector<16xf32>
          %get3A_535 = arith.index_cast %add3A_481 : i32 to index
          %get3A_536 = arith.constant 112 : index
          %get3A_537 = tpu.vector_load %arg10[%get3A_535, %get3A_536] {strides = array<i32>} : memref<128x128xf32, #tpu.memory_space<vmem>>, vector<16xf32>,
          %mul3A_538 = arith.mulf %get3A_537, %sub3A_40 : vector<16xf32>
          %add3A_539 = arith.addf %add3A_532, %mul3A_538 : vector<16xf32>
          %mul3A_540 = arith.mulf %get3A_537, %get3A_537 : vector<16xf32>
          %add3A_541 = arith.addf %add3A_534, %mul3A_540 : vector<16xf32>
          %reduce_sum3A_542 = arith.constant true
          %reduce_sum3A_543 = vector.broadcast %reduce_sum3A_542 : i1 to vector<16xi1>
          %reduce_sum3A_544 = tpu.scan <sum>, %add3A_539 masked %reduce_sum3A_543 : vector<16xf32>, vector<16xi1> -> vector<16xf32>
          %reduce_sum3A_545 = vector.extract %reduce_sum3A_544[15] : f32 from vector<16xf32>
          %reduce_sum3A_546 = arith.constant true
          %reduce_sum3A_547 = vector.broadcast %reduce_sum3A_546 : i1 to vector<16xi1>
          %reduce_sum3A_548 = tpu.scan <sum>, %add3A_541 masked %reduce_sum3A_547 : vector<16xf32>, vector<16xi1> -> vector<16xf32>
          %reduce_sum3A_549 = vector.extract %reduce_sum3A_548[15] : f32 from vector<16xf32>
          %eq3A_550 = vector.broadcast %add3A_478 : i32 to vector<16xi32>
          %eq3A_551 = arith.cmpi eq, %iota3A, %eq3A_550 : vector<16xi32>
          %broadcast_in_dim3A_552 = vector.broadcast %reduce_sum3A_545 : f32 to vector<16xf32>
          %select_n3A_553 = arith.select %eq3A_551, %broadcast_in_dim3A_552, %select_n3A_472 : vector<16xi1>, vector<16xf32>
          %broadcast_in_dim3A_554 = vector.broadcast %reduce_sum3A_549 : f32 to vector<16xf32>
          %select_n3A_555 = arith.select %eq3A_551, %broadcast_in_dim3A_554, %select_n3A_474 : vector<16xi1>, vector<16xf32>
          %mul3A_556 = arith.constant 4 : i32
          %mul3A_557 = arith.muli %scan3A_311, %mul3A_556 : i32
          %add3A_558 = arith.constant 3 : i32
          %add3A_559 = arith.addi %mul3A_557, %add3A_558 : i32
          %mul3A_560 = arith.constant 16 : i32
          %mul3A_561 = arith.muli %scan3A_290, %mul3A_560 : i32
          %add3A_562 = arith.addi %mul3A_561, %add3A_559 : i32
          %broadcast_in_dim3A_563 = arith.constant 0.000000e+00 : f32
          %broadcast_in_dim3A_564 = vector.broadcast %broadcast_in_dim3A_563 : f32 to vector<16xf32>
          %broadcast_in_dim3A_565 = arith.constant 0.000000e+00 : f32
          %broadcast_in_dim3A_566 = vector.broadcast %broadcast_in_dim3A_565 : f32 to vector<16xf32>
          %get3A_567 = arith.index_cast %add3A_562 : i32 to index
          %get3A_568 = arith.constant 0 : index
          %get3A_569 = tpu.vector_load %arg10[%get3A_567, %get3A_568] {strides = array<i32>} : memref<128x128xf32, #tpu.memory_space<vmem>>, vector<16xf32>,
          %mul3A_570 = arith.mulf %get3A_569, %sub3A : vector<16xf32>
          %add3A_571 = arith.addf %broadcast_in_dim3A_564, %mul3A_570 : vector<16xf32>
          %mul3A_572 = arith.mulf %get3A_569, %get3A_569 : vector<16xf32>
          %add3A_573 = arith.addf %broadcast_in_dim3A_566, %mul3A_572 : vector<16xf32>
          %get3A_574 = arith.index_cast %add3A_562 : i32 to index
          %get3A_575 = arith.constant 16 : index
          %get3A_576 = tpu.vector_load %arg10[%get3A_574, %get3A_575] {strides = array<i32>} : memref<128x128xf32, #tpu.memory_space<vmem>>, vector<16xf32>,
          %mul3A_577 = arith.mulf %get3A_576, %sub3A_10 : vector<16xf32>
          %add3A_578 = arith.addf %add3A_571, %mul3A_577 : vector<16xf32>
          %mul3A_579 = arith.mulf %get3A_576, %get3A_576 : vector<16xf32>
          %add3A_580 = arith.addf %add3A_573, %mul3A_579 : vector<16xf32>
          %get3A_581 = arith.index_cast %add3A_562 : i32 to index
          %get3A_582 = arith.constant 32 : index
          %get3A_583 = tpu.vector_load %arg10[%get3A_581, %get3A_582] {strides = array<i32>} : memref<128x128xf32, #tpu.memory_space<vmem>>, vector<16xf32>,
          %mul3A_584 = arith.mulf %get3A_583, %sub3A_15 : vector<16xf32>
          %add3A_585 = arith.addf %add3A_578, %mul3A_584 : vector<16xf32>
          %mul3A_586 = arith.mulf %get3A_583, %get3A_583 : vector<16xf32>
          %add3A_587 = arith.addf %add3A_580, %mul3A_586 : vector<16xf32>
          %get3A_588 = arith.index_cast %add3A_562 : i32 to index
          %get3A_589 = arith.constant 48 : index
          %get3A_590 = tpu.vector_load %arg10[%get3A_588, %get3A_589] {strides = array<i32>} : memref<128x128xf32, #tpu.memory_space<vmem>>, vector<16xf32>,
          %mul3A_591 = arith.mulf %get3A_590, %sub3A_20 : vector<16xf32>
          %add3A_592 = arith.addf %add3A_585, %mul3A_591 : vector<16xf32>
          %mul3A_593 = arith.mulf %get3A_590, %get3A_590 : vector<16xf32>
          %add3A_594 = arith.addf %add3A_587, %mul3A_593 : vector<16xf32>
          %get3A_595 = arith.index_cast %add3A_562 : i32 to index
          %get3A_596 = arith.constant 64 : index
          %get3A_597 = tpu.vector_load %arg10[%get3A_595, %get3A_596] {strides = array<i32>} : memref<128x128xf32, #tpu.memory_space<vmem>>, vector<16xf32>,
          %mul3A_598 = arith.mulf %get3A_597, %sub3A_25 : vector<16xf32>
          %add3A_599 = arith.addf %add3A_592, %mul3A_598 : vector<16xf32>
          %mul3A_600 = arith.mulf %get3A_597, %get3A_597 : vector<16xf32>
          %add3A_601 = arith.addf %add3A_594, %mul3A_600 : vector<16xf32>
          %get3A_602 = arith.index_cast %add3A_562 : i32 to index
          %get3A_603 = arith.constant 80 : index
          %get3A_604 = tpu.vector_load %arg10[%get3A_602, %get3A_603] {strides = array<i32>} : memref<128x128xf32, #tpu.memory_space<vmem>>, vector<16xf32>,
          %mul3A_605 = arith.mulf %get3A_604, %sub3A_30 : vector<16xf32>
          %add3A_606 = arith.addf %add3A_599, %mul3A_605 : vector<16xf32>
          %mul3A_607 = arith.mulf %get3A_604, %get3A_604 : vector<16xf32>
          %add3A_608 = arith.addf %add3A_601, %mul3A_607 : vector<16xf32>
          %get3A_609 = arith.index_cast %add3A_562 : i32 to index
          %get3A_610 = arith.constant 96 : index
          %get3A_611 = tpu.vector_load %arg10[%get3A_609, %get3A_610] {strides = array<i32>} : memref<128x128xf32, #tpu.memory_space<vmem>>, vector<16xf32>,
          %mul3A_612 = arith.mulf %get3A_611, %sub3A_35 : vector<16xf32>
          %add3A_613 = arith.addf %add3A_606, %mul3A_612 : vector<16xf32>
          %mul3A_614 = arith.mulf %get3A_611, %get3A_611 : vector<16xf32>
          %add3A_615 = arith.addf %add3A_608, %mul3A_614 : vector<16xf32>
          %get3A_616 = arith.index_cast %add3A_562 : i32 to index
          %get3A_617 = arith.constant 112 : index
          %get3A_618 = tpu.vector_load %arg10[%get3A_616, %get3A_617] {strides = array<i32>} : memref<128x128xf32, #tpu.memory_space<vmem>>, vector<16xf32>,
          %mul3A_619 = arith.mulf %get3A_618, %sub3A_40 : vector<16xf32>
          %add3A_620 = arith.addf %add3A_613, %mul3A_619 : vector<16xf32>
          %mul3A_621 = arith.mulf %get3A_618, %get3A_618 : vector<16xf32>
          %add3A_622 = arith.addf %add3A_615, %mul3A_621 : vector<16xf32>
          %reduce_sum3A_623 = arith.constant true
          %reduce_sum3A_624 = vector.broadcast %reduce_sum3A_623 : i1 to vector<16xi1>
          %reduce_sum3A_625 = tpu.scan <sum>, %add3A_620 masked %reduce_sum3A_624 : vector<16xf32>, vector<16xi1> -> vector<16xf32>
          %reduce_sum3A_626 = vector.extract %reduce_sum3A_625[15] : f32 from vector<16xf32>
          %reduce_sum3A_627 = arith.constant true
          %reduce_sum3A_628 = vector.broadcast %reduce_sum3A_627 : i1 to vector<16xi1>
          %reduce_sum3A_629 = tpu.scan <sum>, %add3A_622 masked %reduce_sum3A_628 : vector<16xf32>, vector<16xi1> -> vector<16xf32>
          %reduce_sum3A_630 = vector.extract %reduce_sum3A_629[15] : f32 from vector<16xf32>
          %eq3A_631 = vector.broadcast %add3A_559 : i32 to vector<16xi32>
          %eq3A_632 = arith.cmpi eq, %iota3A, %eq3A_631 : vector<16xi32>
          %broadcast_in_dim3A_633 = vector.broadcast %reduce_sum3A_626 : f32 to vector<16xf32>
          %select_n3A_634 = arith.select %eq3A_632, %broadcast_in_dim3A_633, %select_n3A_553 : vector<16xi1>, vector<16xf32>
          %broadcast_in_dim3A_635 = vector.broadcast %reduce_sum3A_630 : f32 to vector<16xf32>
          %select_n3A_636 = arith.select %eq3A_632, %broadcast_in_dim3A_635, %select_n3A_555 : vector<16xi1>, vector<16xf32>
          scf.yield %select_n3A_634, %select_n3A_636 : vector<16xf32>, vector<16xf32>
        }
        %scan3A_300 = arith.constant 4 : i32
        %abs3A = math.absf %scan3A_299#0 : vector<16xf32>
        %mul3A_301 = arith.mulf %scan3A_299#0, %abs3A : vector<16xf32>
        %max3A = arith.constant 1.000000e-30 : f32
        %max3A_302 = vector.broadcast %max3A : f32 to vector<16xf32>
        %max3A_303 = arith.maximumf %scan3A_299#1, %max3A_302 : vector<16xf32>
        %div3A = arith.divf %mul3A_301, %max3A_303 : vector<16xf32>
        %mul3A_304 = arith.constant 16 : i32
        %mul3A_305 = arith.muli %scan3A_290, %mul3A_304 : i32
        %add3A_306 = arith.addi %add3A_274, %mul3A_305 : i32
        %add3A_307 = vector.broadcast %add3A_306 : i32 to vector<16xi32>
        %add3A_308 = arith.addi %add3A_307, %iota3A : vector<16xi32>
        %gt3A = arith.cmpf ogt, %div3A, %scan3A_291 : vector<16xf32>
        %select_n3A_309 = arith.select %gt3A, %add3A_308, %scan3A_292 : vector<16xi1>, vector<16xi32>
        %select_n3A_310 = arith.select %gt3A, %div3A, %scan3A_291 : vector<16xi1>, vector<16xf32>
        scf.yield %select_n3A_310, %select_n3A_309 : vector<16xf32>, vector<16xi32>
      }
      %scan3A_280 = arith.constant 8 : i32
      %add3A_281 = arith.constant 2 : i32
      %add3A_282 = arith.addi %add3A_264, %add3A_281 : i32
      %mul3A_283 = arith.constant 128 : i32
      %mul3A_284 = arith.muli %add3A_282, %mul3A_283 : i32
      %add3A_285 = arith.addi %multiple_of3A, %mul3A_284 : i32
      %dma_start3A_286 = arith.constant 0 : i32
      %dma_start3A_287 = tpu.memref_slice %arg4[%add3A_285, %dma_start3A_286] : memref<100000x128xf32, #tpu.memory_space<hbm>> -> memref<128x128xf32, #tpu.memory_space<hbm>>
      %dma_start3A_288 = arith.constant 0 : i32
      %dma_start3A_289 = tpu.memref_slice %arg4[%add3A_285, %dma_start3A_288] : memref<100000x128xf32, #tpu.memory_space<hbm>> -> memref<128x128xf32, #tpu.memory_space<hbm>>
      tpu.enqueue_dma source(%dma_start3A_289 : memref<128x128xf32, #tpu.memory_space<hbm>>) target(%arg10 : memref<128x128xf32, #tpu.memory_space<vmem>>) target_semaphore(%arg14 : memref<!tpu.dma_semaphore, #tpu.memory_space<semaphore_mem>>)
      scf.yield %scan3A_279#0, %scan3A_279#1 : vector<16xf32>, vector<16xi32>
    }
    %scan3A_59 = arith.constant 6 : i32
    %add3A_60 = arith.constant 1536 : i32
    %add3A_61 = arith.addi %multiple_of3A, %add3A_60 : i32
    %dma_wait3A = arith.constant 0 : i32
    %dma_wait3A_62 = tpu.memref_slice %arg4[%add3A_61, %dma_wait3A] : memref<100000x128xf32, #tpu.memory_space<hbm>> -> memref<128x128xf32, #tpu.memory_space<hbm>>
    %dma_wait3A_63 = arith.constant 0 : i32
    %dma_wait3A_64 = tpu.memref_slice %arg4[%add3A_61, %dma_wait3A_63] : memref<100000x128xf32, #tpu.memory_space<hbm>> -> memref<128x128xf32, #tpu.memory_space<hbm>>
    tpu.wait_dma2 semaphore(%arg13 : memref<!tpu.dma_semaphore, #tpu.memory_space<semaphore_mem>>) src(%dma_wait3A_64 : memref<128x128xf32, #tpu.memory_space<hbm>>) dst(%arg9 : memref<128x128xf32, #tpu.memory_space<vmem>>)
    %add3A_65 = arith.constant 1536 : i32
    %add3A_66 = arith.addi %multiple_of3A, %add3A_65 : i32
    %scan3A_67 = arith.constant 0 : i32
    %scan3A_68 = arith.constant 8 : i32
    %scan3A_69 = arith.addi %scan3A_67, %scan3A_68 : i32
    %scan3A_70 = arith.constant 1 : i32
    %scan3A_71:2 = scf.for %scan3A_229 = %scan3A_67 to %scan3A_69 step %scan3A_70 iter_args(%scan3A_230 = %scan3A_58#0, %scan3A_231 = %scan3A_58#1) -> (vector<16xf32>, vector<16xi32>)  : i32 {
      %broadcast_in_dim3A_232 = arith.constant 0.000000e+00 : f32
      %broadcast_in_dim3A_233 = vector.broadcast %broadcast_in_dim3A_232 : f32 to vector<16xf32>
      %scan3A_234 = arith.constant 0 : i32
      %scan3A_235 = arith.constant 4 : i32
      %scan3A_236 = arith.addi %scan3A_234, %scan3A_235 : i32
      %scan3A_237 = arith.constant 1 : i32
      %scan3A_238:2 = scf.for %scan3A_250 = %scan3A_234 to %scan3A_236 step %scan3A_237 iter_args(%scan3A_251 = %broadcast_in_dim3A_233, %scan3A_252 = %broadcast_in_dim3A_233) -> (vector<16xf32>, vector<16xf32>)  : i32 {
        %mul3A_253 = arith.constant 4 : i32
        %mul3A_254 = arith.muli %scan3A_250, %mul3A_253 : i32
        %add3A_255 = arith.constant 0 : i32
        %add3A_256 = arith.addi %mul3A_254, %add3A_255 : i32
        %mul3A_257 = arith.constant 16 : i32
        %mul3A_258 = arith.muli %scan3A_229, %mul3A_257 : i32
        %add3A_259 = arith.addi %mul3A_258, %add3A_256 : i32
        %broadcast_in_dim3A_260 = arith.constant 0.000000e+00 : f32
        %broadcast_in_dim3A_261 = vector.broadcast %broadcast_in_dim3A_260 : f32 to vector<16xf32>
        %broadcast_in_dim3A_262 = arith.constant 0.000000e+00 : f32
        %broadcast_in_dim3A_263 = vector.broadcast %broadcast_in_dim3A_262 : f32 to vector<16xf32>
        %get3A_264 = arith.index_cast %add3A_259 : i32 to index
        %get3A_265 = arith.constant 0 : index
        %get3A_266 = tpu.vector_load %arg9[%get3A_264, %get3A_265] {strides = array<i32>} : memref<128x128xf32, #tpu.memory_space<vmem>>, vector<16xf32>,
        %mul3A_267 = arith.mulf %get3A_266, %sub3A : vector<16xf32>
        %add3A_268 = arith.addf %broadcast_in_dim3A_261, %mul3A_267 : vector<16xf32>
        %mul3A_269 = arith.mulf %get3A_266, %get3A_266 : vector<16xf32>
        %add3A_270 = arith.addf %broadcast_in_dim3A_263, %mul3A_269 : vector<16xf32>
        %get3A_271 = arith.index_cast %add3A_259 : i32 to index
        %get3A_272 = arith.constant 16 : index
        %get3A_273 = tpu.vector_load %arg9[%get3A_271, %get3A_272] {strides = array<i32>} : memref<128x128xf32, #tpu.memory_space<vmem>>, vector<16xf32>,
        %mul3A_274 = arith.mulf %get3A_273, %sub3A_10 : vector<16xf32>
        %add3A_275 = arith.addf %add3A_268, %mul3A_274 : vector<16xf32>
        %mul3A_276 = arith.mulf %get3A_273, %get3A_273 : vector<16xf32>
        %add3A_277 = arith.addf %add3A_270, %mul3A_276 : vector<16xf32>
        %get3A_278 = arith.index_cast %add3A_259 : i32 to index
        %get3A_279 = arith.constant 32 : index
        %get3A_280 = tpu.vector_load %arg9[%get3A_278, %get3A_279] {strides = array<i32>} : memref<128x128xf32, #tpu.memory_space<vmem>>, vector<16xf32>,
        %mul3A_281 = arith.mulf %get3A_280, %sub3A_15 : vector<16xf32>
        %add3A_282 = arith.addf %add3A_275, %mul3A_281 : vector<16xf32>
        %mul3A_283 = arith.mulf %get3A_280, %get3A_280 : vector<16xf32>
        %add3A_284 = arith.addf %add3A_277, %mul3A_283 : vector<16xf32>
        %get3A_285 = arith.index_cast %add3A_259 : i32 to index
        %get3A_286 = arith.constant 48 : index
        %get3A_287 = tpu.vector_load %arg9[%get3A_285, %get3A_286] {strides = array<i32>} : memref<128x128xf32, #tpu.memory_space<vmem>>, vector<16xf32>,
        %mul3A_288 = arith.mulf %get3A_287, %sub3A_20 : vector<16xf32>
        %add3A_289 = arith.addf %add3A_282, %mul3A_288 : vector<16xf32>
        %mul3A_290 = arith.mulf %get3A_287, %get3A_287 : vector<16xf32>
        %add3A_291 = arith.addf %add3A_284, %mul3A_290 : vector<16xf32>
        %get3A_292 = arith.index_cast %add3A_259 : i32 to index
        %get3A_293 = arith.constant 64 : index
        %get3A_294 = tpu.vector_load %arg9[%get3A_292, %get3A_293] {strides = array<i32>} : memref<128x128xf32, #tpu.memory_space<vmem>>, vector<16xf32>,
        %mul3A_295 = arith.mulf %get3A_294, %sub3A_25 : vector<16xf32>
        %add3A_296 = arith.addf %add3A_289, %mul3A_295 : vector<16xf32>
        %mul3A_297 = arith.mulf %get3A_294, %get3A_294 : vector<16xf32>
        %add3A_298 = arith.addf %add3A_291, %mul3A_297 : vector<16xf32>
        %get3A_299 = arith.index_cast %add3A_259 : i32 to index
        %get3A_300 = arith.constant 80 : index
        %get3A_301 = tpu.vector_load %arg9[%get3A_299, %get3A_300] {strides = array<i32>} : memref<128x128xf32, #tpu.memory_space<vmem>>, vector<16xf32>,
        %mul3A_302 = arith.mulf %get3A_301, %sub3A_30 : vector<16xf32>
        %add3A_303 = arith.addf %add3A_296, %mul3A_302 : vector<16xf32>
        %mul3A_304 = arith.mulf %get3A_301, %get3A_301 : vector<16xf32>
        %add3A_305 = arith.addf %add3A_298, %mul3A_304 : vector<16xf32>
        %get3A_306 = arith.index_cast %add3A_259 : i32 to index
        %get3A_307 = arith.constant 96 : index
        %get3A_308 = tpu.vector_load %arg9[%get3A_306, %get3A_307] {strides = array<i32>} : memref<128x128xf32, #tpu.memory_space<vmem>>, vector<16xf32>,
        %mul3A_309 = arith.mulf %get3A_308, %sub3A_35 : vector<16xf32>
        %add3A_310 = arith.addf %add3A_303, %mul3A_309 : vector<16xf32>
        %mul3A_311 = arith.mulf %get3A_308, %get3A_308 : vector<16xf32>
        %add3A_312 = arith.addf %add3A_305, %mul3A_311 : vector<16xf32>
        %get3A_313 = arith.index_cast %add3A_259 : i32 to index
        %get3A_314 = arith.constant 112 : index
        %get3A_315 = tpu.vector_load %arg9[%get3A_313, %get3A_314] {strides = array<i32>} : memref<128x128xf32, #tpu.memory_space<vmem>>, vector<16xf32>,
        %mul3A_316 = arith.mulf %get3A_315, %sub3A_40 : vector<16xf32>
        %add3A_317 = arith.addf %add3A_310, %mul3A_316 : vector<16xf32>
        %mul3A_318 = arith.mulf %get3A_315, %get3A_315 : vector<16xf32>
        %add3A_319 = arith.addf %add3A_312, %mul3A_318 : vector<16xf32>
        %reduce_sum3A = arith.constant true
        %reduce_sum3A_320 = vector.broadcast %reduce_sum3A : i1 to vector<16xi1>
        %reduce_sum3A_321 = tpu.scan <sum>, %add3A_317 masked %reduce_sum3A_320 : vector<16xf32>, vector<16xi1> -> vector<16xf32>
        %reduce_sum3A_322 = vector.extract %reduce_sum3A_321[15] : f32 from vector<16xf32>
        %reduce_sum3A_323 = arith.constant true
        %reduce_sum3A_324 = vector.broadcast %reduce_sum3A_323 : i1 to vector<16xi1>
        %reduce_sum3A_325 = tpu.scan <sum>, %add3A_319 masked %reduce_sum3A_324 : vector<16xf32>, vector<16xi1> -> vector<16xf32>
        %reduce_sum3A_326 = vector.extract %reduce_sum3A_325[15] : f32 from vector<16xf32>
        %eq3A_327 = vector.broadcast %add3A_256 : i32 to vector<16xi32>
        %eq3A_328 = arith.cmpi eq, %iota3A, %eq3A_327 : vector<16xi32>
        %broadcast_in_dim3A_329 = vector.broadcast %reduce_sum3A_322 : f32 to vector<16xf32>
        %select_n3A_330 = arith.select %eq3A_328, %broadcast_in_dim3A_329, %scan3A_251 : vector<16xi1>, vector<16xf32>
        %broadcast_in_dim3A_331 = vector.broadcast %reduce_sum3A_326 : f32 to vector<16xf32>
        %select_n3A_332 = arith.select %eq3A_328, %broadcast_in_dim3A_331, %scan3A_252 : vector<16xi1>, vector<16xf32>
        %mul3A_333 = arith.constant 4 : i32
        %mul3A_334 = arith.muli %scan3A_250, %mul3A_333 : i32
        %add3A_335 = arith.constant 1 : i32
        %add3A_336 = arith.addi %mul3A_334, %add3A_335 : i32
        %mul3A_337 = arith.constant 16 : i32
        %mul3A_338 = arith.muli %scan3A_229, %mul3A_337 : i32
        %add3A_339 = arith.addi %mul3A_338, %add3A_336 : i32
        %broadcast_in_dim3A_340 = arith.constant 0.000000e+00 : f32
        %broadcast_in_dim3A_341 = vector.broadcast %broadcast_in_dim3A_340 : f32 to vector<16xf32>
        %broadcast_in_dim3A_342 = arith.constant 0.000000e+00 : f32
        %broadcast_in_dim3A_343 = vector.broadcast %broadcast_in_dim3A_342 : f32 to vector<16xf32>
        %get3A_344 = arith.index_cast %add3A_339 : i32 to index
        %get3A_345 = arith.constant 0 : index
        %get3A_346 = tpu.vector_load %arg9[%get3A_344, %get3A_345] {strides = array<i32>} : memref<128x128xf32, #tpu.memory_space<vmem>>, vector<16xf32>,
        %mul3A_347 = arith.mulf %get3A_346, %sub3A : vector<16xf32>
        %add3A_348 = arith.addf %broadcast_in_dim3A_341, %mul3A_347 : vector<16xf32>
        %mul3A_349 = arith.mulf %get3A_346, %get3A_346 : vector<16xf32>
        %add3A_350 = arith.addf %broadcast_in_dim3A_343, %mul3A_349 : vector<16xf32>
        %get3A_351 = arith.index_cast %add3A_339 : i32 to index
        %get3A_352 = arith.constant 16 : index
        %get3A_353 = tpu.vector_load %arg9[%get3A_351, %get3A_352] {strides = array<i32>} : memref<128x128xf32, #tpu.memory_space<vmem>>, vector<16xf32>,
        %mul3A_354 = arith.mulf %get3A_353, %sub3A_10 : vector<16xf32>
        %add3A_355 = arith.addf %add3A_348, %mul3A_354 : vector<16xf32>
        %mul3A_356 = arith.mulf %get3A_353, %get3A_353 : vector<16xf32>
        %add3A_357 = arith.addf %add3A_350, %mul3A_356 : vector<16xf32>
        %get3A_358 = arith.index_cast %add3A_339 : i32 to index
        %get3A_359 = arith.constant 32 : index
        %get3A_360 = tpu.vector_load %arg9[%get3A_358, %get3A_359] {strides = array<i32>} : memref<128x128xf32, #tpu.memory_space<vmem>>, vector<16xf32>,
        %mul3A_361 = arith.mulf %get3A_360, %sub3A_15 : vector<16xf32>
        %add3A_362 = arith.addf %add3A_355, %mul3A_361 : vector<16xf32>
        %mul3A_363 = arith.mulf %get3A_360, %get3A_360 : vector<16xf32>
        %add3A_364 = arith.addf %add3A_357, %mul3A_363 : vector<16xf32>
        %get3A_365 = arith.index_cast %add3A_339 : i32 to index
        %get3A_366 = arith.constant 48 : index
        %get3A_367 = tpu.vector_load %arg9[%get3A_365, %get3A_366] {strides = array<i32>} : memref<128x128xf32, #tpu.memory_space<vmem>>, vector<16xf32>,
        %mul3A_368 = arith.mulf %get3A_367, %sub3A_20 : vector<16xf32>
        %add3A_369 = arith.addf %add3A_362, %mul3A_368 : vector<16xf32>
        %mul3A_370 = arith.mulf %get3A_367, %get3A_367 : vector<16xf32>
        %add3A_371 = arith.addf %add3A_364, %mul3A_370 : vector<16xf32>
        %get3A_372 = arith.index_cast %add3A_339 : i32 to index
        %get3A_373 = arith.constant 64 : index
        %get3A_374 = tpu.vector_load %arg9[%get3A_372, %get3A_373] {strides = array<i32>} : memref<128x128xf32, #tpu.memory_space<vmem>>, vector<16xf32>,
        %mul3A_375 = arith.mulf %get3A_374, %sub3A_25 : vector<16xf32>
        %add3A_376 = arith.addf %add3A_369, %mul3A_375 : vector<16xf32>
        %mul3A_377 = arith.mulf %get3A_374, %get3A_374 : vector<16xf32>
        %add3A_378 = arith.addf %add3A_371, %mul3A_377 : vector<16xf32>
        %get3A_379 = arith.index_cast %add3A_339 : i32 to index
        %get3A_380 = arith.constant 80 : index
        %get3A_381 = tpu.vector_load %arg9[%get3A_379, %get3A_380] {strides = array<i32>} : memref<128x128xf32, #tpu.memory_space<vmem>>, vector<16xf32>,
        %mul3A_382 = arith.mulf %get3A_381, %sub3A_30 : vector<16xf32>
        %add3A_383 = arith.addf %add3A_376, %mul3A_382 : vector<16xf32>
        %mul3A_384 = arith.mulf %get3A_381, %get3A_381 : vector<16xf32>
        %add3A_385 = arith.addf %add3A_378, %mul3A_384 : vector<16xf32>
        %get3A_386 = arith.index_cast %add3A_339 : i32 to index
        %get3A_387 = arith.constant 96 : index
        %get3A_388 = tpu.vector_load %arg9[%get3A_386, %get3A_387] {strides = array<i32>} : memref<128x128xf32, #tpu.memory_space<vmem>>, vector<16xf32>,
        %mul3A_389 = arith.mulf %get3A_388, %sub3A_35 : vector<16xf32>
        %add3A_390 = arith.addf %add3A_383, %mul3A_389 : vector<16xf32>
        %mul3A_391 = arith.mulf %get3A_388, %get3A_388 : vector<16xf32>
        %add3A_392 = arith.addf %add3A_385, %mul3A_391 : vector<16xf32>
        %get3A_393 = arith.index_cast %add3A_339 : i32 to index
        %get3A_394 = arith.constant 112 : index
        %get3A_395 = tpu.vector_load %arg9[%get3A_393, %get3A_394] {strides = array<i32>} : memref<128x128xf32, #tpu.memory_space<vmem>>, vector<16xf32>,
        %mul3A_396 = arith.mulf %get3A_395, %sub3A_40 : vector<16xf32>
        %add3A_397 = arith.addf %add3A_390, %mul3A_396 : vector<16xf32>
        %mul3A_398 = arith.mulf %get3A_395, %get3A_395 : vector<16xf32>
        %add3A_399 = arith.addf %add3A_392, %mul3A_398 : vector<16xf32>
        %reduce_sum3A_400 = arith.constant true
        %reduce_sum3A_401 = vector.broadcast %reduce_sum3A_400 : i1 to vector<16xi1>
        %reduce_sum3A_402 = tpu.scan <sum>, %add3A_397 masked %reduce_sum3A_401 : vector<16xf32>, vector<16xi1> -> vector<16xf32>
        %reduce_sum3A_403 = vector.extract %reduce_sum3A_402[15] : f32 from vector<16xf32>
        %reduce_sum3A_404 = arith.constant true
        %reduce_sum3A_405 = vector.broadcast %reduce_sum3A_404 : i1 to vector<16xi1>
        %reduce_sum3A_406 = tpu.scan <sum>, %add3A_399 masked %reduce_sum3A_405 : vector<16xf32>, vector<16xi1> -> vector<16xf32>
        %reduce_sum3A_407 = vector.extract %reduce_sum3A_406[15] : f32 from vector<16xf32>
        %eq3A_408 = vector.broadcast %add3A_336 : i32 to vector<16xi32>
        %eq3A_409 = arith.cmpi eq, %iota3A, %eq3A_408 : vector<16xi32>
        %broadcast_in_dim3A_410 = vector.broadcast %reduce_sum3A_403 : f32 to vector<16xf32>
        %select_n3A_411 = arith.select %eq3A_409, %broadcast_in_dim3A_410, %select_n3A_330 : vector<16xi1>, vector<16xf32>
        %broadcast_in_dim3A_412 = vector.broadcast %reduce_sum3A_407 : f32 to vector<16xf32>
        %select_n3A_413 = arith.select %eq3A_409, %broadcast_in_dim3A_412, %select_n3A_332 : vector<16xi1>, vector<16xf32>
        %mul3A_414 = arith.constant 4 : i32
        %mul3A_415 = arith.muli %scan3A_250, %mul3A_414 : i32
        %add3A_416 = arith.constant 2 : i32
        %add3A_417 = arith.addi %mul3A_415, %add3A_416 : i32
        %mul3A_418 = arith.constant 16 : i32
        %mul3A_419 = arith.muli %scan3A_229, %mul3A_418 : i32
        %add3A_420 = arith.addi %mul3A_419, %add3A_417 : i32
        %broadcast_in_dim3A_421 = arith.constant 0.000000e+00 : f32
        %broadcast_in_dim3A_422 = vector.broadcast %broadcast_in_dim3A_421 : f32 to vector<16xf32>
        %broadcast_in_dim3A_423 = arith.constant 0.000000e+00 : f32
        %broadcast_in_dim3A_424 = vector.broadcast %broadcast_in_dim3A_423 : f32 to vector<16xf32>
        %get3A_425 = arith.index_cast %add3A_420 : i32 to index
        %get3A_426 = arith.constant 0 : index
        %get3A_427 = tpu.vector_load %arg9[%get3A_425, %get3A_426] {strides = array<i32>} : memref<128x128xf32, #tpu.memory_space<vmem>>, vector<16xf32>,
        %mul3A_428 = arith.mulf %get3A_427, %sub3A : vector<16xf32>
        %add3A_429 = arith.addf %broadcast_in_dim3A_422, %mul3A_428 : vector<16xf32>
        %mul3A_430 = arith.mulf %get3A_427, %get3A_427 : vector<16xf32>
        %add3A_431 = arith.addf %broadcast_in_dim3A_424, %mul3A_430 : vector<16xf32>
        %get3A_432 = arith.index_cast %add3A_420 : i32 to index
        %get3A_433 = arith.constant 16 : index
        %get3A_434 = tpu.vector_load %arg9[%get3A_432, %get3A_433] {strides = array<i32>} : memref<128x128xf32, #tpu.memory_space<vmem>>, vector<16xf32>,
        %mul3A_435 = arith.mulf %get3A_434, %sub3A_10 : vector<16xf32>
        %add3A_436 = arith.addf %add3A_429, %mul3A_435 : vector<16xf32>
        %mul3A_437 = arith.mulf %get3A_434, %get3A_434 : vector<16xf32>
        %add3A_438 = arith.addf %add3A_431, %mul3A_437 : vector<16xf32>
        %get3A_439 = arith.index_cast %add3A_420 : i32 to index
        %get3A_440 = arith.constant 32 : index
        %get3A_441 = tpu.vector_load %arg9[%get3A_439, %get3A_440] {strides = array<i32>} : memref<128x128xf32, #tpu.memory_space<vmem>>, vector<16xf32>,
        %mul3A_442 = arith.mulf %get3A_441, %sub3A_15 : vector<16xf32>
        %add3A_443 = arith.addf %add3A_436, %mul3A_442 : vector<16xf32>
        %mul3A_444 = arith.mulf %get3A_441, %get3A_441 : vector<16xf32>
        %add3A_445 = arith.addf %add3A_438, %mul3A_444 : vector<16xf32>
        %get3A_446 = arith.index_cast %add3A_420 : i32 to index
        %get3A_447 = arith.constant 48 : index
        %get3A_448 = tpu.vector_load %arg9[%get3A_446, %get3A_447] {strides = array<i32>} : memref<128x128xf32, #tpu.memory_space<vmem>>, vector<16xf32>,
        %mul3A_449 = arith.mulf %get3A_448, %sub3A_20 : vector<16xf32>
        %add3A_450 = arith.addf %add3A_443, %mul3A_449 : vector<16xf32>
        %mul3A_451 = arith.mulf %get3A_448, %get3A_448 : vector<16xf32>
        %add3A_452 = arith.addf %add3A_445, %mul3A_451 : vector<16xf32>
        %get3A_453 = arith.index_cast %add3A_420 : i32 to index
        %get3A_454 = arith.constant 64 : index
        %get3A_455 = tpu.vector_load %arg9[%get3A_453, %get3A_454] {strides = array<i32>} : memref<128x128xf32, #tpu.memory_space<vmem>>, vector<16xf32>,
        %mul3A_456 = arith.mulf %get3A_455, %sub3A_25 : vector<16xf32>
        %add3A_457 = arith.addf %add3A_450, %mul3A_456 : vector<16xf32>
        %mul3A_458 = arith.mulf %get3A_455, %get3A_455 : vector<16xf32>
        %add3A_459 = arith.addf %add3A_452, %mul3A_458 : vector<16xf32>
        %get3A_460 = arith.index_cast %add3A_420 : i32 to index
        %get3A_461 = arith.constant 80 : index
        %get3A_462 = tpu.vector_load %arg9[%get3A_460, %get3A_461] {strides = array<i32>} : memref<128x128xf32, #tpu.memory_space<vmem>>, vector<16xf32>,
        %mul3A_463 = arith.mulf %get3A_462, %sub3A_30 : vector<16xf32>
        %add3A_464 = arith.addf %add3A_457, %mul3A_463 : vector<16xf32>
        %mul3A_465 = arith.mulf %get3A_462, %get3A_462 : vector<16xf32>
        %add3A_466 = arith.addf %add3A_459, %mul3A_465 : vector<16xf32>
        %get3A_467 = arith.index_cast %add3A_420 : i32 to index
        %get3A_468 = arith.constant 96 : index
        %get3A_469 = tpu.vector_load %arg9[%get3A_467, %get3A_468] {strides = array<i32>} : memref<128x128xf32, #tpu.memory_space<vmem>>, vector<16xf32>,
        %mul3A_470 = arith.mulf %get3A_469, %sub3A_35 : vector<16xf32>
        %add3A_471 = arith.addf %add3A_464, %mul3A_470 : vector<16xf32>
        %mul3A_472 = arith.mulf %get3A_469, %get3A_469 : vector<16xf32>
        %add3A_473 = arith.addf %add3A_466, %mul3A_472 : vector<16xf32>
        %get3A_474 = arith.index_cast %add3A_420 : i32 to index
        %get3A_475 = arith.constant 112 : index
        %get3A_476 = tpu.vector_load %arg9[%get3A_474, %get3A_475] {strides = array<i32>} : memref<128x128xf32, #tpu.memory_space<vmem>>, vector<16xf32>,
        %mul3A_477 = arith.mulf %get3A_476, %sub3A_40 : vector<16xf32>
        %add3A_478 = arith.addf %add3A_471, %mul3A_477 : vector<16xf32>
        %mul3A_479 = arith.mulf %get3A_476, %get3A_476 : vector<16xf32>
        %add3A_480 = arith.addf %add3A_473, %mul3A_479 : vector<16xf32>
        %reduce_sum3A_481 = arith.constant true
        %reduce_sum3A_482 = vector.broadcast %reduce_sum3A_481 : i1 to vector<16xi1>
        %reduce_sum3A_483 = tpu.scan <sum>, %add3A_478 masked %reduce_sum3A_482 : vector<16xf32>, vector<16xi1> -> vector<16xf32>
        %reduce_sum3A_484 = vector.extract %reduce_sum3A_483[15] : f32 from vector<16xf32>
        %reduce_sum3A_485 = arith.constant true
        %reduce_sum3A_486 = vector.broadcast %reduce_sum3A_485 : i1 to vector<16xi1>
        %reduce_sum3A_487 = tpu.scan <sum>, %add3A_480 masked %reduce_sum3A_486 : vector<16xf32>, vector<16xi1> -> vector<16xf32>
        %reduce_sum3A_488 = vector.extract %reduce_sum3A_487[15] : f32 from vector<16xf32>
        %eq3A_489 = vector.broadcast %add3A_417 : i32 to vector<16xi32>
        %eq3A_490 = arith.cmpi eq, %iota3A, %eq3A_489 : vector<16xi32>
        %broadcast_in_dim3A_491 = vector.broadcast %reduce_sum3A_484 : f32 to vector<16xf32>
        %select_n3A_492 = arith.select %eq3A_490, %broadcast_in_dim3A_491, %select_n3A_411 : vector<16xi1>, vector<16xf32>
        %broadcast_in_dim3A_493 = vector.broadcast %reduce_sum3A_488 : f32 to vector<16xf32>
        %select_n3A_494 = arith.select %eq3A_490, %broadcast_in_dim3A_493, %select_n3A_413 : vector<16xi1>, vector<16xf32>
        %mul3A_495 = arith.constant 4 : i32
        %mul3A_496 = arith.muli %scan3A_250, %mul3A_495 : i32
        %add3A_497 = arith.constant 3 : i32
        %add3A_498 = arith.addi %mul3A_496, %add3A_497 : i32
        %mul3A_499 = arith.constant 16 : i32
        %mul3A_500 = arith.muli %scan3A_229, %mul3A_499 : i32
        %add3A_501 = arith.addi %mul3A_500, %add3A_498 : i32
        %broadcast_in_dim3A_502 = arith.constant 0.000000e+00 : f32
        %broadcast_in_dim3A_503 = vector.broadcast %broadcast_in_dim3A_502 : f32 to vector<16xf32>
        %broadcast_in_dim3A_504 = arith.constant 0.000000e+00 : f32
        %broadcast_in_dim3A_505 = vector.broadcast %broadcast_in_dim3A_504 : f32 to vector<16xf32>
        %get3A_506 = arith.index_cast %add3A_501 : i32 to index
        %get3A_507 = arith.constant 0 : index
        %get3A_508 = tpu.vector_load %arg9[%get3A_506, %get3A_507] {strides = array<i32>} : memref<128x128xf32, #tpu.memory_space<vmem>>, vector<16xf32>,
        %mul3A_509 = arith.mulf %get3A_508, %sub3A : vector<16xf32>
        %add3A_510 = arith.addf %broadcast_in_dim3A_503, %mul3A_509 : vector<16xf32>
        %mul3A_511 = arith.mulf %get3A_508, %get3A_508 : vector<16xf32>
        %add3A_512 = arith.addf %broadcast_in_dim3A_505, %mul3A_511 : vector<16xf32>
        %get3A_513 = arith.index_cast %add3A_501 : i32 to index
        %get3A_514 = arith.constant 16 : index
        %get3A_515 = tpu.vector_load %arg9[%get3A_513, %get3A_514] {strides = array<i32>} : memref<128x128xf32, #tpu.memory_space<vmem>>, vector<16xf32>,
        %mul3A_516 = arith.mulf %get3A_515, %sub3A_10 : vector<16xf32>
        %add3A_517 = arith.addf %add3A_510, %mul3A_516 : vector<16xf32>
        %mul3A_518 = arith.mulf %get3A_515, %get3A_515 : vector<16xf32>
        %add3A_519 = arith.addf %add3A_512, %mul3A_518 : vector<16xf32>
        %get3A_520 = arith.index_cast %add3A_501 : i32 to index
        %get3A_521 = arith.constant 32 : index
        %get3A_522 = tpu.vector_load %arg9[%get3A_520, %get3A_521] {strides = array<i32>} : memref<128x128xf32, #tpu.memory_space<vmem>>, vector<16xf32>,
        %mul3A_523 = arith.mulf %get3A_522, %sub3A_15 : vector<16xf32>
        %add3A_524 = arith.addf %add3A_517, %mul3A_523 : vector<16xf32>
        %mul3A_525 = arith.mulf %get3A_522, %get3A_522 : vector<16xf32>
        %add3A_526 = arith.addf %add3A_519, %mul3A_525 : vector<16xf32>
        %get3A_527 = arith.index_cast %add3A_501 : i32 to index
        %get3A_528 = arith.constant 48 : index
        %get3A_529 = tpu.vector_load %arg9[%get3A_527, %get3A_528] {strides = array<i32>} : memref<128x128xf32, #tpu.memory_space<vmem>>, vector<16xf32>,
        %mul3A_530 = arith.mulf %get3A_529, %sub3A_20 : vector<16xf32>
        %add3A_531 = arith.addf %add3A_524, %mul3A_530 : vector<16xf32>
        %mul3A_532 = arith.mulf %get3A_529, %get3A_529 : vector<16xf32>
        %add3A_533 = arith.addf %add3A_526, %mul3A_532 : vector<16xf32>
        %get3A_534 = arith.index_cast %add3A_501 : i32 to index
        %get3A_535 = arith.constant 64 : index
        %get3A_536 = tpu.vector_load %arg9[%get3A_534, %get3A_535] {strides = array<i32>} : memref<128x128xf32, #tpu.memory_space<vmem>>, vector<16xf32>,
        %mul3A_537 = arith.mulf %get3A_536, %sub3A_25 : vector<16xf32>
        %add3A_538 = arith.addf %add3A_531, %mul3A_537 : vector<16xf32>
        %mul3A_539 = arith.mulf %get3A_536, %get3A_536 : vector<16xf32>
        %add3A_540 = arith.addf %add3A_533, %mul3A_539 : vector<16xf32>
        %get3A_541 = arith.index_cast %add3A_501 : i32 to index
        %get3A_542 = arith.constant 80 : index
        %get3A_543 = tpu.vector_load %arg9[%get3A_541, %get3A_542] {strides = array<i32>} : memref<128x128xf32, #tpu.memory_space<vmem>>, vector<16xf32>,
        %mul3A_544 = arith.mulf %get3A_543, %sub3A_30 : vector<16xf32>
        %add3A_545 = arith.addf %add3A_538, %mul3A_544 : vector<16xf32>
        %mul3A_546 = arith.mulf %get3A_543, %get3A_543 : vector<16xf32>
        %add3A_547 = arith.addf %add3A_540, %mul3A_546 : vector<16xf32>
        %get3A_548 = arith.index_cast %add3A_501 : i32 to index
        %get3A_549 = arith.constant 96 : index
        %get3A_550 = tpu.vector_load %arg9[%get3A_548, %get3A_549] {strides = array<i32>} : memref<128x128xf32, #tpu.memory_space<vmem>>, vector<16xf32>,
        %mul3A_551 = arith.mulf %get3A_550, %sub3A_35 : vector<16xf32>
        %add3A_552 = arith.addf %add3A_545, %mul3A_551 : vector<16xf32>
        %mul3A_553 = arith.mulf %get3A_550, %get3A_550 : vector<16xf32>
        %add3A_554 = arith.addf %add3A_547, %mul3A_553 : vector<16xf32>
        %get3A_555 = arith.index_cast %add3A_501 : i32 to index
        %get3A_556 = arith.constant 112 : index
        %get3A_557 = tpu.vector_load %arg9[%get3A_555, %get3A_556] {strides = array<i32>} : memref<128x128xf32, #tpu.memory_space<vmem>>, vector<16xf32>,
        %mul3A_558 = arith.mulf %get3A_557, %sub3A_40 : vector<16xf32>
        %add3A_559 = arith.addf %add3A_552, %mul3A_558 : vector<16xf32>
        %mul3A_560 = arith.mulf %get3A_557, %get3A_557 : vector<16xf32>
        %add3A_561 = arith.addf %add3A_554, %mul3A_560 : vector<16xf32>
        %reduce_sum3A_562 = arith.constant true
        %reduce_sum3A_563 = vector.broadcast %reduce_sum3A_562 : i1 to vector<16xi1>
        %reduce_sum3A_564 = tpu.scan <sum>, %add3A_559 masked %reduce_sum3A_563 : vector<16xf32>, vector<16xi1> -> vector<16xf32>
        %reduce_sum3A_565 = vector.extract %reduce_sum3A_564[15] : f32 from vector<16xf32>
        %reduce_sum3A_566 = arith.constant true
        %reduce_sum3A_567 = vector.broadcast %reduce_sum3A_566 : i1 to vector<16xi1>
        %reduce_sum3A_568 = tpu.scan <sum>, %add3A_561 masked %reduce_sum3A_567 : vector<16xf32>, vector<16xi1> -> vector<16xf32>
        %reduce_sum3A_569 = vector.extract %reduce_sum3A_568[15] : f32 from vector<16xf32>
        %eq3A_570 = vector.broadcast %add3A_498 : i32 to vector<16xi32>
        %eq3A_571 = arith.cmpi eq, %iota3A, %eq3A_570 : vector<16xi32>
        %broadcast_in_dim3A_572 = vector.broadcast %reduce_sum3A_565 : f32 to vector<16xf32>
        %select_n3A_573 = arith.select %eq3A_571, %broadcast_in_dim3A_572, %select_n3A_492 : vector<16xi1>, vector<16xf32>
        %broadcast_in_dim3A_574 = vector.broadcast %reduce_sum3A_569 : f32 to vector<16xf32>
        %select_n3A_575 = arith.select %eq3A_571, %broadcast_in_dim3A_574, %select_n3A_494 : vector<16xi1>, vector<16xf32>
        scf.yield %select_n3A_573, %select_n3A_575 : vector<16xf32>, vector<16xf32>
      }
      %scan3A_239 = arith.constant 4 : i32
      %abs3A = math.absf %scan3A_238#0 : vector<16xf32>
      %mul3A_240 = arith.mulf %scan3A_238#0, %abs3A : vector<16xf32>
      %max3A = arith.constant 1.000000e-30 : f32
      %max3A_241 = vector.broadcast %max3A : f32 to vector<16xf32>
      %max3A_242 = arith.maximumf %scan3A_238#1, %max3A_241 : vector<16xf32>
      %div3A = arith.divf %mul3A_240, %max3A_242 : vector<16xf32>
      %mul3A_243 = arith.constant 16 : i32
      %mul3A_244 = arith.muli %scan3A_229, %mul3A_243 : i32
      %add3A_245 = arith.addi %add3A_66, %mul3A_244 : i32
      %add3A_246 = vector.broadcast %add3A_245 : i32 to vector<16xi32>
      %add3A_247 = arith.addi %add3A_246, %iota3A : vector<16xi32>
      %gt3A = arith.cmpf ogt, %div3A, %scan3A_230 : vector<16xf32>
      %select_n3A_248 = arith.select %gt3A, %add3A_247, %scan3A_231 : vector<16xi1>, vector<16xi32>
      %select_n3A_249 = arith.select %gt3A, %div3A, %scan3A_230 : vector<16xi1>, vector<16xf32>
      scf.yield %select_n3A_249, %select_n3A_248 : vector<16xf32>, vector<16xi32>
    }
    %scan3A_72 = arith.constant 8 : i32
    %add3A_73 = arith.constant 1664 : i32
    %add3A_74 = arith.addi %multiple_of3A, %add3A_73 : i32
    %dma_wait3A_75 = arith.constant 0 : i32
    %dma_wait3A_76 = tpu.memref_slice %arg4[%add3A_74, %dma_wait3A_75] : memref<100000x128xf32, #tpu.memory_space<hbm>> -> memref<128x128xf32, #tpu.memory_space<hbm>>
    %dma_wait3A_77 = arith.constant 0 : i32
    %dma_wait3A_78 = tpu.memref_slice %arg4[%add3A_74, %dma_wait3A_77] : memref<100000x128xf32, #tpu.memory_space<hbm>> -> memref<128x128xf32, #tpu.memory_space<hbm>>
    tpu.wait_dma2 semaphore(%arg14 : memref<!tpu.dma_semaphore, #tpu.memory_space<semaphore_mem>>) src(%dma_wait3A_78 : memref<128x128xf32, #tpu.memory_space<hbm>>) dst(%arg10 : memref<128x128xf32, #tpu.memory_space<vmem>>)
    %add3A_79 = arith.constant 1664 : i32
    %add3A_80 = arith.addi %multiple_of3A, %add3A_79 : i32
    %scan3A_81 = arith.constant 0 : i32
    %scan3A_82 = arith.constant 8 : i32
    %scan3A_83 = arith.addi %scan3A_81, %scan3A_82 : i32
    %scan3A_84 = arith.constant 1 : i32
    %scan3A_85:2 = scf.for %scan3A_229 = %scan3A_81 to %scan3A_83 step %scan3A_84 iter_args(%scan3A_230 = %scan3A_71#0, %scan3A_231 = %scan3A_71#1) -> (vector<16xf32>, vector<16xi32>)  : i32 {
      %broadcast_in_dim3A_232 = arith.constant 0.000000e+00 : f32
      %broadcast_in_dim3A_233 = vector.broadcast %broadcast_in_dim3A_232 : f32 to vector<16xf32>
      %scan3A_234 = arith.constant 0 : i32
      %scan3A_235 = arith.constant 4 : i32
      %scan3A_236 = arith.addi %scan3A_234, %scan3A_235 : i32
      %scan3A_237 = arith.constant 1 : i32
      %scan3A_238:2 = scf.for %scan3A_250 = %scan3A_234 to %scan3A_236 step %scan3A_237 iter_args(%scan3A_251 = %broadcast_in_dim3A_233, %scan3A_252 = %broadcast_in_dim3A_233) -> (vector<16xf32>, vector<16xf32>)  : i32 {
        %mul3A_253 = arith.constant 4 : i32
        %mul3A_254 = arith.muli %scan3A_250, %mul3A_253 : i32
        %add3A_255 = arith.constant 0 : i32
        %add3A_256 = arith.addi %mul3A_254, %add3A_255 : i32
        %mul3A_257 = arith.constant 16 : i32
        %mul3A_258 = arith.muli %scan3A_229, %mul3A_257 : i32
        %add3A_259 = arith.addi %mul3A_258, %add3A_256 : i32
        %broadcast_in_dim3A_260 = arith.constant 0.000000e+00 : f32
        %broadcast_in_dim3A_261 = vector.broadcast %broadcast_in_dim3A_260 : f32 to vector<16xf32>
        %broadcast_in_dim3A_262 = arith.constant 0.000000e+00 : f32
        %broadcast_in_dim3A_263 = vector.broadcast %broadcast_in_dim3A_262 : f32 to vector<16xf32>
        %get3A_264 = arith.index_cast %add3A_259 : i32 to index
        %get3A_265 = arith.constant 0 : index
        %get3A_266 = tpu.vector_load %arg10[%get3A_264, %get3A_265] {strides = array<i32>} : memref<128x128xf32, #tpu.memory_space<vmem>>, vector<16xf32>,
        %mul3A_267 = arith.mulf %get3A_266, %sub3A : vector<16xf32>
        %add3A_268 = arith.addf %broadcast_in_dim3A_261, %mul3A_267 : vector<16xf32>
        %mul3A_269 = arith.mulf %get3A_266, %get3A_266 : vector<16xf32>
        %add3A_270 = arith.addf %broadcast_in_dim3A_263, %mul3A_269 : vector<16xf32>
        %get3A_271 = arith.index_cast %add3A_259 : i32 to index
        %get3A_272 = arith.constant 16 : index
        %get3A_273 = tpu.vector_load %arg10[%get3A_271, %get3A_272] {strides = array<i32>} : memref<128x128xf32, #tpu.memory_space<vmem>>, vector<16xf32>,
        %mul3A_274 = arith.mulf %get3A_273, %sub3A_10 : vector<16xf32>
        %add3A_275 = arith.addf %add3A_268, %mul3A_274 : vector<16xf32>
        %mul3A_276 = arith.mulf %get3A_273, %get3A_273 : vector<16xf32>
        %add3A_277 = arith.addf %add3A_270, %mul3A_276 : vector<16xf32>
        %get3A_278 = arith.index_cast %add3A_259 : i32 to index
        %get3A_279 = arith.constant 32 : index
        %get3A_280 = tpu.vector_load %arg10[%get3A_278, %get3A_279] {strides = array<i32>} : memref<128x128xf32, #tpu.memory_space<vmem>>, vector<16xf32>,
        %mul3A_281 = arith.mulf %get3A_280, %sub3A_15 : vector<16xf32>
        %add3A_282 = arith.addf %add3A_275, %mul3A_281 : vector<16xf32>
        %mul3A_283 = arith.mulf %get3A_280, %get3A_280 : vector<16xf32>
        %add3A_284 = arith.addf %add3A_277, %mul3A_283 : vector<16xf32>
        %get3A_285 = arith.index_cast %add3A_259 : i32 to index
        %get3A_286 = arith.constant 48 : index
        %get3A_287 = tpu.vector_load %arg10[%get3A_285, %get3A_286] {strides = array<i32>} : memref<128x128xf32, #tpu.memory_space<vmem>>, vector<16xf32>,
        %mul3A_288 = arith.mulf %get3A_287, %sub3A_20 : vector<16xf32>
        %add3A_289 = arith.addf %add3A_282, %mul3A_288 : vector<16xf32>
        %mul3A_290 = arith.mulf %get3A_287, %get3A_287 : vector<16xf32>
        %add3A_291 = arith.addf %add3A_284, %mul3A_290 : vector<16xf32>
        %get3A_292 = arith.index_cast %add3A_259 : i32 to index
        %get3A_293 = arith.constant 64 : index
        %get3A_294 = tpu.vector_load %arg10[%get3A_292, %get3A_293] {strides = array<i32>} : memref<128x128xf32, #tpu.memory_space<vmem>>, vector<16xf32>,
        %mul3A_295 = arith.mulf %get3A_294, %sub3A_25 : vector<16xf32>
        %add3A_296 = arith.addf %add3A_289, %mul3A_295 : vector<16xf32>
        %mul3A_297 = arith.mulf %get3A_294, %get3A_294 : vector<16xf32>
        %add3A_298 = arith.addf %add3A_291, %mul3A_297 : vector<16xf32>
        %get3A_299 = arith.index_cast %add3A_259 : i32 to index
        %get3A_300 = arith.constant 80 : index
        %get3A_301 = tpu.vector_load %arg10[%get3A_299, %get3A_300] {strides = array<i32>} : memref<128x128xf32, #tpu.memory_space<vmem>>, vector<16xf32>,
        %mul3A_302 = arith.mulf %get3A_301, %sub3A_30 : vector<16xf32>
        %add3A_303 = arith.addf %add3A_296, %mul3A_302 : vector<16xf32>
        %mul3A_304 = arith.mulf %get3A_301, %get3A_301 : vector<16xf32>
        %add3A_305 = arith.addf %add3A_298, %mul3A_304 : vector<16xf32>
        %get3A_306 = arith.index_cast %add3A_259 : i32 to index
        %get3A_307 = arith.constant 96 : index
        %get3A_308 = tpu.vector_load %arg10[%get3A_306, %get3A_307] {strides = array<i32>} : memref<128x128xf32, #tpu.memory_space<vmem>>, vector<16xf32>,
        %mul3A_309 = arith.mulf %get3A_308, %sub3A_35 : vector<16xf32>
        %add3A_310 = arith.addf %add3A_303, %mul3A_309 : vector<16xf32>
        %mul3A_311 = arith.mulf %get3A_308, %get3A_308 : vector<16xf32>
        %add3A_312 = arith.addf %add3A_305, %mul3A_311 : vector<16xf32>
        %get3A_313 = arith.index_cast %add3A_259 : i32 to index
        %get3A_314 = arith.constant 112 : index
        %get3A_315 = tpu.vector_load %arg10[%get3A_313, %get3A_314] {strides = array<i32>} : memref<128x128xf32, #tpu.memory_space<vmem>>, vector<16xf32>,
        %mul3A_316 = arith.mulf %get3A_315, %sub3A_40 : vector<16xf32>
        %add3A_317 = arith.addf %add3A_310, %mul3A_316 : vector<16xf32>
        %mul3A_318 = arith.mulf %get3A_315, %get3A_315 : vector<16xf32>
        %add3A_319 = arith.addf %add3A_312, %mul3A_318 : vector<16xf32>
        %reduce_sum3A = arith.constant true
        %reduce_sum3A_320 = vector.broadcast %reduce_sum3A : i1 to vector<16xi1>
        %reduce_sum3A_321 = tpu.scan <sum>, %add3A_317 masked %reduce_sum3A_320 : vector<16xf32>, vector<16xi1> -> vector<16xf32>
        %reduce_sum3A_322 = vector.extract %reduce_sum3A_321[15] : f32 from vector<16xf32>
        %reduce_sum3A_323 = arith.constant true
        %reduce_sum3A_324 = vector.broadcast %reduce_sum3A_323 : i1 to vector<16xi1>
        %reduce_sum3A_325 = tpu.scan <sum>, %add3A_319 masked %reduce_sum3A_324 : vector<16xf32>, vector<16xi1> -> vector<16xf32>
        %reduce_sum3A_326 = vector.extract %reduce_sum3A_325[15] : f32 from vector<16xf32>
        %eq3A_327 = vector.broadcast %add3A_256 : i32 to vector<16xi32>
        %eq3A_328 = arith.cmpi eq, %iota3A, %eq3A_327 : vector<16xi32>
        %broadcast_in_dim3A_329 = vector.broadcast %reduce_sum3A_322 : f32 to vector<16xf32>
        %select_n3A_330 = arith.select %eq3A_328, %broadcast_in_dim3A_329, %scan3A_251 : vector<16xi1>, vector<16xf32>
        %broadcast_in_dim3A_331 = vector.broadcast %reduce_sum3A_326 : f32 to vector<16xf32>
        %select_n3A_332 = arith.select %eq3A_328, %broadcast_in_dim3A_331, %scan3A_252 : vector<16xi1>, vector<16xf32>
        %mul3A_333 = arith.constant 4 : i32
        %mul3A_334 = arith.muli %scan3A_250, %mul3A_333 : i32
        %add3A_335 = arith.constant 1 : i32
        %add3A_336 = arith.addi %mul3A_334, %add3A_335 : i32
        %mul3A_337 = arith.constant 16 : i32
        %mul3A_338 = arith.muli %scan3A_229, %mul3A_337 : i32
        %add3A_339 = arith.addi %mul3A_338, %add3A_336 : i32
        %broadcast_in_dim3A_340 = arith.constant 0.000000e+00 : f32
        %broadcast_in_dim3A_341 = vector.broadcast %broadcast_in_dim3A_340 : f32 to vector<16xf32>
        %broadcast_in_dim3A_342 = arith.constant 0.000000e+00 : f32
        %broadcast_in_dim3A_343 = vector.broadcast %broadcast_in_dim3A_342 : f32 to vector<16xf32>
        %get3A_344 = arith.index_cast %add3A_339 : i32 to index
        %get3A_345 = arith.constant 0 : index
        %get3A_346 = tpu.vector_load %arg10[%get3A_344, %get3A_345] {strides = array<i32>} : memref<128x128xf32, #tpu.memory_space<vmem>>, vector<16xf32>,
        %mul3A_347 = arith.mulf %get3A_346, %sub3A : vector<16xf32>
        %add3A_348 = arith.addf %broadcast_in_dim3A_341, %mul3A_347 : vector<16xf32>
        %mul3A_349 = arith.mulf %get3A_346, %get3A_346 : vector<16xf32>
        %add3A_350 = arith.addf %broadcast_in_dim3A_343, %mul3A_349 : vector<16xf32>
        %get3A_351 = arith.index_cast %add3A_339 : i32 to index
        %get3A_352 = arith.constant 16 : index
        %get3A_353 = tpu.vector_load %arg10[%get3A_351, %get3A_352] {strides = array<i32>} : memref<128x128xf32, #tpu.memory_space<vmem>>, vector<16xf32>,
        %mul3A_354 = arith.mulf %get3A_353, %sub3A_10 : vector<16xf32>
        %add3A_355 = arith.addf %add3A_348, %mul3A_354 : vector<16xf32>
        %mul3A_356 = arith.mulf %get3A_353, %get3A_353 : vector<16xf32>
        %add3A_357 = arith.addf %add3A_350, %mul3A_356 : vector<16xf32>
        %get3A_358 = arith.index_cast %add3A_339 : i32 to index
        %get3A_359 = arith.constant 32 : index
        %get3A_360 = tpu.vector_load %arg10[%get3A_358, %get3A_359] {strides = array<i32>} : memref<128x128xf32, #tpu.memory_space<vmem>>, vector<16xf32>,
        %mul3A_361 = arith.mulf %get3A_360, %sub3A_15 : vector<16xf32>
        %add3A_362 = arith.addf %add3A_355, %mul3A_361 : vector<16xf32>
        %mul3A_363 = arith.mulf %get3A_360, %get3A_360 : vector<16xf32>
        %add3A_364 = arith.addf %add3A_357, %mul3A_363 : vector<16xf32>
        %get3A_365 = arith.index_cast %add3A_339 : i32 to index
        %get3A_366 = arith.constant 48 : index
        %get3A_367 = tpu.vector_load %arg10[%get3A_365, %get3A_366] {strides = array<i32>} : memref<128x128xf32, #tpu.memory_space<vmem>>, vector<16xf32>,
        %mul3A_368 = arith.mulf %get3A_367, %sub3A_20 : vector<16xf32>
        %add3A_369 = arith.addf %add3A_362, %mul3A_368 : vector<16xf32>
        %mul3A_370 = arith.mulf %get3A_367, %get3A_367 : vector<16xf32>
        %add3A_371 = arith.addf %add3A_364, %mul3A_370 : vector<16xf32>
        %get3A_372 = arith.index_cast %add3A_339 : i32 to index
        %get3A_373 = arith.constant 64 : index
        %get3A_374 = tpu.vector_load %arg10[%get3A_372, %get3A_373] {strides = array<i32>} : memref<128x128xf32, #tpu.memory_space<vmem>>, vector<16xf32>,
        %mul3A_375 = arith.mulf %get3A_374, %sub3A_25 : vector<16xf32>
        %add3A_376 = arith.addf %add3A_369, %mul3A_375 : vector<16xf32>
        %mul3A_377 = arith.mulf %get3A_374, %get3A_374 : vector<16xf32>
        %add3A_378 = arith.addf %add3A_371, %mul3A_377 : vector<16xf32>
        %get3A_379 = arith.index_cast %add3A_339 : i32 to index
        %get3A_380 = arith.constant 80 : index
        %get3A_381 = tpu.vector_load %arg10[%get3A_379, %get3A_380] {strides = array<i32>} : memref<128x128xf32, #tpu.memory_space<vmem>>, vector<16xf32>,
        %mul3A_382 = arith.mulf %get3A_381, %sub3A_30 : vector<16xf32>
        %add3A_383 = arith.addf %add3A_376, %mul3A_382 : vector<16xf32>
        %mul3A_384 = arith.mulf %get3A_381, %get3A_381 : vector<16xf32>
        %add3A_385 = arith.addf %add3A_378, %mul3A_384 : vector<16xf32>
        %get3A_386 = arith.index_cast %add3A_339 : i32 to index
        %get3A_387 = arith.constant 96 : index
        %get3A_388 = tpu.vector_load %arg10[%get3A_386, %get3A_387] {strides = array<i32>} : memref<128x128xf32, #tpu.memory_space<vmem>>, vector<16xf32>,
        %mul3A_389 = arith.mulf %get3A_388, %sub3A_35 : vector<16xf32>
        %add3A_390 = arith.addf %add3A_383, %mul3A_389 : vector<16xf32>
        %mul3A_391 = arith.mulf %get3A_388, %get3A_388 : vector<16xf32>
        %add3A_392 = arith.addf %add3A_385, %mul3A_391 : vector<16xf32>
        %get3A_393 = arith.index_cast %add3A_339 : i32 to index
        %get3A_394 = arith.constant 112 : index
        %get3A_395 = tpu.vector_load %arg10[%get3A_393, %get3A_394] {strides = array<i32>} : memref<128x128xf32, #tpu.memory_space<vmem>>, vector<16xf32>,
        %mul3A_396 = arith.mulf %get3A_395, %sub3A_40 : vector<16xf32>
        %add3A_397 = arith.addf %add3A_390, %mul3A_396 : vector<16xf32>
        %mul3A_398 = arith.mulf %get3A_395, %get3A_395 : vector<16xf32>
        %add3A_399 = arith.addf %add3A_392, %mul3A_398 : vector<16xf32>
        %reduce_sum3A_400 = arith.constant true
        %reduce_sum3A_401 = vector.broadcast %reduce_sum3A_400 : i1 to vector<16xi1>
        %reduce_sum3A_402 = tpu.scan <sum>, %add3A_397 masked %reduce_sum3A_401 : vector<16xf32>, vector<16xi1> -> vector<16xf32>
        %reduce_sum3A_403 = vector.extract %reduce_sum3A_402[15] : f32 from vector<16xf32>
        %reduce_sum3A_404 = arith.constant true
        %reduce_sum3A_405 = vector.broadcast %reduce_sum3A_404 : i1 to vector<16xi1>
        %reduce_sum3A_406 = tpu.scan <sum>, %add3A_399 masked %reduce_sum3A_405 : vector<16xf32>, vector<16xi1> -> vector<16xf32>
        %reduce_sum3A_407 = vector.extract %reduce_sum3A_406[15] : f32 from vector<16xf32>
        %eq3A_408 = vector.broadcast %add3A_336 : i32 to vector<16xi32>
        %eq3A_409 = arith.cmpi eq, %iota3A, %eq3A_408 : vector<16xi32>
        %broadcast_in_dim3A_410 = vector.broadcast %reduce_sum3A_403 : f32 to vector<16xf32>
        %select_n3A_411 = arith.select %eq3A_409, %broadcast_in_dim3A_410, %select_n3A_330 : vector<16xi1>, vector<16xf32>
        %broadcast_in_dim3A_412 = vector.broadcast %reduce_sum3A_407 : f32 to vector<16xf32>
        %select_n3A_413 = arith.select %eq3A_409, %broadcast_in_dim3A_412, %select_n3A_332 : vector<16xi1>, vector<16xf32>
        %mul3A_414 = arith.constant 4 : i32
        %mul3A_415 = arith.muli %scan3A_250, %mul3A_414 : i32
        %add3A_416 = arith.constant 2 : i32
        %add3A_417 = arith.addi %mul3A_415, %add3A_416 : i32
        %mul3A_418 = arith.constant 16 : i32
        %mul3A_419 = arith.muli %scan3A_229, %mul3A_418 : i32
        %add3A_420 = arith.addi %mul3A_419, %add3A_417 : i32
        %broadcast_in_dim3A_421 = arith.constant 0.000000e+00 : f32
        %broadcast_in_dim3A_422 = vector.broadcast %broadcast_in_dim3A_421 : f32 to vector<16xf32>
        %broadcast_in_dim3A_423 = arith.constant 0.000000e+00 : f32
        %broadcast_in_dim3A_424 = vector.broadcast %broadcast_in_dim3A_423 : f32 to vector<16xf32>
        %get3A_425 = arith.index_cast %add3A_420 : i32 to index
        %get3A_426 = arith.constant 0 : index
        %get3A_427 = tpu.vector_load %arg10[%get3A_425, %get3A_426] {strides = array<i32>} : memref<128x128xf32, #tpu.memory_space<vmem>>, vector<16xf32>,
        %mul3A_428 = arith.mulf %get3A_427, %sub3A : vector<16xf32>
        %add3A_429 = arith.addf %broadcast_in_dim3A_422, %mul3A_428 : vector<16xf32>
        %mul3A_430 = arith.mulf %get3A_427, %get3A_427 : vector<16xf32>
        %add3A_431 = arith.addf %broadcast_in_dim3A_424, %mul3A_430 : vector<16xf32>
        %get3A_432 = arith.index_cast %add3A_420 : i32 to index
        %get3A_433 = arith.constant 16 : index
        %get3A_434 = tpu.vector_load %arg10[%get3A_432, %get3A_433] {strides = array<i32>} : memref<128x128xf32, #tpu.memory_space<vmem>>, vector<16xf32>,
        %mul3A_435 = arith.mulf %get3A_434, %sub3A_10 : vector<16xf32>
        %add3A_436 = arith.addf %add3A_429, %mul3A_435 : vector<16xf32>
        %mul3A_437 = arith.mulf %get3A_434, %get3A_434 : vector<16xf32>
        %add3A_438 = arith.addf %add3A_431, %mul3A_437 : vector<16xf32>
        %get3A_439 = arith.index_cast %add3A_420 : i32 to index
        %get3A_440 = arith.constant 32 : index
        %get3A_441 = tpu.vector_load %arg10[%get3A_439, %get3A_440] {strides = array<i32>} : memref<128x128xf32, #tpu.memory_space<vmem>>, vector<16xf32>,
        %mul3A_442 = arith.mulf %get3A_441, %sub3A_15 : vector<16xf32>
        %add3A_443 = arith.addf %add3A_436, %mul3A_442 : vector<16xf32>
        %mul3A_444 = arith.mulf %get3A_441, %get3A_441 : vector<16xf32>
        %add3A_445 = arith.addf %add3A_438, %mul3A_444 : vector<16xf32>
        %get3A_446 = arith.index_cast %add3A_420 : i32 to index
        %get3A_447 = arith.constant 48 : index
        %get3A_448 = tpu.vector_load %arg10[%get3A_446, %get3A_447] {strides = array<i32>} : memref<128x128xf32, #tpu.memory_space<vmem>>, vector<16xf32>,
        %mul3A_449 = arith.mulf %get3A_448, %sub3A_20 : vector<16xf32>
        %add3A_450 = arith.addf %add3A_443, %mul3A_449 : vector<16xf32>
        %mul3A_451 = arith.mulf %get3A_448, %get3A_448 : vector<16xf32>
        %add3A_452 = arith.addf %add3A_445, %mul3A_451 : vector<16xf32>
        %get3A_453 = arith.index_cast %add3A_420 : i32 to index
        %get3A_454 = arith.constant 64 : index
        %get3A_455 = tpu.vector_load %arg10[%get3A_453, %get3A_454] {strides = array<i32>} : memref<128x128xf32, #tpu.memory_space<vmem>>, vector<16xf32>,
        %mul3A_456 = arith.mulf %get3A_455, %sub3A_25 : vector<16xf32>
        %add3A_457 = arith.addf %add3A_450, %mul3A_456 : vector<16xf32>
        %mul3A_458 = arith.mulf %get3A_455, %get3A_455 : vector<16xf32>
        %add3A_459 = arith.addf %add3A_452, %mul3A_458 : vector<16xf32>
        %get3A_460 = arith.index_cast %add3A_420 : i32 to index
        %get3A_461 = arith.constant 80 : index
        %get3A_462 = tpu.vector_load %arg10[%get3A_460, %get3A_461] {strides = array<i32>} : memref<128x128xf32, #tpu.memory_space<vmem>>, vector<16xf32>,
        %mul3A_463 = arith.mulf %get3A_462, %sub3A_30 : vector<16xf32>
        %add3A_464 = arith.addf %add3A_457, %mul3A_463 : vector<16xf32>
        %mul3A_465 = arith.mulf %get3A_462, %get3A_462 : vector<16xf32>
        %add3A_466 = arith.addf %add3A_459, %mul3A_465 : vector<16xf32>
        %get3A_467 = arith.index_cast %add3A_420 : i32 to index
        %get3A_468 = arith.constant 96 : index
        %get3A_469 = tpu.vector_load %arg10[%get3A_467, %get3A_468] {strides = array<i32>} : memref<128x128xf32, #tpu.memory_space<vmem>>, vector<16xf32>,
        %mul3A_470 = arith.mulf %get3A_469, %sub3A_35 : vector<16xf32>
        %add3A_471 = arith.addf %add3A_464, %mul3A_470 : vector<16xf32>
        %mul3A_472 = arith.mulf %get3A_469, %get3A_469 : vector<16xf32>
        %add3A_473 = arith.addf %add3A_466, %mul3A_472 : vector<16xf32>
        %get3A_474 = arith.index_cast %add3A_420 : i32 to index
        %get3A_475 = arith.constant 112 : index
        %get3A_476 = tpu.vector_load %arg10[%get3A_474, %get3A_475] {strides = array<i32>} : memref<128x128xf32, #tpu.memory_space<vmem>>, vector<16xf32>,
        %mul3A_477 = arith.mulf %get3A_476, %sub3A_40 : vector<16xf32>
        %add3A_478 = arith.addf %add3A_471, %mul3A_477 : vector<16xf32>
        %mul3A_479 = arith.mulf %get3A_476, %get3A_476 : vector<16xf32>
        %add3A_480 = arith.addf %add3A_473, %mul3A_479 : vector<16xf32>
        %reduce_sum3A_481 = arith.constant true
        %reduce_sum3A_482 = vector.broadcast %reduce_sum3A_481 : i1 to vector<16xi1>
        %reduce_sum3A_483 = tpu.scan <sum>, %add3A_478 masked %reduce_sum3A_482 : vector<16xf32>, vector<16xi1> -> vector<16xf32>
        %reduce_sum3A_484 = vector.extract %reduce_sum3A_483[15] : f32 from vector<16xf32>
        %reduce_sum3A_485 = arith.constant true
        %reduce_sum3A_486 = vector.broadcast %reduce_sum3A_485 : i1 to vector<16xi1>
        %reduce_sum3A_487 = tpu.scan <sum>, %add3A_480 masked %reduce_sum3A_486 : vector<16xf32>, vector<16xi1> -> vector<16xf32>
        %reduce_sum3A_488 = vector.extract %reduce_sum3A_487[15] : f32 from vector<16xf32>
        %eq3A_489 = vector.broadcast %add3A_417 : i32 to vector<16xi32>
        %eq3A_490 = arith.cmpi eq, %iota3A, %eq3A_489 : vector<16xi32>
        %broadcast_in_dim3A_491 = vector.broadcast %reduce_sum3A_484 : f32 to vector<16xf32>
        %select_n3A_492 = arith.select %eq3A_490, %broadcast_in_dim3A_491, %select_n3A_411 : vector<16xi1>, vector<16xf32>
        %broadcast_in_dim3A_493 = vector.broadcast %reduce_sum3A_488 : f32 to vector<16xf32>
        %select_n3A_494 = arith.select %eq3A_490, %broadcast_in_dim3A_493, %select_n3A_413 : vector<16xi1>, vector<16xf32>
        %mul3A_495 = arith.constant 4 : i32
        %mul3A_496 = arith.muli %scan3A_250, %mul3A_495 : i32
        %add3A_497 = arith.constant 3 : i32
        %add3A_498 = arith.addi %mul3A_496, %add3A_497 : i32
        %mul3A_499 = arith.constant 16 : i32
        %mul3A_500 = arith.muli %scan3A_229, %mul3A_499 : i32
        %add3A_501 = arith.addi %mul3A_500, %add3A_498 : i32
        %broadcast_in_dim3A_502 = arith.constant 0.000000e+00 : f32
        %broadcast_in_dim3A_503 = vector.broadcast %broadcast_in_dim3A_502 : f32 to vector<16xf32>
        %broadcast_in_dim3A_504 = arith.constant 0.000000e+00 : f32
        %broadcast_in_dim3A_505 = vector.broadcast %broadcast_in_dim3A_504 : f32 to vector<16xf32>
        %get3A_506 = arith.index_cast %add3A_501 : i32 to index
        %get3A_507 = arith.constant 0 : index
        %get3A_508 = tpu.vector_load %arg10[%get3A_506, %get3A_507] {strides = array<i32>} : memref<128x128xf32, #tpu.memory_space<vmem>>, vector<16xf32>,
        %mul3A_509 = arith.mulf %get3A_508, %sub3A : vector<16xf32>
        %add3A_510 = arith.addf %broadcast_in_dim3A_503, %mul3A_509 : vector<16xf32>
        %mul3A_511 = arith.mulf %get3A_508, %get3A_508 : vector<16xf32>
        %add3A_512 = arith.addf %broadcast_in_dim3A_505, %mul3A_511 : vector<16xf32>
        %get3A_513 = arith.index_cast %add3A_501 : i32 to index
        %get3A_514 = arith.constant 16 : index
        %get3A_515 = tpu.vector_load %arg10[%get3A_513, %get3A_514] {strides = array<i32>} : memref<128x128xf32, #tpu.memory_space<vmem>>, vector<16xf32>,
        %mul3A_516 = arith.mulf %get3A_515, %sub3A_10 : vector<16xf32>
        %add3A_517 = arith.addf %add3A_510, %mul3A_516 : vector<16xf32>
        %mul3A_518 = arith.mulf %get3A_515, %get3A_515 : vector<16xf32>
        %add3A_519 = arith.addf %add3A_512, %mul3A_518 : vector<16xf32>
        %get3A_520 = arith.index_cast %add3A_501 : i32 to index
        %get3A_521 = arith.constant 32 : index
        %get3A_522 = tpu.vector_load %arg10[%get3A_520, %get3A_521] {strides = array<i32>} : memref<128x128xf32, #tpu.memory_space<vmem>>, vector<16xf32>,
        %mul3A_523 = arith.mulf %get3A_522, %sub3A_15 : vector<16xf32>
        %add3A_524 = arith.addf %add3A_517, %mul3A_523 : vector<16xf32>
        %mul3A_525 = arith.mulf %get3A_522, %get3A_522 : vector<16xf32>
        %add3A_526 = arith.addf %add3A_519, %mul3A_525 : vector<16xf32>
        %get3A_527 = arith.index_cast %add3A_501 : i32 to index
        %get3A_528 = arith.constant 48 : index
        %get3A_529 = tpu.vector_load %arg10[%get3A_527, %get3A_528] {strides = array<i32>} : memref<128x128xf32, #tpu.memory_space<vmem>>, vector<16xf32>,
        %mul3A_530 = arith.mulf %get3A_529, %sub3A_20 : vector<16xf32>
        %add3A_531 = arith.addf %add3A_524, %mul3A_530 : vector<16xf32>
        %mul3A_532 = arith.mulf %get3A_529, %get3A_529 : vector<16xf32>
        %add3A_533 = arith.addf %add3A_526, %mul3A_532 : vector<16xf32>
        %get3A_534 = arith.index_cast %add3A_501 : i32 to index
        %get3A_535 = arith.constant 64 : index
        %get3A_536 = tpu.vector_load %arg10[%get3A_534, %get3A_535] {strides = array<i32>} : memref<128x128xf32, #tpu.memory_space<vmem>>, vector<16xf32>,
        %mul3A_537 = arith.mulf %get3A_536, %sub3A_25 : vector<16xf32>
        %add3A_538 = arith.addf %add3A_531, %mul3A_537 : vector<16xf32>
        %mul3A_539 = arith.mulf %get3A_536, %get3A_536 : vector<16xf32>
        %add3A_540 = arith.addf %add3A_533, %mul3A_539 : vector<16xf32>
        %get3A_541 = arith.index_cast %add3A_501 : i32 to index
        %get3A_542 = arith.constant 80 : index
        %get3A_543 = tpu.vector_load %arg10[%get3A_541, %get3A_542] {strides = array<i32>} : memref<128x128xf32, #tpu.memory_space<vmem>>, vector<16xf32>,
        %mul3A_544 = arith.mulf %get3A_543, %sub3A_30 : vector<16xf32>
        %add3A_545 = arith.addf %add3A_538, %mul3A_544 : vector<16xf32>
        %mul3A_546 = arith.mulf %get3A_543, %get3A_543 : vector<16xf32>
        %add3A_547 = arith.addf %add3A_540, %mul3A_546 : vector<16xf32>
        %get3A_548 = arith.index_cast %add3A_501 : i32 to index
        %get3A_549 = arith.constant 96 : index
        %get3A_550 = tpu.vector_load %arg10[%get3A_548, %get3A_549] {strides = array<i32>} : memref<128x128xf32, #tpu.memory_space<vmem>>, vector<16xf32>,
        %mul3A_551 = arith.mulf %get3A_550, %sub3A_35 : vector<16xf32>
        %add3A_552 = arith.addf %add3A_545, %mul3A_551 : vector<16xf32>
        %mul3A_553 = arith.mulf %get3A_550, %get3A_550 : vector<16xf32>
        %add3A_554 = arith.addf %add3A_547, %mul3A_553 : vector<16xf32>
        %get3A_555 = arith.index_cast %add3A_501 : i32 to index
        %get3A_556 = arith.constant 112 : index
        %get3A_557 = tpu.vector_load %arg10[%get3A_555, %get3A_556] {strides = array<i32>} : memref<128x128xf32, #tpu.memory_space<vmem>>, vector<16xf32>,
        %mul3A_558 = arith.mulf %get3A_557, %sub3A_40 : vector<16xf32>
        %add3A_559 = arith.addf %add3A_552, %mul3A_558 : vector<16xf32>
        %mul3A_560 = arith.mulf %get3A_557, %get3A_557 : vector<16xf32>
        %add3A_561 = arith.addf %add3A_554, %mul3A_560 : vector<16xf32>
        %reduce_sum3A_562 = arith.constant true
        %reduce_sum3A_563 = vector.broadcast %reduce_sum3A_562 : i1 to vector<16xi1>
        %reduce_sum3A_564 = tpu.scan <sum>, %add3A_559 masked %reduce_sum3A_563 : vector<16xf32>, vector<16xi1> -> vector<16xf32>
        %reduce_sum3A_565 = vector.extract %reduce_sum3A_564[15] : f32 from vector<16xf32>
        %reduce_sum3A_566 = arith.constant true
        %reduce_sum3A_567 = vector.broadcast %reduce_sum3A_566 : i1 to vector<16xi1>
        %reduce_sum3A_568 = tpu.scan <sum>, %add3A_561 masked %reduce_sum3A_567 : vector<16xf32>, vector<16xi1> -> vector<16xf32>
        %reduce_sum3A_569 = vector.extract %reduce_sum3A_568[15] : f32 from vector<16xf32>
        %eq3A_570 = vector.broadcast %add3A_498 : i32 to vector<16xi32>
        %eq3A_571 = arith.cmpi eq, %iota3A, %eq3A_570 : vector<16xi32>
        %broadcast_in_dim3A_572 = vector.broadcast %reduce_sum3A_565 : f32 to vector<16xf32>
        %select_n3A_573 = arith.select %eq3A_571, %broadcast_in_dim3A_572, %select_n3A_492 : vector<16xi1>, vector<16xf32>
        %broadcast_in_dim3A_574 = vector.broadcast %reduce_sum3A_569 : f32 to vector<16xf32>
        %select_n3A_575 = arith.select %eq3A_571, %broadcast_in_dim3A_574, %select_n3A_494 : vector<16xi1>, vector<16xf32>
        scf.yield %select_n3A_573, %select_n3A_575 : vector<16xf32>, vector<16xf32>
      }
      %scan3A_239 = arith.constant 4 : i32
      %abs3A = math.absf %scan3A_238#0 : vector<16xf32>
      %mul3A_240 = arith.mulf %scan3A_238#0, %abs3A : vector<16xf32>
      %max3A = arith.constant 1.000000e-30 : f32
      %max3A_241 = vector.broadcast %max3A : f32 to vector<16xf32>
      %max3A_242 = arith.maximumf %scan3A_238#1, %max3A_241 : vector<16xf32>
      %div3A = arith.divf %mul3A_240, %max3A_242 : vector<16xf32>
      %mul3A_243 = arith.constant 16 : i32
      %mul3A_244 = arith.muli %scan3A_229, %mul3A_243 : i32
      %add3A_245 = arith.addi %add3A_80, %mul3A_244 : i32
      %add3A_246 = vector.broadcast %add3A_245 : i32 to vector<16xi32>
      %add3A_247 = arith.addi %add3A_246, %iota3A : vector<16xi32>
      %gt3A = arith.cmpf ogt, %div3A, %scan3A_230 : vector<16xf32>
      %select_n3A_248 = arith.select %gt3A, %add3A_247, %scan3A_231 : vector<16xi1>, vector<16xi32>
      %select_n3A_249 = arith.select %gt3A, %div3A, %scan3A_230 : vector<16xi1>, vector<16xf32>
      scf.yield %select_n3A_249, %select_n3A_248 : vector<16xf32>, vector<16xi32>
    }
    %scan3A_86 = arith.constant 8 : i32
    %reduce_max3A = arith.constant true
    %reduce_max3A_87 = vector.broadcast %reduce_max3A : i1 to vector<16xi1>
    %reduce_max3A_88 = tpu.scan <max>, %scan3A_85#0 masked %reduce_max3A_87 : vector<16xf32>, vector<16xi1> -> vector<16xf32>
    %reduce_max3A_89 = vector.extract %reduce_max3A_88[15] : f32 from vector<16xf32>
    %eq3A = vector.broadcast %reduce_max3A_89 : f32 to vector<16xf32>
    %eq3A_90 = arith.cmpf oeq, %scan3A_85#0, %eq3A : vector<16xf32>
    %jit3A = arith.constant 2147483647 : i32
    %broadcast_in_dim3A_91 = vector.broadcast %jit3A : i32 to vector<16xi32>
    %select_n3A = arith.select %eq3A_90, %scan3A_85#1, %broadcast_in_dim3A_91 : vector<16xi1>, vector<16xi32>
    %reduce_min3A = arith.constant true
    %reduce_min3A_92 = vector.broadcast %reduce_min3A : i1 to vector<16xi1>
    %reduce_min3A_93 = arith.constant -2147483648 : i32
    %reduce_min3A_94 = vector.broadcast %reduce_min3A_93 : i32 to vector<16xi32>
    %reduce_min3A_95 = arith.xori %select_n3A, %reduce_min3A_94 : vector<16xi32>
    %reduce_min3A_96 = tpu.scan <min>, %reduce_min3A_95 masked %reduce_min3A_92 : vector<16xi32>, vector<16xi1> -> vector<16xi32>
    %reduce_min3A_97 = arith.xori %reduce_min3A_96, %reduce_min3A_94 : vector<16xi32>
    %reduce_min3A_98 = vector.extract %reduce_min3A_97[15] : i32 from vector<16xi32>
    %broadcast_in_dim3A_99 = arith.constant 0.000000e+00 : f32
    %broadcast_in_dim3A_100 = vector.broadcast %broadcast_in_dim3A_99 : f32 to vector<16xf32>
    %add3A_101 = vector.broadcast %reduce_max3A_89 : f32 to vector<16xf32>
    %add3A_102 = arith.addf %broadcast_in_dim3A_100, %add3A_101 : vector<16xf32>
    %swap3A = arith.constant 0 : i32
    %swap3A_103 = arith.index_cast %swap3A : i32 to index
    %swap3A_104 = arith.constant 0 : index
    %swap3A_105 = tpu.vector_load %arg11[%swap3A_103, %swap3A_104] {strides = array<i32>} : memref<8x16xf32, #tpu.memory_space<vmem>>, vector<16xf32>,
    tpu.vector_store %arg11[%swap3A_103, %swap3A_104], %add3A_102 {strides = array<i32>} : memref<8x16xf32, #tpu.memory_space<vmem>>, vector<16xf32>,
    %broadcast_in_dim3A_106 = arith.constant 0 : i32
    %broadcast_in_dim3A_107 = vector.broadcast %broadcast_in_dim3A_106 : i32 to vector<16xi32>
    %add3A_108 = vector.broadcast %reduce_min3A_98 : i32 to vector<16xi32>
    %add3A_109 = arith.addi %broadcast_in_dim3A_107, %add3A_108 : vector<16xi32>
    %swap3A_110 = arith.constant 0 : i32
    %swap3A_111 = arith.index_cast %swap3A_110 : i32 to index
    %swap3A_112 = arith.constant 0 : index
    %swap3A_113 = tpu.vector_load %arg12[%swap3A_111, %swap3A_112] {strides = array<i32>} : memref<8x16xi32, #tpu.memory_space<vmem>>, vector<16xi32>,
    tpu.vector_store %arg12[%swap3A_111, %swap3A_112], %add3A_109 {strides = array<i32>} : memref<8x16xi32, #tpu.memory_space<vmem>>, vector<16xi32>,
    %broadcast_in_dim3A_114 = arith.constant 0.000000e+00 : f32
    %broadcast_in_dim3A_115 = vector.broadcast %broadcast_in_dim3A_114 : f32 to vector<16xf32>
    %add3A_116 = vector.broadcast %reduce_max3A_89 : f32 to vector<16xf32>
    %add3A_117 = arith.addf %broadcast_in_dim3A_115, %add3A_116 : vector<16xf32>
    %swap3A_118 = arith.constant 1 : i32
    %swap3A_119 = arith.index_cast %swap3A_118 : i32 to index
    %swap3A_120 = arith.constant 0 : index
    %swap3A_121 = tpu.vector_load %arg11[%swap3A_119, %swap3A_120] {strides = array<i32>} : memref<8x16xf32, #tpu.memory_space<vmem>>, vector<16xf32>,
    tpu.vector_store %arg11[%swap3A_119, %swap3A_120], %add3A_117 {strides = array<i32>} : memref<8x16xf32, #tpu.memory_space<vmem>>, vector<16xf32>,
    %broadcast_in_dim3A_122 = arith.constant 0 : i32
    %broadcast_in_dim3A_123 = vector.broadcast %broadcast_in_dim3A_122 : i32 to vector<16xi32>
    %add3A_124 = vector.broadcast %reduce_min3A_98 : i32 to vector<16xi32>
    %add3A_125 = arith.addi %broadcast_in_dim3A_123, %add3A_124 : vector<16xi32>
    %swap3A_126 = arith.constant 1 : i32
    %swap3A_127 = arith.index_cast %swap3A_126 : i32 to index
    %swap3A_128 = arith.constant 0 : index
    %swap3A_129 = tpu.vector_load %arg12[%swap3A_127, %swap3A_128] {strides = array<i32>} : memref<8x16xi32, #tpu.memory_space<vmem>>, vector<16xi32>,
    tpu.vector_store %arg12[%swap3A_127, %swap3A_128], %add3A_125 {strides = array<i32>} : memref<8x16xi32, #tpu.memory_space<vmem>>, vector<16xi32>,
    %broadcast_in_dim3A_130 = arith.constant 0.000000e+00 : f32
    %broadcast_in_dim3A_131 = vector.broadcast %broadcast_in_dim3A_130 : f32 to vector<16xf32>
    %add3A_132 = vector.broadcast %reduce_max3A_89 : f32 to vector<16xf32>
    %add3A_133 = arith.addf %broadcast_in_dim3A_131, %add3A_132 : vector<16xf32>
    %swap3A_134 = arith.constant 2 : i32
    %swap3A_135 = arith.index_cast %swap3A_134 : i32 to index
    %swap3A_136 = arith.constant 0 : index
    %swap3A_137 = tpu.vector_load %arg11[%swap3A_135, %swap3A_136] {strides = array<i32>} : memref<8x16xf32, #tpu.memory_space<vmem>>, vector<16xf32>,
    tpu.vector_store %arg11[%swap3A_135, %swap3A_136], %add3A_133 {strides = array<i32>} : memref<8x16xf32, #tpu.memory_space<vmem>>, vector<16xf32>,
    %broadcast_in_dim3A_138 = arith.constant 0 : i32
    %broadcast_in_dim3A_139 = vector.broadcast %broadcast_in_dim3A_138 : i32 to vector<16xi32>
    %add3A_140 = vector.broadcast %reduce_min3A_98 : i32 to vector<16xi32>
    %add3A_141 = arith.addi %broadcast_in_dim3A_139, %add3A_140 : vector<16xi32>
    %swap3A_142 = arith.constant 2 : i32
    %swap3A_143 = arith.index_cast %swap3A_142 : i32 to index
    %swap3A_144 = arith.constant 0 : index
    %swap3A_145 = tpu.vector_load %arg12[%swap3A_143, %swap3A_144] {strides = array<i32>} : memref<8x16xi32, #tpu.memory_space<vmem>>, vector<16xi32>,
    tpu.vector_store %arg12[%swap3A_143, %swap3A_144], %add3A_141 {strides = array<i32>} : memref<8x16xi32, #tpu.memory_space<vmem>>, vector<16xi32>,
    %broadcast_in_dim3A_146 = arith.constant 0.000000e+00 : f32
    %broadcast_in_dim3A_147 = vector.broadcast %broadcast_in_dim3A_146 : f32 to vector<16xf32>
    %add3A_148 = vector.broadcast %reduce_max3A_89 : f32 to vector<16xf32>
    %add3A_149 = arith.addf %broadcast_in_dim3A_147, %add3A_148 : vector<16xf32>
    %swap3A_150 = arith.constant 3 : i32
    %swap3A_151 = arith.index_cast %swap3A_150 : i32 to index
    %swap3A_152 = arith.constant 0 : index
    %swap3A_153 = tpu.vector_load %arg11[%swap3A_151, %swap3A_152] {strides = array<i32>} : memref<8x16xf32, #tpu.memory_space<vmem>>, vector<16xf32>,
    tpu.vector_store %arg11[%swap3A_151, %swap3A_152], %add3A_149 {strides = array<i32>} : memref<8x16xf32, #tpu.memory_space<vmem>>, vector<16xf32>,
    %broadcast_in_dim3A_154 = arith.constant 0 : i32
    %broadcast_in_dim3A_155 = vector.broadcast %broadcast_in_dim3A_154 : i32 to vector<16xi32>
    %add3A_156 = vector.broadcast %reduce_min3A_98 : i32 to vector<16xi32>
    %add3A_157 = arith.addi %broadcast_in_dim3A_155, %add3A_156 : vector<16xi32>
    %swap3A_158 = arith.constant 3 : i32
    %swap3A_159 = arith.index_cast %swap3A_158 : i32 to index
    %swap3A_160 = arith.constant 0 : index
    %swap3A_161 = tpu.vector_load %arg12[%swap3A_159, %swap3A_160] {strides = array<i32>} : memref<8x16xi32, #tpu.memory_space<vmem>>, vector<16xi32>,
    tpu.vector_store %arg12[%swap3A_159, %swap3A_160], %add3A_157 {strides = array<i32>} : memref<8x16xi32, #tpu.memory_space<vmem>>, vector<16xi32>,
    %broadcast_in_dim3A_162 = arith.constant 0.000000e+00 : f32
    %broadcast_in_dim3A_163 = vector.broadcast %broadcast_in_dim3A_162 : f32 to vector<16xf32>
    %add3A_164 = vector.broadcast %reduce_max3A_89 : f32 to vector<16xf32>
    %add3A_165 = arith.addf %broadcast_in_dim3A_163, %add3A_164 : vector<16xf32>
    %swap3A_166 = arith.constant 4 : i32
    %swap3A_167 = arith.index_cast %swap3A_166 : i32 to index
    %swap3A_168 = arith.constant 0 : index
    %swap3A_169 = tpu.vector_load %arg11[%swap3A_167, %swap3A_168] {strides = array<i32>} : memref<8x16xf32, #tpu.memory_space<vmem>>, vector<16xf32>,
    tpu.vector_store %arg11[%swap3A_167, %swap3A_168], %add3A_165 {strides = array<i32>} : memref<8x16xf32, #tpu.memory_space<vmem>>, vector<16xf32>,
    %broadcast_in_dim3A_170 = arith.constant 0 : i32
    %broadcast_in_dim3A_171 = vector.broadcast %broadcast_in_dim3A_170 : i32 to vector<16xi32>
    %add3A_172 = vector.broadcast %reduce_min3A_98 : i32 to vector<16xi32>
    %add3A_173 = arith.addi %broadcast_in_dim3A_171, %add3A_172 : vector<16xi32>
    %swap3A_174 = arith.constant 4 : i32
    %swap3A_175 = arith.index_cast %swap3A_174 : i32 to index
    %swap3A_176 = arith.constant 0 : index
    %swap3A_177 = tpu.vector_load %arg12[%swap3A_175, %swap3A_176] {strides = array<i32>} : memref<8x16xi32, #tpu.memory_space<vmem>>, vector<16xi32>,
    tpu.vector_store %arg12[%swap3A_175, %swap3A_176], %add3A_173 {strides = array<i32>} : memref<8x16xi32, #tpu.memory_space<vmem>>, vector<16xi32>,
    %broadcast_in_dim3A_178 = arith.constant 0.000000e+00 : f32
    %broadcast_in_dim3A_179 = vector.broadcast %broadcast_in_dim3A_178 : f32 to vector<16xf32>
    %add3A_180 = vector.broadcast %reduce_max3A_89 : f32 to vector<16xf32>
    %add3A_181 = arith.addf %broadcast_in_dim3A_179, %add3A_180 : vector<16xf32>
    %swap3A_182 = arith.constant 5 : i32
    %swap3A_183 = arith.index_cast %swap3A_182 : i32 to index
    %swap3A_184 = arith.constant 0 : index
    %swap3A_185 = tpu.vector_load %arg11[%swap3A_183, %swap3A_184] {strides = array<i32>} : memref<8x16xf32, #tpu.memory_space<vmem>>, vector<16xf32>,
    tpu.vector_store %arg11[%swap3A_183, %swap3A_184], %add3A_181 {strides = array<i32>} : memref<8x16xf32, #tpu.memory_space<vmem>>, vector<16xf32>,
    %broadcast_in_dim3A_186 = arith.constant 0 : i32
    %broadcast_in_dim3A_187 = vector.broadcast %broadcast_in_dim3A_186 : i32 to vector<16xi32>
    %add3A_188 = vector.broadcast %reduce_min3A_98 : i32 to vector<16xi32>
    %add3A_189 = arith.addi %broadcast_in_dim3A_187, %add3A_188 : vector<16xi32>
    %swap3A_190 = arith.constant 5 : i32
    %swap3A_191 = arith.index_cast %swap3A_190 : i32 to index
    %swap3A_192 = arith.constant 0 : index
    %swap3A_193 = tpu.vector_load %arg12[%swap3A_191, %swap3A_192] {strides = array<i32>} : memref<8x16xi32, #tpu.memory_space<vmem>>, vector<16xi32>,
    tpu.vector_store %arg12[%swap3A_191, %swap3A_192], %add3A_189 {strides = array<i32>} : memref<8x16xi32, #tpu.memory_space<vmem>>, vector<16xi32>,
    %broadcast_in_dim3A_194 = arith.constant 0.000000e+00 : f32
    %broadcast_in_dim3A_195 = vector.broadcast %broadcast_in_dim3A_194 : f32 to vector<16xf32>
    %add3A_196 = vector.broadcast %reduce_max3A_89 : f32 to vector<16xf32>
    %add3A_197 = arith.addf %broadcast_in_dim3A_195, %add3A_196 : vector<16xf32>
    %swap3A_198 = arith.constant 6 : i32
    %swap3A_199 = arith.index_cast %swap3A_198 : i32 to index
    %swap3A_200 = arith.constant 0 : index
    %swap3A_201 = tpu.vector_load %arg11[%swap3A_199, %swap3A_200] {strides = array<i32>} : memref<8x16xf32, #tpu.memory_space<vmem>>, vector<16xf32>,
    tpu.vector_store %arg11[%swap3A_199, %swap3A_200], %add3A_197 {strides = array<i32>} : memref<8x16xf32, #tpu.memory_space<vmem>>, vector<16xf32>,
    %broadcast_in_dim3A_202 = arith.constant 0 : i32
    %broadcast_in_dim3A_203 = vector.broadcast %broadcast_in_dim3A_202 : i32 to vector<16xi32>
    %add3A_204 = vector.broadcast %reduce_min3A_98 : i32 to vector<16xi32>
    %add3A_205 = arith.addi %broadcast_in_dim3A_203, %add3A_204 : vector<16xi32>
    %swap3A_206 = arith.constant 6 : i32
    %swap3A_207 = arith.index_cast %swap3A_206 : i32 to index
    %swap3A_208 = arith.constant 0 : index
    %swap3A_209 = tpu.vector_load %arg12[%swap3A_207, %swap3A_208] {strides = array<i32>} : memref<8x16xi32, #tpu.memory_space<vmem>>, vector<16xi32>,
    tpu.vector_store %arg12[%swap3A_207, %swap3A_208], %add3A_205 {strides = array<i32>} : memref<8x16xi32, #tpu.memory_space<vmem>>, vector<16xi32>,
    %broadcast_in_dim3A_210 = arith.constant 0.000000e+00 : f32
    %broadcast_in_dim3A_211 = vector.broadcast %broadcast_in_dim3A_210 : f32 to vector<16xf32>
    %add3A_212 = vector.broadcast %reduce_max3A_89 : f32 to vector<16xf32>
    %add3A_213 = arith.addf %broadcast_in_dim3A_211, %add3A_212 : vector<16xf32>
    %swap3A_214 = arith.constant 7 : i32
    %swap3A_215 = arith.index_cast %swap3A_214 : i32 to index
    %swap3A_216 = arith.constant 0 : index
    %swap3A_217 = tpu.vector_load %arg11[%swap3A_215, %swap3A_216] {strides = array<i32>} : memref<8x16xf32, #tpu.memory_space<vmem>>, vector<16xf32>,
    tpu.vector_store %arg11[%swap3A_215, %swap3A_216], %add3A_213 {strides = array<i32>} : memref<8x16xf32, #tpu.memory_space<vmem>>, vector<16xf32>,
    %broadcast_in_dim3A_218 = arith.constant 0 : i32
    %broadcast_in_dim3A_219 = vector.broadcast %broadcast_in_dim3A_218 : i32 to vector<16xi32>
    %add3A_220 = vector.broadcast %reduce_min3A_98 : i32 to vector<16xi32>
    %add3A_221 = arith.addi %broadcast_in_dim3A_219, %add3A_220 : vector<16xi32>
    %swap3A_222 = arith.constant 7 : i32
    %swap3A_223 = arith.index_cast %swap3A_222 : i32 to index
    %swap3A_224 = arith.constant 0 : index
    %swap3A_225 = tpu.vector_load %arg12[%swap3A_223, %swap3A_224] {strides = array<i32>} : memref<8x16xi32, #tpu.memory_space<vmem>>, vector<16xi32>,
    tpu.vector_store %arg12[%swap3A_223, %swap3A_224], %add3A_221 {strides = array<i32>} : memref<8x16xi32, #tpu.memory_space<vmem>>, vector<16xi32>,
    %mul3A_226 = arith.constant 8 : i32
    %mul3A_227 = arith.muli %add3A, %mul3A_226 : i32
    %multiple_of3A_228 = tpu.assume_multiple %mul3A_227, 8 : i32
    "tpu.region"() ({
      %run_scoped3A = tpu.sem_alloc : memref<!tpu.dma_semaphore, #tpu.memory_space<semaphore_mem>>
      %dma_start3A_229 = arith.constant 0 : i32
      %dma_start3A_230 = tpu.memref_slice %arg5[%multiple_of3A_228, %dma_start3A_229] : memref<256x16xf32, #tpu.memory_space<hbm>> -> memref<8x16xf32, #tpu.memory_space<hbm>>
      %dma_start3A_231 = arith.constant 0 : i32
      %dma_start3A_232 = tpu.memref_slice %arg5[%multiple_of3A_228, %dma_start3A_231] : memref<256x16xf32, #tpu.memory_space<hbm>> -> memref<8x16xf32, #tpu.memory_space<hbm>>
      tpu.enqueue_dma source(%arg11 : memref<8x16xf32, #tpu.memory_space<vmem>>) target(%dma_start3A_232 : memref<8x16xf32, #tpu.memory_space<hbm>>) target_semaphore(%run_scoped3A : memref<!tpu.dma_semaphore, #tpu.memory_space<semaphore_mem>>)
      %dma_wait3A_233 = arith.constant 0 : i32
      %dma_wait3A_234 = tpu.memref_slice %arg5[%multiple_of3A_228, %dma_wait3A_233] : memref<256x16xf32, #tpu.memory_space<hbm>> -> memref<8x16xf32, #tpu.memory_space<hbm>>
      %dma_wait3A_235 = arith.constant 0 : i32
      %dma_wait3A_236 = tpu.memref_slice %arg5[%multiple_of3A_228, %dma_wait3A_235] : memref<256x16xf32, #tpu.memory_space<hbm>> -> memref<8x16xf32, #tpu.memory_space<hbm>>
      tpu.wait_dma2 semaphore(%run_scoped3A : memref<!tpu.dma_semaphore, #tpu.memory_space<semaphore_mem>>) src(%arg11 : memref<8x16xf32, #tpu.memory_space<vmem>>) dst(%dma_wait3A_236 : memref<8x16xf32, #tpu.memory_space<hbm>>)
      tpu.yield
    }) : () -> ()
    "tpu.region"() ({
      %run_scoped3A = tpu.sem_alloc : memref<!tpu.dma_semaphore, #tpu.memory_space<semaphore_mem>>
      %dma_start3A_229 = arith.constant 0 : i32
      %dma_start3A_230 = tpu.memref_slice %arg6[%multiple_of3A_228, %dma_start3A_229] : memref<256x16xi32, #tpu.memory_space<hbm>> -> memref<8x16xi32, #tpu.memory_space<hbm>>
      %dma_start3A_231 = arith.constant 0 : i32
      %dma_start3A_232 = tpu.memref_slice %arg6[%multiple_of3A_228, %dma_start3A_231] : memref<256x16xi32, #tpu.memory_space<hbm>> -> memref<8x16xi32, #tpu.memory_space<hbm>>
      tpu.enqueue_dma source(%arg12 : memref<8x16xi32, #tpu.memory_space<vmem>>) target(%dma_start3A_232 : memref<8x16xi32, #tpu.memory_space<hbm>>) target_semaphore(%run_scoped3A : memref<!tpu.dma_semaphore, #tpu.memory_space<semaphore_mem>>)
      %dma_wait3A_233 = arith.constant 0 : i32
      %dma_wait3A_234 = tpu.memref_slice %arg6[%multiple_of3A_228, %dma_wait3A_233] : memref<256x16xi32, #tpu.memory_space<hbm>> -> memref<8x16xi32, #tpu.memory_space<hbm>>
      %dma_wait3A_235 = arith.constant 0 : i32
      %dma_wait3A_236 = tpu.memref_slice %arg6[%multiple_of3A_228, %dma_wait3A_235] : memref<256x16xi32, #tpu.memory_space<hbm>> -> memref<8x16xi32, #tpu.memory_space<hbm>>
      tpu.wait_dma2 semaphore(%run_scoped3A : memref<!tpu.dma_semaphore, #tpu.memory_space<semaphore_mem>>) src(%arg12 : memref<8x16xi32, #tpu.memory_space<vmem>>) dst(%dma_wait3A_236 : memref<8x16xi32, #tpu.memory_space<hbm>>)
      tpu.yield
    }) : () -> ()
    return
  }
}

module attributes {stable_mosaic.version = 14 : i64} {
  func.func @_tc_scan_body(%arg0: i32, %arg1: memref<1x128xf32, #tpu.memory_space<vmem>>, %arg2: memref<1x128xf32, #tpu.memory_space<vmem>>, %arg3: memref<2048x128xf32, #tpu.memory_space<vmem>>, %arg4: memref<1x1xf32, #tpu.memory_space<vmem>>, %arg5: memref<1x1xi32, #tpu.memory_space<vmem>>, %arg6: memref<1xf32, #tpu.memory_space<smem>>, %arg7: memref<1xi32, #tpu.memory_space<smem>>) attributes {dimension_semantics = [#tpu.dimension_semantics<arbitrary>], iteration_bounds = array<i64: 21>, scalar_prefetch = 0 : i64, scratch_operands = 2 : i64, tpu.core_type = #tpu.core_type<tc>, window_params = [{pipeline_mode = #tpu.pipeline_mode<synchronous>, transform_indices = @transform_0, window_bounds = array<i64: 1, 128>}, {pipeline_mode = #tpu.pipeline_mode<synchronous>, transform_indices = @transform_1, window_bounds = array<i64: 1, 128>}, {transform_indices = @transform_2, window_bounds = array<i64: 2048, 128>}, {pipeline_mode = #tpu.pipeline_mode<synchronous>, transform_indices = @transform_3, window_bounds = array<i64: 1, 1>}, {pipeline_mode = #tpu.pipeline_mode<synchronous>, transform_indices = @transform_4, window_bounds = array<i64: 1, 1>}]} {
    %get3A = arith.constant 0 : index
    %get3A_0 = arith.constant 0 : index
    %get3A_1 = vector.load %arg3[%get3A, %get3A_0] : memref<2048x128xf32, #tpu.memory_space<vmem>>, vector<2048x128xf32>
    %get3A_2 = arith.constant 0 : index
    %get3A_3 = arith.constant 0 : index
    %get3A_4 = vector.load %arg1[%get3A_2, %get3A_3] : memref<1x128xf32, #tpu.memory_space<vmem>>, vector<1x128xf32>
    %get3A_5 = arith.constant 0 : index
    %get3A_6 = arith.constant 0 : index
    %get3A_7 = vector.load %arg2[%get3A_5, %get3A_6] : memref<1x128xf32, #tpu.memory_space<vmem>>, vector<1x128xf32>
    %sub3A = arith.subf %get3A_4, %get3A_7 : vector<1x128xf32>
    %broadcast_in_dim3A = arith.constant 1.000000e+00 : f32
    %broadcast_in_dim3A_8 = vector.broadcast %broadcast_in_dim3A : f32 to vector<1x128xf32>
    %dot_general3A = arith.constant dense<0.000000e+00> : vector<1x2048xf32>
    %dot_general3A_9 = tpu.matmul %sub3A, %get3A_1, %dot_general3A {dimension_numbers = #tpu.dot_dimension_numbers<[1], [1], [0], [0], [0, 0, 1, 0], [], []>, transpose_lhs_hint = false} : vector<1x128xf32>, vector<2048x128xf32>, vector<1x2048xf32> -> vector<1x2048xf32>
    %mul3A = arith.mulf %get3A_1, %get3A_1 : vector<2048x128xf32>
    %dot_general3A_10 = arith.constant dense<0.000000e+00> : vector<1x2048xf32>
    %dot_general3A_11 = tpu.matmul %broadcast_in_dim3A_8, %mul3A, %dot_general3A_10 {dimension_numbers = #tpu.dot_dimension_numbers<[1], [1], [0], [0], [0, 0, 1, 0], [], []>, transpose_lhs_hint = false} : vector<1x128xf32>, vector<2048x128xf32>, vector<1x2048xf32> -> vector<1x2048xf32>
    %abs3A = math.absf %dot_general3A_9 : vector<1x2048xf32>
    %mul3A_12 = arith.mulf %dot_general3A_9, %abs3A : vector<1x2048xf32>
    %max3A = arith.constant 1.000000e-30 : f32
    %max3A_13 = vector.broadcast %max3A : f32 to vector<1x2048xf32>
    %max3A_14 = arith.maximumf %dot_general3A_11, %max3A_13 : vector<1x2048xf32>
    %div3A = arith.divf %mul3A_12, %max3A_14 : vector<1x2048xf32>
    %mul3A_15 = arith.constant 2048 : i32
    %mul3A_16 = arith.muli %arg0, %mul3A_15 : i32
    %add3A = arith.constant 57344 : i32
    %add3A_17 = arith.addi %add3A, %mul3A_16 : i32
    %iota3A = tpu.iota {dimensions = array<i32: 1>} : vector<1x2048xi32>
    %add3A_18 = vector.broadcast %add3A_17 : i32 to vector<1x2048xi32>
    %add3A_19 = arith.addi %add3A_18, %iota3A : vector<1x2048xi32>
    %lt3A = arith.constant 100000 : i32
    %lt3A_20 = vector.broadcast %lt3A : i32 to vector<1x2048xi32>
    %lt3A_21 = arith.cmpi slt, %add3A_19, %lt3A_20 : vector<1x2048xi32>
    %jit3A = arith.constant 0xFF800000 : f32
    %broadcast_in_dim3A_22 = vector.broadcast %jit3A : f32 to vector<1x2048xf32>
    %select_n3A = arith.select %lt3A_21, %div3A, %broadcast_in_dim3A_22 : vector<1x2048xi1>, vector<1x2048xf32>
    %reduce_max3A = vector.shape_cast %select_n3A : vector<1x2048xf32> to vector<1x1x2048xf32>
    %reduce_max3A_23 = arith.constant dense<0xFF800000> : vector<1xf32>
    %reduce_max3A_24 = vector.multi_reduction <maximumf>, %reduce_max3A, %reduce_max3A_23 [1, 2] : vector<1x1x2048xf32> to vector<1xf32>
    %reduce_max3A_25 = vector.shape_cast %reduce_max3A_24 : vector<1xf32> to vector<1x1x1xf32>
    %reduce_max3A_26 = vector.extract %reduce_max3A_25[0, 0, 0] : f32 from vector<1x1x1xf32>
    %eq3A = vector.broadcast %reduce_max3A_26 : f32 to vector<1x2048xf32>
    %eq3A_27 = arith.cmpf oeq, %select_n3A, %eq3A : vector<1x2048xf32>
    %jit3A_28 = arith.constant 2147483647 : i32
    %broadcast_in_dim3A_29 = vector.broadcast %jit3A_28 : i32 to vector<1x2048xi32>
    %select_n3A_30 = arith.select %eq3A_27, %add3A_19, %broadcast_in_dim3A_29 : vector<1x2048xi1>, vector<1x2048xi32>
    %reduce_min3A = vector.shape_cast %select_n3A_30 : vector<1x2048xi32> to vector<1x1x2048xi32>
    %reduce_min3A_31 = arith.constant dense<2147483647> : vector<1xi32>
    %reduce_min3A_32 = vector.multi_reduction <minsi>, %reduce_min3A, %reduce_min3A_31 [1, 2] : vector<1x1x2048xi32> to vector<1xi32>
    %reduce_min3A_33 = vector.shape_cast %reduce_min3A_32 : vector<1xi32> to vector<1x1x1xi32>
    %reduce_min3A_34 = vector.extract %reduce_min3A_33[0, 0, 0] : i32 from vector<1x1x1xi32>
    %eq3A_35 = arith.constant 0 : i32
    %eq3A_36 = arith.cmpi eq, %arg0, %eq3A_35 : i32
    %convert_element_type3A = arith.extui %eq3A_36 : i1 to i32
    %cond3A = arith.constant 0 : i32
    %cond3A_37 = arith.cmpi ne, %convert_element_type3A, %cond3A : i32
    scf.if %cond3A_37 {
      %swap3A = arith.constant 0 : index
      %swap3A_47 = memref.load %arg6[%swap3A] : memref<1xf32, #tpu.memory_space<smem>>
      memref.store %reduce_max3A_26, %arg6[%swap3A] : memref<1xf32, #tpu.memory_space<smem>>
      %swap3A_48 = arith.constant 0 : index
      %swap3A_49 = memref.load %arg7[%swap3A_48] : memref<1xi32, #tpu.memory_space<smem>>
      memref.store %reduce_min3A_34, %arg7[%swap3A_48] : memref<1xi32, #tpu.memory_space<smem>>
    } else {
    }
    %gt3A = arith.constant 0 : i32
    %gt3A_38 = arith.cmpi sgt, %arg0, %gt3A : i32
    %convert_element_type3A_39 = arith.extui %gt3A_38 : i1 to i32
    %cond3A_40 = arith.constant 0 : i32
    %cond3A_41 = arith.cmpi ne, %convert_element_type3A_39, %cond3A_40 : i32
    scf.if %cond3A_41 {
      %get3A_47 = arith.constant 0 : index
      %get3A_48 = memref.load %arg6[%get3A_47] : memref<1xf32, #tpu.memory_space<smem>>
      %gt3A_49 = arith.cmpf ogt, %reduce_max3A_26, %get3A_48 : f32
      %get3A_50 = arith.constant 0 : index
      %get3A_51 = memref.load %arg6[%get3A_50] : memref<1xf32, #tpu.memory_space<smem>>
      %select_n3A_52 = arith.select %gt3A_49, %reduce_max3A_26, %get3A_51 : f32
      %swap3A = arith.constant 0 : index
      %swap3A_53 = memref.load %arg6[%swap3A] : memref<1xf32, #tpu.memory_space<smem>>
      memref.store %select_n3A_52, %arg6[%swap3A] : memref<1xf32, #tpu.memory_space<smem>>
      %get3A_54 = arith.constant 0 : index
      %get3A_55 = memref.load %arg7[%get3A_54] : memref<1xi32, #tpu.memory_space<smem>>
      %select_n3A_56 = arith.select %gt3A_49, %reduce_min3A_34, %get3A_55 : i32
      %swap3A_57 = arith.constant 0 : index
      %swap3A_58 = memref.load %arg7[%swap3A_57] : memref<1xi32, #tpu.memory_space<smem>>
      memref.store %select_n3A_56, %arg7[%swap3A_57] : memref<1xi32, #tpu.memory_space<smem>>
    } else {
    }
    %eq3A_42 = arith.constant 20 : i32
    %eq3A_43 = arith.cmpi eq, %arg0, %eq3A_42 : i32
    %convert_element_type3A_44 = arith.extui %eq3A_43 : i1 to i32
    %cond3A_45 = arith.constant 0 : i32
    %cond3A_46 = arith.cmpi ne, %convert_element_type3A_44, %cond3A_45 : i32
    scf.if %cond3A_46 {
      %get3A_47 = arith.constant 0 : index
      %get3A_48 = memref.load %arg6[%get3A_47] : memref<1xf32, #tpu.memory_space<smem>>
      %broadcast_in_dim3A_49 = vector.broadcast %get3A_48 : f32 to vector<1x1xf32>
      %swap3A = arith.constant 0 : index
      %swap3A_50 = arith.constant 0 : index
      %swap3A_51 = vector.load %arg4[%swap3A, %swap3A_50] : memref<1x1xf32, #tpu.memory_space<vmem>>, vector<1x1xf32>
      tpu.vector_store %arg4[%swap3A, %swap3A_50], %broadcast_in_dim3A_49 {strides = array<i32>} : memref<1x1xf32, #tpu.memory_space<vmem>>, vector<1x1xf32>,
      %get3A_52 = arith.constant 0 : index
      %get3A_53 = memref.load %arg7[%get3A_52] : memref<1xi32, #tpu.memory_space<smem>>
      %broadcast_in_dim3A_54 = vector.broadcast %get3A_53 : i32 to vector<1x1xi32>
      %swap3A_55 = arith.constant 0 : index
      %swap3A_56 = arith.constant 0 : index
      %swap3A_57 = vector.load %arg5[%swap3A_55, %swap3A_56] : memref<1x1xi32, #tpu.memory_space<vmem>>, vector<1x1xi32>
      tpu.vector_store %arg5[%swap3A_55, %swap3A_56], %broadcast_in_dim3A_54 {strides = array<i32>} : memref<1x1xi32, #tpu.memory_space<vmem>>, vector<1x1xi32>,
    } else {
    }
    return
  }
  func.func @transform_0(%arg0: i32) -> (i32, i32) {
    %c0_i32 = arith.constant 0 : i32
    %c0_i32_0 = arith.constant 0 : i32
    %c0_i32_1 = arith.constant 0 : i32
    return %c0_i32, %c0_i32_0 : i32, i32
  }
  func.func @transform_1(%arg0: i32) -> (i32, i32) {
    %c0_i32 = arith.constant 0 : i32
    %c0_i32_0 = arith.constant 0 : i32
    %c0_i32_1 = arith.constant 0 : i32
    return %c0_i32, %c0_i32_0 : i32, i32
  }
  func.func @transform_2(%arg0: i32) -> (i32, i32) {
    %add3A = arith.constant 28 : i32
    %add3A_0 = arith.addi %add3A, %arg0 : i32
    %c0_i32 = arith.constant 0 : i32
    %c0_i32_1 = arith.constant 0 : i32
    return %add3A_0, %c0_i32 : i32, i32
  }
  func.func @transform_3(%arg0: i32) -> (i32, i32) {
    %c0_i32 = arith.constant 0 : i32
    %c0_i32_0 = arith.constant 0 : i32
    %c0_i32_1 = arith.constant 0 : i32
    return %c0_i32, %c0_i32_0 : i32, i32
  }
  func.func @transform_4(%arg0: i32) -> (i32, i32) {
    %c0_i32 = arith.constant 0 : i32
    %c0_i32_0 = arith.constant 0 : i32
    %c0_i32_1 = arith.constant 0 : i32
    return %c0_i32, %c0_i32_0 : i32, i32
  }
}

module attributes {stable_mosaic.version = 14 : i64} {
  func.func @_merge_body(%arg0: memref<256x16xf32, #tpu.memory_space<vmem>>, %arg1: memref<256x16xi32, #tpu.memory_space<vmem>>, %arg2: memref<1x1xf32, #tpu.memory_space<vmem>>, %arg3: memref<1x1xi32, #tpu.memory_space<vmem>>, %arg4: memref<100000x128xf32, #tpu.memory_space<any>>, %arg5: memref<1x128xf32, #tpu.memory_space<vmem>>, %arg6: memref<1x1xi32, #tpu.memory_space<vmem>>, %arg7: memref<1x1xi32, #tpu.memory_space<vmem>>, %arg8: memref<8x128xf32, #tpu.memory_space<vmem>>, %arg9: memref<1xi32, #tpu.memory_space<smem>>, %arg10: memref<!tpu.dma_semaphore, #tpu.memory_space<semaphore_mem>>) attributes {dimension_semantics = [], scalar_prefetch = 0 : i64, scratch_operands = 3 : i64, tpu.core_type = #tpu.core_type<tc>} {
    %get3A = arith.constant 0 : index
    %get3A_0 = arith.constant 0 : index
    %get3A_1 = vector.load %arg0[%get3A, %get3A_0] : memref<256x16xf32, #tpu.memory_space<vmem>>, vector<256x16xf32>
    %get3A_2 = arith.constant 0 : index
    %get3A_3 = arith.constant 0 : index
    %get3A_4 = vector.load %arg1[%get3A_2, %get3A_3] : memref<256x16xi32, #tpu.memory_space<vmem>>, vector<256x16xi32>
    %reduce_max3A = vector.shape_cast %get3A_1 : vector<256x16xf32> to vector<1x256x16xf32>
    %reduce_max3A_5 = arith.constant dense<0xFF800000> : vector<1xf32>
    %reduce_max3A_6 = vector.multi_reduction <maximumf>, %reduce_max3A, %reduce_max3A_5 [1, 2] : vector<1x256x16xf32> to vector<1xf32>
    %reduce_max3A_7 = vector.shape_cast %reduce_max3A_6 : vector<1xf32> to vector<1x1x1xf32>
    %reduce_max3A_8 = vector.extract %reduce_max3A_7[0, 0, 0] : f32 from vector<1x1x1xf32>
    %eq3A = vector.broadcast %reduce_max3A_8 : f32 to vector<256x16xf32>
    %eq3A_9 = arith.cmpf oeq, %get3A_1, %eq3A : vector<256x16xf32>
    %jit3A = arith.constant 2147483647 : i32
    %broadcast_in_dim3A = vector.broadcast %jit3A : i32 to vector<256x16xi32>
    %select_n3A = arith.select %eq3A_9, %get3A_4, %broadcast_in_dim3A : vector<256x16xi1>, vector<256x16xi32>
    %reduce_min3A = vector.shape_cast %select_n3A : vector<256x16xi32> to vector<1x256x16xi32>
    %reduce_min3A_10 = arith.constant dense<2147483647> : vector<1xi32>
    %reduce_min3A_11 = vector.multi_reduction <minsi>, %reduce_min3A, %reduce_min3A_10 [1, 2] : vector<1x256x16xi32> to vector<1xi32>
    %reduce_min3A_12 = vector.shape_cast %reduce_min3A_11 : vector<1xi32> to vector<1x1x1xi32>
    %reduce_min3A_13 = vector.extract %reduce_min3A_12[0, 0, 0] : i32 from vector<1x1x1xi32>
    %get3A_14 = arith.constant 0 : index
    %get3A_15 = arith.constant 0 : index
    %get3A_16 = vector.load %arg2[%get3A_14, %get3A_15] : memref<1x1xf32, #tpu.memory_space<vmem>>, vector<1x1xf32>
    %get3A_17 = vector.extract %get3A_16[0, 0] : f32 from vector<1x1xf32>
    %get3A_18 = arith.constant 0 : index
    %get3A_19 = arith.constant 0 : index
    %get3A_20 = vector.load %arg3[%get3A_18, %get3A_19] : memref<1x1xi32, #tpu.memory_space<vmem>>, vector<1x1xi32>
    %get3A_21 = vector.extract %get3A_20[0, 0] : i32 from vector<1x1xi32>
    %gt3A = arith.cmpf ogt, %get3A_17, %reduce_max3A_8 : f32
    %select_n3A_22 = arith.select %gt3A, %get3A_21, %reduce_min3A_13 : i32
    %swap3A = arith.constant 0 : index
    %swap3A_23 = memref.load %arg9[%swap3A] : memref<1xi32, #tpu.memory_space<smem>>
    memref.store %select_n3A_22, %arg9[%swap3A] : memref<1xi32, #tpu.memory_space<smem>>
    %get3A_24 = arith.constant 0 : index
    %get3A_25 = memref.load %arg9[%get3A_24] : memref<1xi32, #tpu.memory_space<smem>>
    %jit3A_26 = arith.constant 8 : i32
    %div3A = arith.divsi %get3A_25, %jit3A_26 : i32
    %sign3A = arith.constant 0 : i32
    %sign3A_27 = arith.cmpi sgt, %get3A_25, %sign3A : i32
    %sign3A_28 = arith.extui %sign3A_27 : i1 to i32
    %sign3A_29 = arith.constant 0 : i32
    %sign3A_30 = arith.cmpi slt, %get3A_25, %sign3A_29 : i32
    %sign3A_31 = arith.extui %sign3A_30 : i1 to i32
    %sign3A_32 = arith.subi %sign3A_28, %sign3A_31 : i32
    %sign3A_33 = arith.constant 0 : i32
    %sign3A_34 = arith.cmpi sgt, %jit3A_26, %sign3A_33 : i32
    %sign3A_35 = arith.extui %sign3A_34 : i1 to i32
    %sign3A_36 = arith.constant 0 : i32
    %sign3A_37 = arith.cmpi slt, %jit3A_26, %sign3A_36 : i32
    %sign3A_38 = arith.extui %sign3A_37 : i1 to i32
    %sign3A_39 = arith.subi %sign3A_35, %sign3A_38 : i32
    %ne3A = arith.cmpi ne, %sign3A_32, %sign3A_39 : i32
    %rem3A = arith.remsi %get3A_25, %jit3A_26 : i32
    %ne3A_40 = arith.constant 0 : i32
    %ne3A_41 = arith.cmpi ne, %rem3A, %ne3A_40 : i32
    %and3A = arith.andi %ne3A, %ne3A_41 : i1
    %sub3A = arith.constant 1 : i32
    %sub3A_42 = arith.subi %div3A, %sub3A : i32
    %select_n3A_43 = arith.select %and3A, %sub3A_42, %div3A : i32
    %mul3A = arith.constant 8 : i32
    %mul3A_44 = arith.muli %select_n3A_43, %mul3A : i32
    %multiple_of3A = tpu.assume_multiple %mul3A_44, 8 : i32
    %dma_start3A = arith.constant 0 : i32
    %dma_start3A_45 = tpu.memref_slice %arg4[%multiple_of3A, %dma_start3A] : memref<100000x128xf32, #tpu.memory_space<any>> -> memref<8x128xf32, #tpu.memory_space<any>>
    tpu.enqueue_dma source(%dma_start3A_45 : memref<8x128xf32, #tpu.memory_space<any>>) target(%arg8 : memref<8x128xf32, #tpu.memory_space<vmem>>) target_semaphore(%arg10 : memref<!tpu.dma_semaphore, #tpu.memory_space<semaphore_mem>>)
    %dma_wait3A = arith.constant 0 : i32
    %dma_wait3A_46 = tpu.memref_slice %arg4[%multiple_of3A, %dma_wait3A] : memref<100000x128xf32, #tpu.memory_space<any>> -> memref<8x128xf32, #tpu.memory_space<any>>
    tpu.wait_dma2 semaphore(%arg10 : memref<!tpu.dma_semaphore, #tpu.memory_space<semaphore_mem>>) src(%dma_wait3A_46 : memref<8x128xf32, #tpu.memory_space<any>>) dst(%arg8 : memref<8x128xf32, #tpu.memory_space<vmem>>)
    %sub3A_47 = arith.subi %get3A_25, %multiple_of3A : i32
    %get3A_48 = arith.index_cast %sub3A_47 : i32 to index
    %get3A_49 = arith.constant 0 : index
    %get3A_50 = vector.load %arg8[%get3A_48, %get3A_49] : memref<8x128xf32, #tpu.memory_space<vmem>>, vector<1x128xf32>
    %swap3A_51 = arith.constant 0 : index
    %swap3A_52 = arith.constant 0 : index
    %swap3A_53 = vector.load %arg5[%swap3A_51, %swap3A_52] : memref<1x128xf32, #tpu.memory_space<vmem>>, vector<1x128xf32>
    tpu.vector_store %arg5[%swap3A_51, %swap3A_52], %get3A_50 {strides = array<i32>} : memref<1x128xf32, #tpu.memory_space<vmem>>, vector<1x128xf32>,
    %broadcast_in_dim3A_54 = vector.broadcast %get3A_25 : i32 to vector<1x1xi32>
    %swap3A_55 = arith.constant 0 : index
    %swap3A_56 = arith.constant 0 : index
    %swap3A_57 = vector.load %arg6[%swap3A_55, %swap3A_56] : memref<1x1xi32, #tpu.memory_space<vmem>>, vector<1x1xi32>
    tpu.vector_store %arg6[%swap3A_55, %swap3A_56], %broadcast_in_dim3A_54 {strides = array<i32>} : memref<1x1xi32, #tpu.memory_space<vmem>>, vector<1x1xi32>,
    %broadcast_in_dim3A_58 = vector.broadcast %get3A_25 : i32 to vector<1x1xi32>
    %convert_element_type3A = arith.sitofp %broadcast_in_dim3A_58 : vector<1x1xi32> to vector<1x1xf32>
    %div3A_59 = arith.constant 1.000000e+02 : f32
    %div3A_60 = vector.broadcast %div3A_59 : f32 to vector<1x1xf32>
    %div3A_61 = arith.divf %convert_element_type3A, %div3A_60 : vector<1x1xf32>
    %convert_element_type3A_62 = arith.fptosi %div3A_61 : vector<1x1xf32> to vector<1x1xi32>
    %swap3A_63 = arith.constant 0 : index
    %swap3A_64 = arith.constant 0 : index
    %swap3A_65 = vector.load %arg7[%swap3A_63, %swap3A_64] : memref<1x1xi32, #tpu.memory_space<vmem>>, vector<1x1xi32>
    tpu.vector_store %arg7[%swap3A_63, %swap3A_64], %convert_element_type3A_62 {strides = array<i32>} : memref<1x1xi32, #tpu.memory_space<vmem>>, vector<1x1xi32>,
    return
  }
}

</mosaic_0001>

<sc_bundles>
// kernel: kernel.5.cloned.1.call-start
scs
__scs_entry_jumppad:
0x0: {  	(pc) =	sbr.rel $0x88, $3  }
0x1: {  	(tag) =	ssettag $0x0;
	lr =	simm.s32 $0x1  }
0x2: {  	[smem:$0x3F9E] =	sst lr;
	_ =	strace $0xD0000000  }
0x3: {  	_ = 	snop  }
0x4: {  	_ = 	snop  }
0x5: {  	_ = 	snop  }
0x6: {  	_ = 	snop  }
0x7: {  	_ = 	snop  }
__scs_overlays_trampoline_lowered:
0x8: {  	[smem:$0x3FAD] =	sst s0  }
0x9: {  	[smem:$0x3FAE] =	sst s1  }
0xa: {  	[smem:$0x3FAF] =	sst s2  }
0xb: {  	[smem:$0x3FB0] =	sst s3  }
0xc: {  	[smem:$0x3FB1] =	sst s4  }
0xd: {  	[smem:$0x3FB2] =	sst s5  }
0xe: {  	[smem:$0x3FB3] =	sst s6  }
0xf: {  	[smem:$0x3FB4] =	sst s7  }
0x10: {  	[smem:$0x3FB5] =	sst s8  }
0x11: {  	[smem:$0x3FB6] =	sst s9;
	s0 =	simm.s32 @!p0 $0x0  }
0x12: {  	s1 =	sld [smem:$0x3F9C];
	s0 =	simm.s32 @p0 $0x1  }
0x13: {  	[smem:$0x3FB7] =	sst s0;
	s0 =	simm.s32 @!p1 $0x0  }
0x14: {  	s2 =	sld [smem:$0x3F9B];
	s0 =	simm.s32 @p1 $0x1  }
0x15: {  	[smem:$0x3FB8] =	sst s0;
	s0 =	simm.s32 @!p2 $0x0  }
0x16: {  	s3 =	sld [smem:$0x3FDB];
	s0 =	simm.s32 @p2 $0x1  }
0x17: {  	s4 =	simm.s32 $0x1BF5;
	[smem:$0x3FBA] =	sst s0  }
0x18: {  	s0 =	sld [smem:$0x3F9D];
	_ =	swait.ge [sflag:s4], $0x0  }
0x19: {  	s7 =	sld [smem:$0x3F9E]  }
0x1a: {  	s8 =	sadd.s32 $0xFFFFE003, lr  }
0x1b: {  	s9 =	sadd.s32 $0xFFFFFEF7, lr;
	s5 =	simm.s32 $0xFFFFFFFF;
	p2 =	slt.u32 s8, $0xFFFFF086  }
0x1c: {  	p1 =	slt.u32 s9, $0xF7A;
	s5 =	simm.s32 @!p2 $0x0  }
0x1d: {  	s5 =	simm.s32 @p1 $0x1;
	p0 =	seq.s32 s7, s2  }
0x1e: {  	s7 =	smul.u32 @!p0 $0xF7A, s2;
	p2 =	seq.s32 @!p0 s5, $0x0  }
0x1f: {  	s9 =	smul.u32 $0xF7A, s1;
	s8 =	simm.s32 @!p0 $0x1BF5;
	p2 =	por !p2, p0  }
0x20: {  	[sflag:s8] =	ssyncset.s32 @!p0 $0xFFFFF086;
	s6 =	sadd.s32 @!p0 s3, s7;
	s7 =	simm.s32 @!p0 $0x108  }
0x21: {  	s3 =	sadd.s32 s3, s9;
	s6 =	sadd.s32 @!p0 $0x88, s6;
	s7 =	simm.s32 @p2 $0x1082  }
0x22: {  	[simem:s7], [sflag:s8] =	dma.local @!p0 [hbm:s6], $0xF7A  }
0x23: {  	s9 =	sor.u32 $0xD0000000, s2;
	s6 =	simm.s32 $0x108;
	_ =	swait.ge @!p0 [sflag:s8], $0x0  }
0x24: {  	s3 =	sadd.s32 $0x88, s3;
	s6 =	simm.s32 @!p1 $0x1082;
	[sflag:s4] =	ssyncset.s32 $0xFFFFF086  }
0x25: {  	[simem:s6], [sflag:s4] =	dma.local [hbm:s3], $0xF7A  }
0x26: {  	[smem:$0x3F9E] =	sst s1;
	(tag) =	ssettag s2;
	_ =	strace s9  }
0x27: {  	s1 =	sld [smem:$0x3FAE]  }
0x28: {  	s2 =	sld [smem:$0x3FAF]  }
0x29: {  	s4 =	sld [smem:$0x3FB1]  }
0x2a: {  	p0 =	seq.s32 s5, $0x0;
	s5 =	sld [smem:$0x3FB2]  }
0x2b: {  	s6 =	sld [smem:$0x3FB3]  }
0x2c: {  	s7 =	sld [smem:$0x3FB4]  }
0x2d: {  	s3 =	simm.s32 $0x108;
	s8 =	sld [smem:$0x3FB5]  }
0x2e: {  	s3 =	simm.s32 @!p0 $0x1082;
	s9 =	sld [smem:$0x3FB6]  }
0x2f: {  	lr =	sadd.s32 s0, s3;
	s0 =	sld [smem:$0x3FAD]  }
0x30: {  	s3 =	sld [smem:$0x3FB0]  }
0x31: {  	[smem:$0x3FB9] =	sst s10  }
0x32: {  	s10 =	sld [smem:$0x3FB7];
	_ =	sdelay $0x3  }
0x33: {  	p0 =	seq.s32 s10, $0x1;
	s10 =	sld [smem:$0x3FB9];
	_ =	sdelay $0x3  }
0x34: {  	[smem:$0x3FB9] =	sst s10  }
0x35: {  	s10 =	sld [smem:$0x3FB8];
	_ =	sdelay $0x3  }
0x36: {  	p1 =	seq.s32 s10, $0x1;
	s10 =	sld [smem:$0x3FB9];
	_ =	sdelay $0x3  }
0x37: {  	[smem:$0x3FB9] =	sst s10  }
0x38: {  	s10 =	sld [smem:$0x3FBA]  }
0x39: {  	_ = 	snop;
	(pc) =	sbr.ind lr, $3  }
0x3a: {  	_ = 	snop  }
0x3b: {  	_ = 	snop  }
0x3c: {  	p2 =	seq.s32 s10, $0x1;
	s10 =	sld [smem:$0x3FB9]  }
0x3d: {  	_ =	shalt  }
0x3e: {  	_ =	shalt  }
0x3f: {  	_ =	shalt  }
0x40: {  	_ =	shalt  }
0x41: {  	_ =	shalt  }
0x42: {  	_ =	shalt  }
0x43: {  	_ =	shalt  }
0x44: {  	_ =	shalt  }
0x45: {  	_ =	shalt  }
0x46: {  	_ =	shalt  }
0x47: {  	_ =	shalt  }
0x48: {  	_ =	shalt  }
0x49: {  	_ =	shalt  }
0x4a: {  	_ =	shalt  }
0x4b: {  	_ =	shalt  }
0x4c: {  	_ =	shalt  }
0x4d: {  	_ =	shalt  }
0x4e: {  	_ =	shalt  }
0x4f: {  	_ =	shalt  }
0x50: {  	_ =	shalt  }
0x51: {  	_ =	shalt  }
0x52: {  	_ =	shalt  }
0x53: {  	_ =	shalt  }
0x54: {  	_ =	shalt  }
0x55: {  	_ =	shalt  }
0x56: {  	_ =	shalt  }
0x57: {  	_ =	shalt  }
0x58: {  	_ =	shalt  }
0x59: {  	_ =	shalt  }
0x5a: {  	_ =	shalt  }
0x5b: {  	_ =	shalt  }
0x5c: {  	_ =	shalt  }
0x5d: {  	_ =	shalt  }
0x5e: {  	_ =	shalt  }
0x5f: {  	_ =	shalt  }
0x60: {  	_ =	shalt  }
0x61: {  	_ =	shalt  }
0x62: {  	_ =	shalt  }
0x63: {  	_ =	shalt  }
0x64: {  	_ =	shalt  }
0x65: {  	_ =	shalt  }
0x66: {  	_ =	shalt  }
0x67: {  	_ =	shalt  }
0x68: {  	_ =	shalt  }
0x69: {  	_ =	shalt  }
0x6a: {  	_ =	shalt  }
0x6b: {  	_ =	shalt  }
0x6c: {  	_ =	shalt  }
0x6d: {  	_ =	shalt  }
0x6e: {  	_ =	shalt  }
0x6f: {  	_ =	shalt  }
0x70: {  	_ =	shalt  }
0x71: {  	_ =	shalt  }
0x72: {  	_ =	shalt  }
0x73: {  	_ =	shalt  }
0x74: {  	_ =	shalt  }
0x75: {  	_ =	shalt  }
0x76: {  	_ =	shalt  }
0x77: {  	_ =	shalt  }
0x78: {  	_ =	shalt  }
0x79: {  	_ =	shalt  }
0x7a: {  	_ =	shalt  }
0x7b: {  	_ =	shalt  }
0x7c: {  	_ =	shalt  }
0x7d: {  	_ =	shalt  }
0x7e: {  	_ =	shalt  }
0x7f: {  	_ =	shalt  }
0x80: {  	_ =	shalt  }
0x81: {  	_ =	shalt  }
0x82: {  	_ =	shalt  }
0x83: {  	_ =	shalt  }
0x84: {  	_ =	shalt  }
0x85: {  	_ =	shalt  }
0x86: {  	_ =	shalt  }
0x87: {  	_ =	shalt  }
.Lfunc_end0:
.L_simem_size_0:
called_computation_lowered:
.L_overlay_start_0:
0x88: {  	s2 =	sld [smem:$0x3FD9]  }
0x89: {  	s3 =	sld [smem:$0x3FFE];
	_ =	sdelay $0x1  }
0x8a: {  	s1 =	srdreg.scid  }
0x8b: {  	s0 =	sand.u32 $0x1, s1  }
0x8c: {  	s17 =	sshll.u32 s0, $0xA;
	s2 =	sadd.s32 s3, s2  }
0x8d: {  	s2 =	sadd.s32 s2, s17  }
0x8e: {  	[smem:$0x3FC5] =	sst s2  }
0x8f: {  	_ = 	snop  }
0x90: {  	s2 =	sld [smem:$0x3FC9]  }
0x91: {  	s18 =	sld [smem:$0x3FC8]  }
0x92: {  	s4 =	sld [smem:$0x3FC7];
	(tm) =	ssettm $0x1  }
0x93: {  	s5 =	sld [smem:$0x3FFB];
	_ =	sdelay $0x3  }
0x94: {  	_ =	strace s5  }
0x95: {  	s5 =	sld [smem:$0x3FFC];
	_ =	sdelay $0x3  }
0x96: {  	_ =	strace s5  }
0x97: {  	s5 =	sld [smem:$0x3FFD];
	_ =	sdelay $0x3  }
0x98: {  	_ =	strace s5  }
0x99: {  	_ =	strace $0x8FFFFFFF  }
0x9a: {  	s19 =	sld [smem:$0x3FDB];
	_ =	sdelay $0x1  }
0x9b: {  	s6 =	simm.s32 $_scs_section_size  }
0x9c: {  	s7 =	simm.s32 $_size__tile_overlayer_lowered;
	s8 =	simm.s32 $_tile_overlayer_lowered  }
0x9d: {  	s22 =	simm.s32 $0x1BFF;
	s21 =	sshll.u32 s8, $0x1;
	s5 =	sadd.s32 s6, s19  }
0x9e: {  	s9 =	simm.s32 $0x0;
	s20 =	sshll.u32 s7, $0x1;
	s7 =	sadd.s32 s21, s5  }
0x9f: {  	[timem:s9], [sflag:s22] =	dma.local [hbm:s7], s20  }
0xa0: {  	_ =	swait.ge [sflag:s22], s20  }
0xa1: {  	s6 =	ssub.s32 $0x0, s20;
	[sflag:s22] =	ssyncset.done $0x0  }
0xa2: {  	[sflag:s22] =	ssyncadd.s32 s6;
	_ =	sdelay $0x1  }
0xa3: {  	s23 =	simm.s32 $0x1B8B  }
0xa4: {  	_ =	swait.ge [sflag:s23], $0x1  }
0xa5: {  	[sflag:s23] =	ssyncset.done $0x0  }
0xa6: {  	s25 =	simm.s32 $0x1B8E;
	s24 =	sld [smem:$0x3FFE];
	[sflag:s23] =	ssyncadd.s32 $0xFFFFFFFF  }
0xa7: {  	s26 =	simm.s32 $execute0_lowered;
	[smem:$0x3FD2] =	sst s25  }
0xa8: {  	s7 =	sshll.u32 s26, $0x1;
	_ =	strace $0x80000046;
	[dreg:$0x1] =	wrdreg $0xFFFFFFFF  }
0xa9: {  	s28 =	simm.s32 $_size_execute0_lowered;
	s5 =	sadd.s32 s5, s7;
	[dreg:$0x0] =	wrdreg $0x0  }
0xaa: {  	s7 =	sshll.u32 s28, $0x1;
	[dreg:$0x2] =	wrdreg s5  }
0xab: {  	[dreg:$0x3] =	wrdreg s7  }
0xac: {  	[dreg:$0x4] =	wrdreg $0xC0  }
0xad: {  	_ =	task [dreg:s9], $0x5FFFF  }
0xae: {  	[dreg:$0x1] =	wrdreg $0xFFFFFFFF  }
0xaf: {  	[dreg:$0x0] =	wrdreg $0x60  }
0xb0: {  	[dreg:$0x2] =	wrdreg s2  }
0xb1: {  	[dreg:$0x3] =	wrdreg s18  }
0xb2: {  	[dreg:$0x4] =	wrdreg s4  }
0xb3: {  	[dreg:$0x5] =	wrdreg s24  }
0xb4: {  	[dreg:$0x6] =	wrdreg $0x9  }
0xb5: {  	_ =	task.clear_ibuf [dreg:s9], $0x7FFFF;
	_ =	strace $0x90000046  }
0xb6: {  	s29 =	simm.s32 $0x9;
	_ =	strace $0x80000048  }
0xb7: {  	_ =	swait.ge [sflag:s29], $0x1  }
0xb8: {  	[sflag:s29] =	ssyncadd.s32 $0xFFFFFFFF  }
0xb9: {  	_ =	strace $0x90000048  }
0xba: {  	_ =	sfence  }
0xbb: {  	s30 =	sld [smem:$0x0];
	_ =	sdelay $0x2  }
0xbc: {  	s31 =	sshll.u32 s1, $0xD;
	s1 =	sshrl.u32 s1, $0x2  }
0xbd: {  	s3 =	sand.u32 $0x4000, s31;
	s1 =	sadd.s32 s1, s30  }
0xbe: {  	s0 =	sor.u32 s3, s0;
	s1 =	sshll.u32 s1, $0x11  }
0xbf: {  	s0 =	sor.u32 s1, s0  }
0xc0: {  	s0 =	sadd.s32 $0x8F2B, s0  }
0xc1: {  	[sflag:s0] =	ssyncadd.remote.s32 $0x1  }
0xc2: {  	_ =	sfence.sel $0xFFFF  }
0xc3: {  	[dreg:$0x0] =	wrdreg $0xFFFFFFFF;
	(pc) =	sbr.abs _section_cstart, $3  }
0xc4: {  	[dreg:$0x1] =	wrdreg $0xFFFFFFFF  }
0xc5: {  	_ =	task.clear_ibuf [dreg:s9], $0x2FFFF;
	_ =	strace $0x9FFFFFFF  }
0xc6: {  	(tm) =	ssettm $0x7FFFFFFF  }
0xc7: {  	_ =	shalt  }
tec
execute0_lowered:
.L_overlay_start_1:
0x0: {  	(tag) =	ssettag $0x1  }
0x1: {  	s4 =	rddreg [dreg:$0x2]  }
0x2: {  	s0 =	rddreg [dreg:$0x3]  }
0x3: {  	s1 =	srdreg.scid;
	s2 =	stileid.u32  }
0x4: {  	s5 =	simm.s32 $0x0;
	s17 =	simm.s32 $0x3;
	s19 =	simm.s32 $0x100  }
0x5: {  	s20 =	simm.s32 $0x4100;
	s21 =	simm.s32 $0x1;
	s22 =	simm.s32 $0x2  }
0x6: {  	s24 =	simm.s32 $0x8500;
	s1 =	sand.u32 $0x1, s1;
	s2 =	sshll.u32 s2, $0x1  }
0x7: {  	s25 =	simm.s32 $0x0;
	[smem:$0x7FF] =	sst s5;
	s2 =	sor.u32 s1, s2  }
0x8: {  	_ =	strace $0x80000047;
	s1 =	ssub.s32 $0x2, s1;
	s3 =	smul.u32 $0x7000, s2  }
0x9: {  	s7 =	sshll.u32 s2, $0x7;
	s8 =	sshrl.u32 s1, $0x1;
	s6 =	smul.u32 $0x700, s2  }
0xa: {  	s0 =	sadd.s32 s7, s0;
	s1 =	ssub.s32 s1, s8;
	s7 =	sadd.s32 s4, s3  }
0xb: {  	s9 =	sadd.s32 $0x100, s6;
	s10 =	sor.u32 $0x80, s6;
	s11 =	sadd.s32 $0x180, s6  }
0xc: {  	s12 =	sadd.s32 $0x600, s6;
	s13 =	sadd.s32 $0x680, s6;
	s14 =	sadd.s32 $0x1400, s0  }
0xd: {  	s15 =	sadd.s32 $0x2400, s0;
	s16 =	smax.u32 s1, $0x1;
	s8 =	sadd.s32 $0x800, s7  }
.LBB2_1:
0xe: {  	s0 =	rddreg [dreg:$0x0]  }
0xf: {  	[tilespmem:s5], [sflag:$0x3] =	stream.linear.gather [hbm4b:s0+s5], $0x80, $0x38;
	[tilespmem:$0x8900] =	vst v63  }
0x10: {  	_ =	swait.ge [sflag:s17], $0x80  }
0x11: {  	[sflag:s17] =	ssyncset.done $0x0  }
0x12: {  	[sflag:s17] =	ssyncadd.s32 $0xFFFFFF80  }
0x13: {  	s1 =	simm.s32 $0x80;
	s31 =	rddreg [dreg:$0x1]  }
0x14: {  	[tilespmem:s1], [sflag:$0x3] =	stream.linear.gather [hbm4b:s31+s5], $0x80, $0x38;
	[tilespmem:$0x8900] =	vst v63  }
0x15: {  	_ =	swait.ge [sflag:s17], $0x80  }
0x16: {  	[sflag:s17] =	ssyncset.done $0x0  }
0x17: {  	[sflag:s17] =	ssyncadd.s32 $0xFFFFFF80  }
0x18: {  	v1 =	vld [tilespmem:$0x0]  }
0x19: {  	v2 =	vld [tilespmem:$0x80]  }
0x1a: {  	v3 =	vld [tilespmem:$0x10]  }
0x1b: {  	v4 =	vld [tilespmem:$0x90]  }
0x1c: {  	v5 =	vld [tilespmem:$0x20]  }
0x1d: {  	v6 =	vld [tilespmem:$0xA0]  }
0x1e: {  	v7 =	vld [tilespmem:$0x30]  }
0x1f: {  	v8 =	vld [tilespmem:$0xB0]  }
0x20: {  	v9 =	vld [tilespmem:$0x40]  }
0x21: {  	v10 =	vld [tilespmem:$0xC0]  }
0x22: {  	v11 =	vld [tilespmem:$0x50]  }
0x23: {  	v12 =	vld [tilespmem:$0xD0]  }
0x24: {  	v15 =	vld [tilespmem:$0x70]  }
0x25: {  	v16 =	vld [tilespmem:$0xF0]  }
0x26: {  	v13 =	vld [tilespmem:$0x60]  }
0x27: {  	v14 =	vld [tilespmem:$0xE0];
	[tilespmem:s19], [sflag:$0x1] =	stream.linear.gather [hbm4b:s7+s5], $0x4000, $0x38  }
0x28: {  	v1 =	vsub.f32 v1, v2;
	v2 =	vsub.f32 v3, v4  }
0x29: {  	[tilespmem:s20], [sflag:$0x2] =	stream.linear.gather [hbm4b:s8+s5], $0x4000, $0x38;
	v3 =	vsub.f32 v5, v6;
	v4 =	vsub.f32 v7, v8;
	[tilespmem:$0x8900] =	vst v63  }
0x2a: {  	v5 =	vsub.f32 v9, v10;
	v10 =	vsub.f32 v15, v16;
	[tilespmem:$0x1FFD0] =	vst v2  }
0x2b: {  	v61 =	vsub.f32 v11, v12;
	[tilespmem:$0x1FFE0] =	vst v4  }
0x2c: {  	s26 =	simm.s32 $0x0;
	v9 =	vsub.f32 v13, v14;
	v7 =	vimm.f32 $-Inf;
	v6 =	vimm.s32 $0x0;
	[tilespmem:$0x1FFF0] =	vst v10  }
.LBB2_2:
0x2d: {  	[tilespmem:$0x1FFC0] =	vst v6  }
0x2e: {  	_ =	swait.ge [sflag:s21], $0x4000  }
0x2f: {  	s28 =	sshll.u32 s26, $0x8;
	s30 =	simm.s32 $0x0;
	[sflag:s21] =	ssyncset.done $0x0  }
0x30: {  	s2 =	simm.s32 $0x200;
	s29 =	sadd.s32 s6, s28;
	[sflag:s21] =	ssyncadd.s32 $0xFFFFC000  }
.LBB2_3:
0x31: {  	v11 =	vld [tilespmem:s2+$0xF0]  }
0x32: {  	v14 =	vld [tilespmem:s2+$0x70]  }
0x33: {  	v22 =	vld [tilespmem:s2+$0xFFFFFFF0]  }
0x34: {  	v12 =	vld [tilespmem:s2+$0xE0]  }
0x35: {  	v15 =	vld [tilespmem:s2+$0xFFFFFF70]  }
0x36: {  	v23 =	vld [tilespmem:s2+$0x60]  }
0x37: {  	v28 =	vld [tilespmem:s2+$0xFFFFFFE0]  }
0x38: {  	v18 =	vld [tilespmem:s2+$0xD0]  }
0x39: {  	v13 =	vld [tilespmem:s2+$0xFFFFFF60]  }
0x3a: {  	v37 =	vld [tilespmem:s2+$0x50]  }
0x3b: {  	v39 =	vld [tilespmem:s2+$0xFFFFFFD0]  }
0x3c: {  	v16 =	vld [tilespmem:s2+$0xC0]  }
0x3d: {  	v20 =	vld [tilespmem:s2+$0xFFFFFF50]  }
0x3e: {  	v29 =	vld [tilespmem:s2+$0x40];
	v32 =	vmul.f32 v11, v11  }
0x3f: {  	v21 =	vld [tilespmem:s2+$0xB0];
	v19 =	vmul.f32 v14, v10;
	v31 =	vmul.f32 v14, v14  }
0x40: {  	v26 =	vld [tilespmem:s2+$0xA0];
	v17 =	vmul.f32 v22, v10;
	v27 =	vmul.f32 v22, v22  }
0x41: {  	v38 =	vld [tilespmem:s2+$0x20];
	v25 =	vmul.f32 v15, v15;
	v36 =	vmul.f32 v12, v12  }
0x42: {  	v43 =	vld [tilespmem:s2+$0x90];
	v24 =	vmul.f32 v23, v9;
	v35 =	vmul.f32 v23, v23  }
0x43: {  	v46 =	vld [tilespmem:s2+$0x10];
	v22 =	vmul.f32 v28, v9;
	v34 =	vmul.f32 v28, v28  }
0x44: {  	v40 =	vld [tilespmem:s2+$0x0];
	v33 =	vmul.f32 v13, v13;
	v47 =	vmul.f32 v18, v18  }
0x45: {  	v45 =	vld [tilespmem:s2+$0xFFFFFF80];
	v30 =	vmul.f32 v37, v61;
	v41 =	vmul.f32 v37, v37  }
0x46: {  	v50 =	vld [tilespmem:s2+$0xFFFFFF90];
	v28 =	vmul.f32 v39, v61;
	v39 =	vmul.f32 v39, v39  }
0x47: {  	v49 =	vld [tilespmem:s2+$0xFFFFFF00];
	v37 =	vmul.f32 v20, v20;
	v48 =	vmul.f32 v16, v16  }
0x48: {  	v23 =	vld [tilespmem:s2+$0x80];
	v57 =	vmul.f32 v29, v29;
	v51 =	vmul.f32 v21, v21  }
0x49: {  	v52 =	vmul.f32 v26, v26;
	v54 =	vmul.f32 v38, v38  }
0x4a: {  	v56 =	vld [tilespmem:s2+$0xFFFFFF10];
	v55 =	vmul.f32 v43, v43;
	v58 =	vmul.f32 v40, v40  }
0x4b: {  	v4 =	vmov v3;
	v3 =	vld [tilespmem:$0x1FFD0];
	v59 =	vmul.f32 v45, v45;
	v60 =	vmul.f32 v46, v46  }
0x4c: {  	v2 =	vlaneseq.u32;
	v10 =	vmovc v9;
	v9 =	vmovc v61;
	v61 =	vmul.f32 v50, v50;
	v62 =	vmul.f32 v49, v49  }
0x4d: {  	v44 =	vld [tilespmem:s2+$0xFFFFFFA0];
	v14 =	vimm.f32 $0.0e+00;
	v45 =	vmul.f32 v45, v1;
	v53 =	vmul.f32 v23, v23  }
0x4e: {  	v42 =	vld [tilespmem:s2+$0xFFFFFF20];
	v6 =	vmul.f32 v40, v1;
	v49 =	vmul.f32 v49, v1;
	v58 =	vadd.f32 v60, v58  }
0x4f: {  	v63 =	vmul.f32 v56, v56;
	v40 =	vld [tilespmem:s2+$0x30];
	v60 =	vadd.f32 $0.0e+00, v45;
	v53 =	vadd.f32 v55, v53  }
0x50: {  	v43 =	vmul.f32 v43, v3;
	v6 =	vadd.f32 $0.0e+00, v6;
	v49 =	vadd.f32 $0.0e+00, v49  }
0x51: {  	v54 =	vadd.f32 v54, v58;
	v23 =	vmul.f32 v23, v1;
	v52 =	vadd.f32 v52, v53  }
0x52: {  	v55 =	vadd.f32 v61, v59;
	v59 =	vadd.f32 v63, v62;
	v62 =	vmul.f32 v44, v44  }
0x53: {  	v50 =	vmul.f32 v50, v3;
	v45 =	vld [tilespmem:s2+$0xFFFFFFB0];
	v23 =	vadd.f32 $0.0e+00, v23;
	v51 =	vadd.f32 v51, v52  }
0x54: {  	v63 =	vmul.f32 v42, v42;
	v61 =	vmul.f32 v40, v40;
	v53 =	vadd.f32 v62, v55  }
0x55: {  	v8 =	vmovc v5;
	v5 =	vld [tilespmem:$0x1FFE0];
	v43 =	vadd.f32 v43, v23;
	v23 =	vmul.f32 v46, v3;
	v62 =	vadd.f32 v48, v51  }
0x56: {  	v56 =	vmul.f32 v56, v3;
	v46 =	vld [tilespmem:s2+$0xFFFFFFC0];
	v51 =	vadd.f32 v63, v59;
	v63 =	vadd.f32 v61, v54  }
0x57: {  	s0 =	sshll.u32 s30, $0x4;
	v50 =	vadd.f32 v50, v60;
	v52 =	vadd.f32 v23, v6;
	v23 =	vimm.f32 $0.0e+00;
	v48 =	vld [tilespmem:s2+$0xFFFFFF30]  }
0x58: {  	[tilespmem:$0x1FFB0] =	vst v7;
	s1 =	simm.s32 $0x4;
	s31 =	smov.u32 s2;
	s3 =	simm.s32 $0x0;
	v54 =	vmul.f32 v45, v45;
	v55 =	vadd.f32 v47, v62;
	v47 =	vld [tilespmem:s2+$0xFFFFFF40];
	v57 =	vadd.f32 v57, v63  }
.LBB2_4:
0x59: {  	_ = 	snop  }
0x5a: {  	v38 =	vmul.f32 v38, v4;
	v62 =	vmul.f32 v40, v5  }
0x5b: {  	v40 =	vmul.f32 v44, v4;
	v26 =	vmul.f32 v26, v4;
	v6 =	vadd.f32 v54, v53  }
0x5c: {  	v36 =	vadd.f32 v36, v55;
	v49 =	vadd.f32 v56, v49;
	v58 =	vmul.f32 v46, v46  }
0x5d: {  	v41 =	vadd.f32 v41, v57;
	v38 =	vadd.f32 v38, v52;
	v59 =	vmul.f32 v48, v48  }
0x5e: {  	v29 =	vmul.f32 v29, v8;
	v44 =	vadd.f32 v40, v50;
	v6 =	vadd.f32 v58, v6  }
0x5f: {  	v26 =	vadd.f32 v26, v43;
	v61 =	vmul.f32 v47, v47;
	v60 =	vadd.f32 v59, v51  }
0x60: {  	v45 =	vmul.f32 v45, v5;
	v32 =	vadd.f32 v32, v36;
	v6 =	vadd.f32 v39, v6  }
0x61: {  	v21 =	vmul.f32 v21, v5;
	v35 =	vadd.f32 v35, v41;
	v63 =	vadd.f32 v61, v60  }
0x62: {  	v50 =	vmul.f32 v42, v4;
	v41 =	vadd.f32 v62, v38;
	v6 =	vadd.f32 v34, v6  }
0x63: {  	s31 =	sadd.s32 $0x200, s31;
	v20 =	vmul.f32 v20, v9;
	v0 =	vld [tilespmem:$0x1FFF0];
	(xrf2) =	vadd.scan.msk.f32 $0xffff, v32;
	v31 =	vadd.f32 v31, v35;
	v32 =	vadd.f32 v37, v63  }
0x64: {  	v53 =	vld [tilespmem:s31+$0xFFFFFFF0];
	v54 =	vadd.f32 v50, v49;
	v55 =	vmul.f32 v48, v5;
	v6 =	vadd.f32 v27, v6  }
0x65: {  	v16 =	vmul.f32 v16, v8;
	v56 =	vld [tilespmem:s31+$0xFFFFFF70];
	(xrf2) =	vadd.scan.msk.f32 $0xffff, v31;
	v27 =	vadd.f32 v29, v41;
	v32 =	vadd.f32 v33, v32  }
0x66: {  	v40 =	vld [tilespmem:s31+$0x30];
	v52 =	vmul.f32 v46, v8;
	v51 =	vadd.f32 v45, v44;
	v57 =	vadd.f32 v55, v54  }
0x67: {  	v58 =	vmul.f32 v47, v8;
	v59 =	vld [tilespmem:s31+$0x60];
	v27 =	vadd.f32 v30, v27;
	(xrf2) =	vadd.scan.msk.f32 $0xffff, v6;
	v25 =	vadd.f32 v25, v32  }
0x68: {  	v18 =	vmul.f32 v18, v9;
	v21 =	vadd.f32 v21, v26;
	v60 =	vld [tilespmem:s31+$0x50];
	v30 =	vadd.f32 v52, v51  }
0x69: {  	v7 =	vmul.f32 v12, v10;
	v61 =	vld [tilespmem:s31+$0xFFFFFFD0];
	v24 =	vadd.f32 v24, v27;
	(xrf2) =	vadd.scan.msk.f32 $0xffff, v25;
	v25 =	vadd.f32 v58, v57  }
0x6a: {  	v15 =	vmul.f32 v15, v0;
	v31 =	vld [tilespmem:s31+$0xF0];
	v63 =	vmov s3;
	v27 =	vadd.f32 v28, v30  }
0x6b: {  	v6 =	vld [tilespmem:s31+$0xE0];
	v19 =	vadd.f32 v19, v24;
	v20 =	vadd.f32 v20, v25;
	v24 =	vmul.f32 v13, v10  }
0x6c: {  	v54 =	vmul.f32 v40, v40;
	vm0 =	veq.s32 v63, v2;
	v63 =	vld [tilespmem:s31+$0xFFFFFF10];
	v22 =	vadd.f32 v22, v27  }
0x6d: {  	v35 =	vmul.f32 v59, v59;
	v29 =	vld [tilespmem:s31+$0x70];
	v42, _, _ =	vpop (xrf2);
	(xrf2) =	vadd.scan.msk.f32 $0xffff, v19;
	v19 =	vadd.f32 v16, v21;
	v21 =	vadd.f32 v24, v20  }
0x6e: {  	v41 =	vmul.f32 v60, v60;
	v39 =	vmul.f32 v61, v61;
	v28 =	vld [tilespmem:s31+$0xFFFFFFE0];
	v17 =	vadd.f32 v17, v22  }
0x6f: {  	v30 =	vld [tilespmem:s31+$0xD0];
	v42 =	vbroadcast v42, $0xF;
	v43, _, _ =	vpop (xrf2);
	v27 =	vmul.f32 v53, v53;
	v24 =	vadd.f32 v15, v21  }
0x70: {  	v13 =	vld [tilespmem:s31+$0xFFFFFF60];
	v25 =	vmul.f32 v56, v56;
	v43 =	vbroadcast v43, $0xF;
	v12 =	vmovc v6;
	(xrf2) =	vadd.scan.msk.f32 $0xffff, v17  }
0x71: {  	v38 =	vld [tilespmem:s31+$0x20];
	v22 =	vmul.f32 v11, v0;
	v11 =	vmov v31;
	v62 =	vadd.f32 v18, v19;
	v45, _, _ =	vpop (xrf2);
	(xrf2) =	vadd.scan.msk.f32 $0xffff, v24  }
0x72: {  	v16 =	vld [tilespmem:s31+$0xC0];
	v36 =	vmul.f32 v6, v12;
	v32 =	vmul.f32 v31, v11  }
0x73: {  	s18 =	sadd.s32 $0x3, s3;
	v20 =	vld [tilespmem:s31+$0xFFFFFF50];
	v31 =	vmul.f32 v29, v29;
	v34 =	vmul.f32 v28, v28;
	v26 =	vadd.f32 v7, v62  }
0x74: {  	v48 =	vmov s18;
	v55 =	vld [tilespmem:s31+$0x90];
	v19 =	vmul.f32 v29, v0;
	v17 =	vmul.f32 v53, v0  }
0x75: {  	s23 =	sadd.s32 $0x2, s3;
	v29 =	vld [tilespmem:s31+$0x40];
	v18 =	vmovc v30;
	v0 =	vmul.f32 v63, v63;
	v33 =	vmul.f32 v13, v13;
	v6 =	vadd.f32 v22, v26  }
0x76: {  	v49 =	vmov s23;
	v21 =	vld [tilespmem:s31+$0xB0];
	v50 =	vmul.f32 v30, v18;
	v30 =	vmul.f32 v60, v9  }
0x77: {  	vm1 =	veq.s32 v48, v2;
	v58 =	vld [tilespmem:s31+$0x10];
	v24 =	vmul.f32 v59, v10;
	v59 =	vmul.f32 v38, v38;
	v46, _, _ =	vpop (xrf2);
	(xrf2) =	vadd.scan.msk.f32 $0xffff, v6  }
0x78: {  	s23 =	sadd.s32 $0x1, s3;
	vm2 =	veq.s32 v49, v2;
	v37 =	vmul.f32 v20, v20;
	v51 =	vmul.f32 v16, v16;
	v26 =	vld [tilespmem:s31+$0xA0]  }
0x79: {  	v44 =	vmov s23;
	v62 =	vld [tilespmem:s31+$0x0];
	v45 =	vbroadcast v45, $0xF;
	v46 =	vbroadcast v46, $0xF;
	v47, _, _ =	vpop (xrf2)  }
0x7a: {  	vm3 =	veq.s32 v44, v2;
	v22 =	vmul.f32 v28, v10;
	v28 =	vmul.f32 v61, v9;
	v6 =	vld [tilespmem:s31+$0x80];
	v53, _, _ =	vpop (xrf2)  }
0x7b: {  	v57 =	vmul.f32 v29, v29;
	v52 =	vmul.f32 v21, v21;
	v23 =	vsel vm0, v46, v23;
	v48, _, _ =	vpop (xrf2)  }
0x7c: {  	v49 =	vld [tilespmem:s31+$0xFFFFFF80];
	v23 =	vsel vm3, v45, v23;
	v45 =	vmul.f32 v55, v55;
	v48 =	vbroadcast v48, $0xF  }
0x7d: {  	v15 =	vmovc v56;
	v56 =	vmul.f32 v26, v26;
	v46 =	vbroadcast v47, $0xF;
	v23 =	vsel vm2, v43, v23  }
0x7e: {  	v43 =	vmul.f32 v62, v62;
	v47 =	vmul.f32 v58, v58;
	v14 =	vsel vm0, v48, v14;
	v48 =	vld [tilespmem:s31+$0xFFFFFF00]  }
0x7f: {  	v61 =	vld [tilespmem:s31+$0xFFFFFF90];
	v62 =	vmul.f32 v62, v1;
	v60 =	vmul.f32 v6, v6  }
0x80: {  	v23 =	vsel vm1, v42, v23;
	v44 =	vbroadcast v53, $0xF;
	v6 =	vmul.f32 v6, v1  }
0x81: {  	v43 =	vadd.f32 v47, v43;
	v45 =	vadd.f32 v45, v60;
	v60 =	vmul.f32 v49, v1;
	v53, _, _ =	vpop (xrf2)  }
0x82: {  	v6 =	vadd.f32 $0.0e+00, v6;
	v14 =	vsel vm3, v44, v14;
	v44 =	vld [tilespmem:s31+$0xFFFFFFA0];
	v53 =	vbroadcast v53, $0xF  }
0x83: {  	v42 =	vld [tilespmem:s31+$0xFFFFFF20];
	v60 =	vadd.f32 $0.0e+00, v60;
	v14 =	vsel vm2, v46, v14;
	v7 =	vmul.f32 v48, v48  }
0x84: {  	v46 =	vmul.f32 v49, v49;
	v14 =	vsel vm1, v53, v14;
	v53 =	vmul.f32 v61, v61  }
0x85: {  	v48 =	vmul.f32 v48, v1;
	v0 =	vadd.f32 v0, v7;
	v7 =	vadd.f32 v56, v45  }
0x86: {  	v55 =	vmul.f32 v55, v3;
	v46 =	vadd.f32 v53, v46;
	v56 =	vadd.f32 $0.0e+00, v62  }
0x87: {  	p0 =	sne.s32 s1, $0xC;
	v47 =	vmul.f32 v44, v44;
	v45 =	vld [tilespmem:s31+$0xFFFFFFB0];
	v49 =	vadd.f32 $0.0e+00, v48;
	v7 =	vadd.f32 v52, v7  }
.Ltmp0:
0x88: {  	v62 =	vadd.f32 v59, v43;
	v43 =	vadd.f32 v55, v6;
	v52 =	vmul.f32 v42, v42;
	(pc) =	sbr.rel @p0 .LBB2_4-.Ltmp0, $4  }
0x89: {  	v58 =	vmul.f32 v58, v3;
	v53 =	vadd.f32 v47, v46;
	v6 =	vadd.f32 v51, v7  }
0x8a: {  	v48 =	vld [tilespmem:s31+$0xFFFFFF30];
	v51 =	vadd.f32 v52, v0;
	v0 =	vmul.f32 v61, v3;
	v7 =	vadd.f32 v54, v62  }
0x8b: {  	v46 =	vld [tilespmem:s31+$0xFFFFFFC0];
	v52 =	vadd.f32 v58, v56;
	v56 =	vmul.f32 v63, v3;
	v55 =	vadd.f32 v50, v6  }
0x8c: {  	s3 =	smov.u32 s1;
	s1 =	sadd.s32 $0x4, s1;
	v47 =	vld [tilespmem:s31+$0xFFFFFF40];
	v54 =	vmul.f32 v45, v45;
	v50 =	vadd.f32 v0, v60;
	v57 =	vadd.f32 v57, v7  }
0x8d: {  	v7 =	vadd.f32 v36, v55  }
0x8e: {  	v59 =	vadd.f32 v56, v49;
	v63 =	vmul.f32 v40, v5;
	v40 =	vmul.f32 v44, v4  }
0x8f: {  	v44 =	vmul.f32 v42, v4;
	v41 =	vadd.f32 v41, v57;
	v60 =	vmul.f32 v48, v48  }
0x90: {  	v0 =	vadd.f32 v54, v53;
	v7 =	vadd.f32 v32, v7;
	v6 =	vmul.f32 v46, v46  }
0x91: {  	v35 =	vadd.f32 v35, v41;
	v61 =	vadd.f32 v60, v51;
	v62 =	vmul.f32 v47, v47  }
0x92: {  	v41 =	vadd.f32 v40, v50;
	v0 =	vadd.f32 v6, v0  }
0x93: {  	v51 =	vadd.f32 v44, v59;
	v6 =	vmul.f32 v38, v4;
	v32 =	vadd.f32 v62, v61  }
0x94: {  	v49 =	vmul.f32 v45, v5;
	v31 =	vadd.f32 v31, v35;
	v0 =	vadd.f32 v39, v0  }
0x95: {  	v29 =	vmul.f32 v29, v8;
	v6 =	vadd.f32 v6, v52;
	v32 =	vadd.f32 v37, v32  }
0x96: {  	(xrf2) =	vadd.scan.msk.f32 $0xffff, v7;
	v7 =	vadd.f32 v49, v41;
	v52 =	vmul.f32 v48, v5;
	v0 =	vadd.f32 v34, v0  }
0x97: {  	v26 =	vmul.f32 v26, v4;
	v6 =	vadd.f32 v63, v6;
	v50 =	vadd.f32 v33, v32  }
0x98: {  	v53 =	vmul.f32 v46, v8;
	v54 =	vadd.f32 v52, v51;
	v0 =	vadd.f32 v27, v0  }
0x99: {  	v55 =	vmul.f32 v47, v8;
	(xrf2) =	vadd.scan.msk.f32 $0xffff, v31;
	v6 =	vadd.f32 v29, v6;
	v25 =	vadd.f32 v25, v50  }
0x9a: {  	v21 =	vmul.f32 v21, v5;
	v58 =	vld [tilespmem:$0x1FFF0];
	(xrf2) =	vadd.scan.msk.f32 $0xffff, v0;
	v0 =	vadd.f32 v53, v7;
	v7 =	vadd.f32 v26, v43  }
0x9b: {  	v20 =	vmul.f32 v20, v9;
	v56 =	vadd.f32 v55, v54;
	v6 =	vadd.f32 v30, v6  }
0x9c: {  	v16 =	vmul.f32 v16, v8;
	(xrf2) =	vadd.scan.msk.f32 $0xffff, v25;
	v7 =	vadd.f32 v21, v7  }
0x9d: {  	v13 =	vmul.f32 v13, v10;
	v20 =	vadd.f32 v20, v56;
	v6 =	vadd.f32 v24, v6  }
0x9e: {  	v57 =	vmul.f32 v18, v9;
	v0 =	vadd.f32 v28, v0;
	v7 =	vadd.f32 v16, v7  }
0x9f: {  	v15 =	vmul.f32 v15, v58;
	v13 =	vadd.f32 v13, v20;
	v6 =	vadd.f32 v19, v6  }
0xa0: {  	v0 =	vadd.f32 v22, v0;
	v7 =	vadd.f32 v57, v7  }
0xa1: {  	(xrf2) =	vadd.scan.msk.f32 $0xffff, v6;
	v6 =	vadd.f32 v15, v13  }
0xa2: {  	v12 =	vmul.f32 v12, v10;
	v11 =	vmul.f32 v11, v58;
	v0 =	vadd.f32 v17, v0  }
0xa3: {  	v59, _, _ =	vpop (xrf2)  }
0xa4: {  	(xrf2) =	vadd.scan.msk.f32 $0xffff, v0;
	v0 =	vadd.f32 v12, v7;
	v7, _, _ =	vpop (xrf2)  }
0xa5: {  	(xrf2) =	vadd.scan.msk.f32 $0xffff, v6;
	v6, _, _ =	vpop (xrf2)  }
0xa6: {  	v0 =	vadd.f32 v11, v0;
	v11, _, _ =	vpop (xrf2)  }
0xa7: {  	s31 =	sadd.s32 $0x1, s3;
	v60 =	vmov s3;
	v11 =	vbroadcast v11, $0xF  }
0xa8: {  	vm0 =	veq.s32 v60, v2;
	v62 =	vmov s31;
	(xrf2) =	vadd.scan.msk.f32 $0xffff, v0;
	v6 =	vbroadcast v6, $0xF  }
0xa9: {  	vm1 =	veq.s32 v62, v2;
	v11 =	vsel vm0, v11, v23  }
0xaa: {  	s18 =	sadd.s32 $0x2, s3;
	v7 =	vbroadcast v7, $0xF;
	v6 =	vsel vm1, v6, v11  }
0xab: {  	s1 =	sadd.s32 $0x3, s3;
	v61 =	vmov s18  }
0xac: {  	vm2 =	veq.s32 v61, v2;
	v63 =	vbroadcast v59, $0xF;
	v0 =	vmov s1  }
0xad: {  	vm3 =	veq.s32 v0, v2;
	v0 =	vsel vm2, v7, v6;
	v6, _, _ =	vpop (xrf2)  }
0xae: {  	v0 =	vsel vm3, v63, v0;
	v7, _, _ =	vpop (xrf2)  }
0xaf: {  	v0 =	vmax.f32 v0, $1.000000000e-30;
	v11, _, _ =	vpop (xrf2)  }
0xb0: {  	(erf) = vrcp.f32 v0;
	v0 =	vbroadcast v11, $0xF  }
0xb1: {  	v7 =	vbroadcast v7, $0xF  }
0xb2: {  	v6 =	vbroadcast v6, $0xF;
	v11, _, _ =	vpop (xrf2);
	v0 =	vsel vm0, v0, v14  }
0xb3: {  	v0 =	vsel vm1, v7, v0;
	v7 =	vbroadcast v11, $0xF  }
0xb4: {  	v0 =	vsel vm2, v6, v0  }
0xb5: {  	v0 =	vsel vm3, v7, v0  }
0xb6: {  	v6 =	vand.u32 $0x7FFFFFFF, v0;
	_ =	sdelay $0x1  }
0xb7: {  	v0 =	vmul.f32 v6, v0  }
0xb8: {  	s0 =	sadd.s32 s29, s0;
	v7 =	vld [tilespmem:$0x1FFB0];
	v6 =	vpop (erf)  }
0xb9: {  	s30 =	sadd.s32 $0x1, s30;
	v0 =	vmul.f32 v6, v0;
	v6 =	vor.u32 s0, v2;
	v2 =	vld [tilespmem:$0x1FFC0]  }
0xba: {  	p0 =	sne.s32 s30, $0x8  }
.Ltmp1:
0xbb: {  	_ = 	snop;
	(pc) =	sbr.rel @p0 .LBB2_3-.Ltmp1, $4  }
0xbc: {  	_ = 	snop  }
0xbd: {  	vm15 =	vgt.f32 v0, v7  }
0xbe: {  	v3 =	vmov v4;
	v5 =	vmov v8;
	v2 =	vsel vm15, v6, v2  }
0xbf: {  	s2 =	sadd.s32 $0x800, s2;
	v61 =	vmovc v9;
	v9 =	vmovc v10;
	v10 =	vmov v58;
	v63 =	vlaneseq.u32;
	v7 =	vsel vm15, v0, v7;
	[tilespmem:$0x1FFC0] =	vst v2  }
0xc0: {  	s0 =	sadd.s32 s28, s9  }
0xc1: {  	s0 =	sshll.u32 s0, $0x4  }
0xc2: {  	s29 =	simm.s32 $0x0;
	s0 =	sadd.s32 s4, s0  }
0xc3: {  	[tilespmem:s19], [sflag:$0x1] =	stream.linear.gather [hbm4b:s0+s29], $0x4000, $0x38;
	[tilespmem:$0x8900] =	vst v63  }
0xc4: {  	_ =	swait.ge [sflag:s22], $0x4000  }
0xc5: {  	v2 =	vld [tilespmem:$0x1FFD0]  }
0xc6: {  	[sflag:s22] =	ssyncset.done $0x0;
	v4 =	vld [tilespmem:$0x1FFE0]  }
0xc7: {  	s30 =	sadd.s32 s28, s10;
	s31 =	simm.s32 $0x4200;
	v6 =	vld [tilespmem:$0x1FFC0];
	[sflag:s22] =	ssyncadd.s32 $0xFFFFC000  }
.LBB2_7:
0xc8: {  	v11 =	vld [tilespmem:s31+$0xF0]  }
0xc9: {  	v0 =	vld [tilespmem:s31+$0x70]  }
0xca: {  	v12 =	vld [tilespmem:s31+$0xE0]  }
0xcb: {  	v15 =	vld [tilespmem:s31+$0xFFFFFF70]  }
0xcc: {  	[tilespmem:$0x1FFB0] =	vst v7;
	v7 =	vld [tilespmem:s31+$0x60]  }
0xcd: {  	v14 =	vld [tilespmem:s31+$0xFFFFFFE0]  }
0xce: {  	v18 =	vld [tilespmem:s31+$0xD0]  }
0xcf: {  	v13 =	vld [tilespmem:s31+$0xFFFFFF60]  }
0xd0: {  	v23 =	vld [tilespmem:s31+$0x50]  }
0xd1: {  	v37 =	vld [tilespmem:s31+$0xFFFFFFD0]  }
0xd2: {  	v16 =	vld [tilespmem:s31+$0xC0]  }
0xd3: {  	v20 =	vld [tilespmem:s31+$0xFFFFFF50]  }
0xd4: {  	v29 =	vld [tilespmem:s31+$0x40]  }
0xd5: {  	v21 =	vld [tilespmem:s31+$0xB0];
	v32 =	vmul.f32 v11, v11  }
0xd6: {  	v26 =	vld [tilespmem:s31+$0xA0];
	v19 =	vmul.f32 v0, v10;
	v31 =	vmul.f32 v0, v0  }
0xd7: {  	v38 =	vld [tilespmem:s31+$0x20];
	v25 =	vmul.f32 v15, v15;
	v36 =	vmul.f32 v12, v12  }
0xd8: {  	v46 =	vld [tilespmem:s31+$0x10];
	v24 =	vmul.f32 v7, v9;
	v35 =	vmul.f32 v7, v7  }
0xd9: {  	v43 =	vld [tilespmem:s31+$0xFFFFFF80];
	v22 =	vmul.f32 v14, v9;
	v34 =	vmul.f32 v14, v14  }
0xda: {  	[tilespmem:$0x1FFC0] =	vst v6;
	v6 =	vld [tilespmem:s31+$0xFFFFFFF0];
	v33 =	vmul.f32 v13, v13;
	v7 =	vmul.f32 v18, v18  }
0xdb: {  	v48 =	vld [tilespmem:s31+$0xFFFFFF90];
	v30 =	vmul.f32 v23, v61;
	v41 =	vmul.f32 v23, v23  }
0xdc: {  	v45 =	vld [tilespmem:s31+$0xFFFFFF00];
	v28 =	vmul.f32 v37, v61;
	v39 =	vmul.f32 v37, v37  }
0xdd: {  	v0 =	vld [tilespmem:s31+$0x80];
	v37 =	vmul.f32 v20, v20;
	v47 =	vmul.f32 v16, v16  }
0xde: {  	v23 =	vld [tilespmem:s31+$0x0];
	v57 =	vmul.f32 v29, v29;
	v50 =	vmul.f32 v21, v21  }
0xdf: {  	v17 =	vmul.f32 v6, v10;
	v27 =	vmul.f32 v6, v6;
	v6 =	vld [tilespmem:s31+$0x90]  }
0xe0: {  	v56 =	vld [tilespmem:s31+$0xFFFFFF10];
	v49 =	vmul.f32 v26, v26;
	v51 =	vmul.f32 v38, v38  }
0xe1: {  	v54 =	vmul.f32 v43, v43;
	v55 =	vmul.f32 v46, v46  }
0xe2: {  	v44 =	vld [tilespmem:s31+$0xFFFFFFA0];
	v58 =	vmul.f32 v48, v48;
	v59 =	vmul.f32 v45, v45  }
0xe3: {  	v52 =	vmul.f32 v0, v0;
	v40 =	vmul.f32 v23, v23  }
0xe4: {  	v14 =	vimm.f32 $0.0e+00;
	v0 =	vmul.f32 v0, v1;
	v53 =	vmul.f32 v6, v6  }
0xe5: {  	v42 =	vld [tilespmem:s31+$0xFFFFFF20];
	v60 =	vmul.f32 v56, v56;
	v23 =	vmul.f32 v23, v1;
	v55 =	vadd.f32 v55, v40  }
0xe6: {  	v43 =	vmul.f32 v43, v1;
	v40 =	vld [tilespmem:s31+$0x30];
	v0 =	vadd.f32 $0.0e+00, v0;
	v52 =	vadd.f32 v53, v52  }
0xe7: {  	v62 =	vmul.f32 v44, v44;
	v23 =	vadd.f32 $0.0e+00, v23;
	v55 =	vadd.f32 v51, v55  }
0xe8: {  	v6 =	vmul.f32 v6, v2;
	v53 =	vadd.f32 v58, v54;
	v52 =	vadd.f32 v49, v52  }
0xe9: {  	v54 =	vmul.f32 v45, v1;
	v58 =	vadd.f32 v60, v59;
	v59 =	vadd.f32 $0.0e+00, v43;
	v45 =	vld [tilespmem:s31+$0xFFFFFFB0]  }
0xea: {  	v60 =	vmul.f32 v42, v42;
	v43 =	vadd.f32 v6, v0;
	v50 =	vadd.f32 v50, v52  }
0xeb: {  	v0 =	vmul.f32 v46, v2;
	v46 =	vld [tilespmem:s31+$0xFFFFFFC0];
	v53 =	vadd.f32 v62, v53;
	v62 =	vmul.f32 v40, v40  }
0xec: {  	v51 =	vadd.f32 v60, v58;
	v60 =	vmul.f32 v48, v2;
	v48 =	vld [tilespmem:s31+$0xFFFFFF30];
	v6 =	vadd.f32 v47, v50  }
0xed: {  	v56 =	vmul.f32 v56, v2;
	v49 =	vadd.f32 $0.0e+00, v54;
	v62 =	vadd.f32 v62, v55  }
0xee: {  	s0 =	sshll.u32 s29, $0x4;
	v52 =	vadd.f32 v0, v23;
	v54 =	vmul.f32 v45, v45;
	v47 =	vld [tilespmem:s31+$0xFFFFFF40];
	v55 =	vadd.f32 v7, v6  }
0xef: {  	s1 =	simm.s32 $0x4;
	s2 =	smov.u32 s31;
	s3 =	simm.s32 $0x0;
	v23 =	vimm.f32 $0.0e+00;
	v50 =	vadd.f32 v60, v59;
	v57 =	vadd.f32 v57, v62  }
.LBB2_8:
0xf0: {  	p0 =	sne.s32 s1, $0xC;
	v0 =	vadd.f32 v54, v53;
	v6 =	vmul.f32 v46, v46;
	v7 =	vadd.f32 v36, v55  }
0xf1: {  	v36 =	vadd.f32 v56, v49;
	v49 =	vmul.f32 v48, v48;
	v41 =	vadd.f32 v41, v57  }
0xf2: {  	v0 =	vadd.f32 v6, v0;
	v6 =	vmul.f32 v38, v3;
	v7 =	vadd.f32 v32, v7  }
0xf3: {  	v32 =	vadd.f32 v49, v51;
	v38 =	vmul.f32 v47, v47;
	v35 =	vadd.f32 v35, v41  }
0xf4: {  	v0 =	vadd.f32 v39, v0;
	v6 =	vadd.f32 v6, v52;
	v39 =	vmul.f32 v40, v4;
	(xrf2) =	vadd.scan.msk.f32 $0xffff, v7  }
0xf5: {  	v7 =	vadd.f32 v38, v32;
	v32 =	vmul.f32 v44, v3;
	v31 =	vadd.f32 v31, v35  }
0xf6: {  	v29 =	vmul.f32 v29, v5;
	v0 =	vadd.f32 v34, v0;
	v6 =	vadd.f32 v39, v6  }
0xf7: {  	s2 =	sadd.s32 $0x200, s2;
	v34 =	vmul.f32 v45, v4;
	v7 =	vadd.f32 v37, v7;
	v32 =	vadd.f32 v32, v50;
	(xrf2) =	vadd.scan.msk.f32 $0xffff, v31  }
0xf8: {  	v35 =	vmul.f32 v42, v3;
	v31 =	vld [tilespmem:s2+$0xF0];
	v0 =	vadd.f32 v27, v0;
	v6 =	vadd.f32 v29, v6  }
0xf9: {  	v27 =	vld [tilespmem:s2+$0x70];
	v7 =	vadd.f32 v33, v7;
	v29 =	vadd.f32 v34, v32;
	v32 =	vmul.f32 v46, v5  }
0xfa: {  	v34 =	vadd.f32 v35, v36;
	v35 =	vmul.f32 v48, v4;
	v33 =	vld [tilespmem:s2+$0xFFFFFFF0];
	v6 =	vadd.f32 v30, v6;
	(xrf2) =	vadd.scan.msk.f32 $0xffff, v0  }
0xfb: {  	v26 =	vmul.f32 v26, v3;
	v0 =	vld [tilespmem:s2+$0xE0];
	v7 =	vadd.f32 v25, v7;
	v25 =	vadd.f32 v32, v29  }
0xfc: {  	v29 =	vadd.f32 v35, v34;
	v32 =	vmul.f32 v47, v5;
	v30 =	vld [tilespmem:s2+$0xFFFFFF70];
	v6 =	vadd.f32 v24, v6  }
0xfd: {  	v21 =	vmul.f32 v21, v4;
	v34 =	vld [tilespmem:s2+$0x60];
	v24 =	vadd.f32 v28, v25;
	v25 =	vadd.f32 v26, v43;
	(xrf2) =	vadd.scan.msk.f32 $0xffff, v7  }
0xfe: {  	v20 =	vmul.f32 v20, v61;
	v26 =	vadd.f32 v32, v29;
	v7 =	vld [tilespmem:s2+$0xFFFFFFE0];
	v6 =	vadd.f32 v19, v6;
	v42, _, _ =	vpop (xrf2)  }
0xff: {  	v16 =	vmul.f32 v16, v5;
	v28 =	vld [tilespmem:s2+$0xD0];
	v19 =	vadd.f32 v22, v24;
	v21 =	vadd.f32 v21, v25  }
0x100: {  	v20 =	vadd.f32 v20, v26;
	v22 =	vmul.f32 v13, v9;
	v13 =	vld [tilespmem:s2+$0xFFFFFF60];
	(xrf2) =	vadd.scan.msk.f32 $0xffff, v6  }
0x101: {  	v18 =	vmul.f32 v18, v61;
	v6 =	vld [tilespmem:s2+$0x50];
	v17 =	vadd.f32 v17, v19;
	v19 =	vadd.f32 v16, v21;
	v43, _, _ =	vpop (xrf2)  }
0x102: {  	v15 =	vmul.f32 v15, v10;
	v21 =	vadd.f32 v22, v20;
	v22 =	vmul.f32 v11, v10;
	v11 =	vmovc v31;
	v37 =	vld [tilespmem:s2+$0xFFFFFFD0]  }
0x103: {  	v8 =	vmul.f32 v12, v9;
	v32 =	vmul.f32 v31, v11;
	v16 =	vld [tilespmem:s2+$0xC0];
	v35 =	vadd.f32 v18, v19;
	(xrf2) =	vadd.scan.msk.f32 $0xffff, v17  }
0x104: {  	v31 =	vmul.f32 v27, v27;
	v19 =	vmul.f32 v27, v10;
	v24 =	vadd.f32 v15, v21;
	v20 =	vld [tilespmem:s2+$0xFFFFFF50];
	v44, _, _ =	vpop (xrf2)  }
0x105: {  	v12 =	vmovc v0;
	v17 =	vmul.f32 v33, v10;
	v27 =	vmul.f32 v33, v33;
	v29 =	vld [tilespmem:s2+$0x40];
	v26 =	vadd.f32 v8, v35  }
0x106: {  	v25 =	vmul.f32 v30, v30;
	v36 =	vmul.f32 v0, v12;
	v15 =	vmovc v30;
	v18 =	vmov v28;
	v21 =	vld [tilespmem:s2+$0xB0];
	(xrf2) =	vadd.scan.msk.f32 $0xffff, v24  }
0x107: {  	v35 =	vmul.f32 v34, v34;
	v24 =	vmul.f32 v34, v9;
	v40 =	vld [tilespmem:s2+$0x30];
	v0 =	vadd.f32 v22, v26;
	v45, _, _ =	vpop (xrf2)  }
0x108: {  	v34 =	vmul.f32 v7, v7;
	v22 =	vmul.f32 v7, v9;
	v26 =	vld [tilespmem:s2+$0xA0]  }
0x109: {  	v33 =	vmul.f32 v13, v13;
	v7 =	vmul.f32 v28, v18;
	v38 =	vld [tilespmem:s2+$0x20];
	(xrf2) =	vadd.scan.msk.f32 $0xffff, v0  }
0x10a: {  	v30 =	vmul.f32 v6, v61;
	v41 =	vmul.f32 v6, v6;
	v0 =	vld [tilespmem:s2+$0x80];
	v6, _, _ =	vpop (xrf2)  }
0x10b: {  	s18 =	sadd.s32 $0x3, s3;
	v46 =	vmov s3;
	v28 =	vmul.f32 v37, v61;
	v39 =	vmul.f32 v37, v37  }
0x10c: {  	s23 =	sadd.s32 $0x2, s3;
	v48 =	vmov s18;
	v47 =	vmul.f32 v16, v16;
	v37 =	vmul.f32 v20, v20  }
0x10d: {  	v49 =	vmov s23;
	v57 =	vmul.f32 v29, v29;
	v50 =	vmul.f32 v21, v21;
	v51, _, _ =	vpop (xrf2)  }
0x10e: {  	s18 =	sadd.s32 $0x1, s3;
	s3 =	smov.u32 s1;
	vm0 =	veq.s32 v46, v63;
	v52 =	vmul.f32 v40, v40;
	v54 =	vmul.f32 v26, v26;
	v53 =	vld [tilespmem:s2+$0x90]  }
0x10f: {  	v58 =	vmov s18;
	v56 =	vmul.f32 v38, v38;
	v55 =	vld [tilespmem:s2+$0x10];
	v46 =	vmul.f32 v0, v0  }
0x110: {  	vm1 =	veq.s32 v48, v63;
	v42 =	vbroadcast v42, $0xF;
	v43 =	vbroadcast v43, $0xF;
	v59 =	vld [tilespmem:s2+$0xFFFFFF90];
	v48, _, _ =	vpop (xrf2)  }
0x111: {  	vm2 =	veq.s32 v49, v63;
	v8 =	vbroadcast v45, $0xF;
	v60 =	vld [tilespmem:s2+$0x0];
	v48 =	vbroadcast v48, $0xF  }
0x112: {  	vm3 =	veq.s32 v58, v63;
	v44 =	vbroadcast v44, $0xF;
	v51 =	vbroadcast v51, $0xF;
	v49 =	vld [tilespmem:s2+$0xFFFFFF80]  }
0x113: {  	v23 =	vsel vm0, v8, v23;
	v6 =	vbroadcast v6, $0xF;
	v58 =	vld [tilespmem:s2+$0xFFFFFF10];
	v14 =	vsel vm0, v48, v14;
	v45, _, _ =	vpop (xrf2)  }
0x114: {  	v23 =	vsel vm3, v44, v23;
	v48 =	vld [tilespmem:s2+$0xFFFFFF00];
	v14 =	vsel vm3, v51, v14;
	v44 =	vbroadcast v45, $0xF  }
0x115: {  	v23 =	vsel vm2, v43, v23;
	v45 =	vmul.f32 v53, v53;
	v6 =	vsel vm2, v6, v14  }
0x116: {  	v23 =	vsel vm1, v42, v23;
	v43 =	vmul.f32 v60, v60;
	v14 =	vsel vm1, v44, v6  }
0x117: {  	v51 =	vmul.f32 v55, v55;
	v6 =	vmul.f32 v49, v49  }
0x118: {  	v8 =	vmov v61;
	v0 =	vmul.f32 v0, v1;
	v61 =	vmul.f32 v59, v59;
	v44 =	vld [tilespmem:s2+$0xFFFFFFA0]  }
0x119: {  	v45 =	vadd.f32 v45, v46;
	v63 =	vmul.f32 v58, v58;
	v62 =	vmul.f32 v48, v48  }
0x11a: {  	v0 =	vadd.f32 $0.0e+00, v0;
	v60 =	vmul.f32 v60, v1;
	v43 =	vadd.f32 v51, v43;
	v42 =	vld [tilespmem:s2+$0xFFFFFF20]  }
0x11b: {  	v46 =	vmul.f32 v49, v1;
	v54 =	vadd.f32 v54, v45;
	v6 =	vadd.f32 v61, v6  }
0x11c: {  	v48 =	vmul.f32 v48, v1;
	v51 =	vadd.f32 v63, v62;
	v63 =	vlaneseq.u32  }
0x11d: {  	v60 =	vadd.f32 $0.0e+00, v60;
	v61 =	vadd.f32 $0.0e+00, v46;
	v46 =	vmul.f32 v44, v44;
	v45 =	vld [tilespmem:s2+$0xFFFFFFB0]  }
0x11e: {  	v50 =	vadd.f32 v50, v54;
	v49 =	vadd.f32 $0.0e+00, v48;
	v62 =	vmul.f32 v53, v2  }
.Ltmp2:
0x11f: {  	v54 =	vmul.f32 v42, v42;
	v53 =	vadd.f32 v46, v6;
	v46 =	vld [tilespmem:s2+$0xFFFFFFC0];
	v6 =	vadd.f32 v56, v43;
	(pc) =	sbr.rel @p0 .LBB2_8-.Ltmp2, $4  }
0x120: {  	v55 =	vmul.f32 v55, v2;
	v43 =	vadd.f32 v62, v0;
	v0 =	vadd.f32 v47, v50;
	v48 =	vld [tilespmem:s2+$0xFFFFFF30]  }
0x121: {  	v50 =	vmul.f32 v59, v2;
	v51 =	vadd.f32 v54, v51;
	v6 =	vadd.f32 v52, v6  }
0x122: {  	v52 =	vadd.f32 v55, v60;
	v55 =	vadd.f32 v7, v0;
	v47 =	vld [tilespmem:s2+$0xFFFFFF40];
	v54 =	vmul.f32 v45, v45  }
0x123: {  	s1 =	sadd.s32 $0x4, s1;
	v56 =	vmul.f32 v58, v2;
	v50 =	vadd.f32 v50, v61;
	v61 =	vmovc v8;
	v57 =	vadd.f32 v57, v6  }
0x124: {  	v0 =	vadd.f32 v54, v53  }
0x125: {  	v6 =	vmul.f32 v46, v46;
	v7 =	vadd.f32 v36, v55;
	v62 =	vmul.f32 v40, v4  }
0x126: {  	v40 =	vmul.f32 v44, v3;
	v56 =	vadd.f32 v56, v49;
	v58 =	vmul.f32 v48, v48  }
0x127: {  	v44 =	vmul.f32 v42, v3;
	v41 =	vadd.f32 v41, v57;
	v0 =	vadd.f32 v6, v0  }
0x128: {  	v6 =	vmul.f32 v38, v3;
	v7 =	vadd.f32 v32, v7;
	v59 =	vadd.f32 v58, v51  }
0x129: {  	v60 =	vmul.f32 v47, v47;
	v35 =	vadd.f32 v35, v41;
	v41 =	vadd.f32 v40, v50  }
0x12a: {  	v50 =	vadd.f32 v44, v56;
	v0 =	vadd.f32 v39, v0  }
0x12b: {  	v45 =	vmul.f32 v45, v4;
	v6 =	vadd.f32 v6, v52;
	v32 =	vadd.f32 v60, v59  }
0x12c: {  	v29 =	vmul.f32 v29, v5;
	v31 =	vadd.f32 v31, v35;
	v0 =	vadd.f32 v34, v0  }
0x12d: {  	v51 =	vmul.f32 v48, v4;
	(xrf2) =	vadd.scan.msk.f32 $0xffff, v7;
	v7 =	vadd.f32 v45, v41;
	v32 =	vadd.f32 v37, v32  }
0x12e: {  	v52 =	vmul.f32 v46, v5;
	v6 =	vadd.f32 v62, v6;
	v0 =	vadd.f32 v27, v0  }
0x12f: {  	v26 =	vmul.f32 v26, v3;
	v53 =	vadd.f32 v51, v50;
	(xrf2) =	vadd.scan.msk.f32 $0xffff, v31;
	v49 =	vadd.f32 v33, v32  }
0x130: {  	v54 =	vmul.f32 v47, v5;
	v6 =	vadd.f32 v29, v6;
	(xrf2) =	vadd.scan.msk.f32 $0xffff, v0;
	v0 =	vadd.f32 v52, v7  }
0x131: {  	v21 =	vmul.f32 v21, v4;
	v7 =	vadd.f32 v26, v43;
	v25 =	vadd.f32 v25, v49  }
0x132: {  	v20 =	vmul.f32 v20, v61;
	v55 =	vadd.f32 v54, v53;
	v6 =	vadd.f32 v30, v6  }
0x133: {  	v16 =	vmul.f32 v16, v5;
	v7 =	vadd.f32 v21, v7;
	(xrf2) =	vadd.scan.msk.f32 $0xffff, v25  }
0x134: {  	v13 =	vmul.f32 v13, v9;
	v20 =	vadd.f32 v20, v55;
	v6 =	vadd.f32 v24, v6  }
0x135: {  	v56 =	vmul.f32 v18, v61;
	v0 =	vadd.f32 v28, v0;
	v7 =	vadd.f32 v16, v7  }
0x136: {  	v15 =	vmul.f32 v15, v10;
	v13 =	vadd.f32 v13, v20;
	v6 =	vadd.f32 v19, v6  }
0x137: {  	v0 =	vadd.f32 v22, v0;
	v7 =	vadd.f32 v56, v7  }
0x138: {  	(xrf2) =	vadd.scan.msk.f32 $0xffff, v6;
	v6 =	vadd.f32 v15, v13  }
0x139: {  	v12 =	vmul.f32 v12, v9;
	v11 =	vmul.f32 v11, v10;
	v0 =	vadd.f32 v17, v0  }
0x13a: {  	v57, _, _ =	vpop (xrf2)  }
0x13b: {  	(xrf2) =	vadd.scan.msk.f32 $0xffff, v0;
	v0 =	vadd.f32 v12, v7;
	v7, _, _ =	vpop (xrf2)  }
0x13c: {  	(xrf2) =	vadd.scan.msk.f32 $0xffff, v6;
	v6, _, _ =	vpop (xrf2)  }
0x13d: {  	v0 =	vadd.f32 v11, v0;
	v11, _, _ =	vpop (xrf2)  }
0x13e: {  	s23 =	sadd.s32 $0x1, s3;
	v58 =	vmov s3;
	v11 =	vbroadcast v11, $0xF  }
0x13f: {  	vm0 =	veq.s32 v58, v63;
	v60 =	vmov s23;
	(xrf2) =	vadd.scan.msk.f32 $0xffff, v0;
	v6 =	vbroadcast v6, $0xF  }
0x140: {  	vm1 =	veq.s32 v60, v63;
	v11 =	vsel vm0, v11, v23  }
0x141: {  	s2 =	sadd.s32 $0x2, s3;
	v7 =	vbroadcast v7, $0xF;
	v6 =	vsel vm1, v6, v11  }
0x142: {  	s1 =	sadd.s32 $0x3, s3;
	v59 =	vmov s2  }
0x143: {  	vm2 =	veq.s32 v59, v63;
	v62 =	vbroadcast v57, $0xF;
	v0 =	vmov s1  }
0x144: {  	vm3 =	veq.s32 v0, v63;
	v0 =	vsel vm2, v7, v6;
	v6, _, _ =	vpop (xrf2)  }
0x145: {  	v0 =	vsel vm3, v62, v0;
	v7, _, _ =	vpop (xrf2)  }
0x146: {  	v0 =	vmax.f32 v0, $1.000000000e-30;
	v11, _, _ =	vpop (xrf2)  }
0x147: {  	(erf) = vrcp.f32 v0;
	v0 =	vbroadcast v11, $0xF  }
0x148: {  	v7 =	vbroadcast v7, $0xF  }
0x149: {  	v6 =	vbroadcast v6, $0xF;
	v11, _, _ =	vpop (xrf2);
	v0 =	vsel vm0, v0, v14  }
0x14a: {  	v0 =	vsel vm1, v7, v0;
	v7 =	vbroadcast v11, $0xF  }
0x14b: {  	v0 =	vsel vm2, v6, v0  }
0x14c: {  	v0 =	vsel vm3, v7, v0  }
0x14d: {  	v6 =	vand.u32 $0x7FFFFFFF, v0  }
0x14e: {  	s29 =	sadd.s32 $0x1, s29;
	v7 =	vld [tilespmem:$0x1FFB0]  }
0x14f: {  	p0 =	sne.s32 s29, $0x8;
	v11 =	vld [tilespmem:$0x1FFC0];
	v0 =	vmul.f32 v6, v0  }
.Ltmp3:
0x150: {  	v6 =	vpop (erf);
	(pc) =	sbr.rel @p0 .LBB2_7-.Ltmp3, $4  }
0x151: {  	v0 =	vmul.f32 v6, v0  }
0x152: {  	s0 =	sadd.s32 s30, s0  }
0x153: {  	v6 =	vor.u32 s0, v63;
	vm15 =	vgt.f32 v0, v7  }
0x154: {  	s31 =	sadd.s32 $0x800, s31;
	v6 =	vsel vm15, v6, v11;
	v7 =	vsel vm15, v0, v7  }
0x155: {  	s26 =	sadd.s32 $0x1, s26  }
0x156: {  	p0 =	sne.s32 s26, $0x6  }
.Ltmp4:
0x157: {  	_ = 	snop;
	(pc) =	sbr.rel @p0 .LBB2_2-.Ltmp4, $4  }
0x158: {  	s0 =	sadd.s32 s28, s11  }
0x159: {  	s0 =	sshll.u32 s0, $0x4  }
0x15a: {  	s0 =	sadd.s32 s4, s0  }
0x15b: {  	[tilespmem:s20], [sflag:$0x2] =	stream.linear.gather [hbm4b:s0+s5], $0x4000, $0x38;
	[tilespmem:$0x8900] =	vst v63  }
0x15c: {  	_ =	swait.ge [sflag:s21], $0x4000  }
0x15d: {  	[sflag:s21] =	ssyncset.done $0x0  }
0x15e: {  	s26 =	simm.s32 $0x0;
	s28 =	simm.s32 $0x200;
	[sflag:s21] =	ssyncadd.s32 $0xFFFFC000  }
.LBB2_12:
0x15f: {  	v11 =	vld [tilespmem:s28+$0xF0]  }
0x160: {  	v0 =	vld [tilespmem:s28+$0x70]  }
0x161: {  	[tilespmem:$0x1FFC0] =	vst v6;
	v6 =	vld [tilespmem:s28+$0xFFFFFFF0]  }
0x162: {  	v12 =	vld [tilespmem:s28+$0xE0]  }
0x163: {  	v15 =	vld [tilespmem:s28+$0xFFFFFF70]  }
0x164: {  	[tilespmem:$0x1FFB0] =	vst v7;
	v7 =	vld [tilespmem:s28+$0x60]  }
0x165: {  	v14 =	vld [tilespmem:s28+$0xFFFFFFE0]  }
0x166: {  	v18 =	vld [tilespmem:s28+$0xD0]  }
0x167: {  	v13 =	vld [tilespmem:s28+$0xFFFFFF60]  }
0x168: {  	v23 =	vld [tilespmem:s28+$0x50]  }
0x169: {  	v37 =	vld [tilespmem:s28+$0xFFFFFFD0]  }
0x16a: {  	v16 =	vld [tilespmem:s28+$0xC0]  }
0x16b: {  	v20 =	vld [tilespmem:s28+$0xFFFFFF50]  }
0x16c: {  	v29 =	vld [tilespmem:s28+$0x40]  }
0x16d: {  	v21 =	vld [tilespmem:s28+$0xB0];
	v32 =	vmul.f32 v11, v11  }
0x16e: {  	v26 =	vld [tilespmem:s28+$0xA0];
	v19 =	vmul.f32 v0, v10;
	v31 =	vmul.f32 v0, v0  }
0x16f: {  	v38 =	vld [tilespmem:s28+$0x20];
	v17 =	vmul.f32 v6, v10;
	v27 =	vmul.f32 v6, v6  }
0x170: {  	v46 =	vld [tilespmem:s28+$0x10];
	v25 =	vmul.f32 v15, v15;
	v36 =	vmul.f32 v12, v12  }
0x171: {  	v43 =	vld [tilespmem:s28+$0xFFFFFF80];
	v24 =	vmul.f32 v7, v9;
	v35 =	vmul.f32 v7, v7  }
0x172: {  	v48 =	vld [tilespmem:s28+$0xFFFFFF90];
	v22 =	vmul.f32 v14, v9;
	v34 =	vmul.f32 v14, v14  }
0x173: {  	v45 =	vld [tilespmem:s28+$0xFFFFFF00];
	v33 =	vmul.f32 v13, v13;
	v7 =	vmul.f32 v18, v18  }
0x174: {  	v56 =	vld [tilespmem:s28+$0xFFFFFF10];
	v30 =	vmul.f32 v23, v61;
	v41 =	vmul.f32 v23, v23  }
0x175: {  	v0 =	vld [tilespmem:s28+$0x80];
	v28 =	vmul.f32 v37, v61;
	v39 =	vmul.f32 v37, v37  }
0x176: {  	v23 =	vld [tilespmem:s28+$0x0];
	v37 =	vmul.f32 v20, v20;
	v47 =	vmul.f32 v16, v16  }
0x177: {  	v6 =	vld [tilespmem:s28+$0x90];
	v57 =	vmul.f32 v29, v29;
	v50 =	vmul.f32 v21, v21  }
0x178: {  	v49 =	vmul.f32 v26, v26;
	v51 =	vmul.f32 v38, v38  }
0x179: {  	v44 =	vld [tilespmem:s28+$0xFFFFFFA0];
	v54 =	vmul.f32 v43, v43;
	v55 =	vmul.f32 v46, v46  }
0x17a: {  	v58 =	vmul.f32 v48, v48;
	v59 =	vmul.f32 v45, v45  }
0x17b: {  	v60 =	vmul.f32 v56, v56;
	v40 =	vmul.f32 v23, v23  }
0x17c: {  	v14 =	vimm.f32 $0.0e+00;
	v52 =	vmul.f32 v0, v0;
	v53 =	vmul.f32 v6, v6  }
0x17d: {  	v42 =	vld [tilespmem:s28+$0xFFFFFF20];
	v43 =	vmul.f32 v43, v1;
	v0 =	vmul.f32 v0, v1;
	v55 =	vadd.f32 v55, v40  }
0x17e: {  	v62 =	vmul.f32 v44, v44;
	v40 =	vld [tilespmem:s28+$0x30];
	v52 =	vadd.f32 v53, v52;
	v53 =	vadd.f32 v58, v54  }
0x17f: {  	v23 =	vmul.f32 v23, v1;
	v0 =	vadd.f32 $0.0e+00, v0;
	v58 =	vadd.f32 v60, v59  }
0x180: {  	v6 =	vmul.f32 v6, v2;
	v59 =	vadd.f32 $0.0e+00, v43;
	v52 =	vadd.f32 v49, v52  }
0x181: {  	v54 =	vmul.f32 v45, v1;
	v45 =	vld [tilespmem:s28+$0xFFFFFFB0];
	v23 =	vadd.f32 $0.0e+00, v23;
	v53 =	vadd.f32 v62, v53  }
0x182: {  	v60 =	vmul.f32 v42, v42;
	v55 =	vadd.f32 v51, v55;
	v50 =	vadd.f32 v50, v52  }
0x183: {  	v43 =	vadd.f32 v6, v0;
	v0 =	vmul.f32 v46, v2;
	v46 =	vld [tilespmem:s28+$0xFFFFFFC0];
	v62 =	vmul.f32 v40, v40  }
0x184: {  	v51 =	vadd.f32 v60, v58;
	v60 =	vmul.f32 v48, v2;
	v48 =	vld [tilespmem:s28+$0xFFFFFF30];
	v6 =	vadd.f32 v47, v50  }
0x185: {  	v56 =	vmul.f32 v56, v2;
	v49 =	vadd.f32 $0.0e+00, v54;
	v62 =	vadd.f32 v62, v55  }
0x186: {  	s0 =	sshll.u32 s26, $0x4;
	v52 =	vadd.f32 v0, v23;
	v54 =	vmul.f32 v45, v45;
	v47 =	vld [tilespmem:s28+$0xFFFFFF40];
	v55 =	vadd.f32 v7, v6  }
0x187: {  	s1 =	simm.s32 $0x4;
	s2 =	smov.u32 s28;
	s3 =	simm.s32 $0x0;
	v23 =	vimm.f32 $0.0e+00;
	v50 =	vadd.f32 v60, v59;
	v57 =	vadd.f32 v57, v62  }
.LBB2_13:
0x188: {  	p0 =	sne.s32 s1, $0xC;
	v0 =	vadd.f32 v54, v53;
	v6 =	vmul.f32 v46, v46;
	v7 =	vadd.f32 v36, v55  }
0x189: {  	v36 =	vadd.f32 v56, v49;
	v49 =	vmul.f32 v48, v48;
	v41 =	vadd.f32 v41, v57  }
0x18a: {  	v0 =	vadd.f32 v6, v0;
	v6 =	vmul.f32 v38, v3;
	v7 =	vadd.f32 v32, v7  }
0x18b: {  	v32 =	vadd.f32 v49, v51;
	v38 =	vmul.f32 v47, v47;
	v35 =	vadd.f32 v35, v41  }
0x18c: {  	v0 =	vadd.f32 v39, v0;
	v6 =	vadd.f32 v6, v52;
	v39 =	vmul.f32 v40, v4;
	(xrf2) =	vadd.scan.msk.f32 $0xffff, v7  }
0x18d: {  	v7 =	vadd.f32 v38, v32;
	v32 =	vmul.f32 v44, v3;
	v31 =	vadd.f32 v31, v35  }
0x18e: {  	v29 =	vmul.f32 v29, v5;
	v0 =	vadd.f32 v34, v0;
	v6 =	vadd.f32 v39, v6  }
0x18f: {  	s2 =	sadd.s32 $0x200, s2;
	v34 =	vmul.f32 v45, v4;
	v7 =	vadd.f32 v37, v7;
	v32 =	vadd.f32 v32, v50;
	(xrf2) =	vadd.scan.msk.f32 $0xffff, v31  }
0x190: {  	v35 =	vmul.f32 v42, v3;
	v31 =	vld [tilespmem:s2+$0xF0];
	v0 =	vadd.f32 v27, v0;
	v6 =	vadd.f32 v29, v6  }
0x191: {  	v27 =	vld [tilespmem:s2+$0x70];
	v7 =	vadd.f32 v33, v7;
	v29 =	vadd.f32 v34, v32;
	v32 =	vmul.f32 v46, v5  }
0x192: {  	v34 =	vadd.f32 v35, v36;
	v35 =	vmul.f32 v48, v4;
	v33 =	vld [tilespmem:s2+$0xFFFFFFF0];
	v6 =	vadd.f32 v30, v6;
	(xrf2) =	vadd.scan.msk.f32 $0xffff, v0  }
0x193: {  	v26 =	vmul.f32 v26, v3;
	v0 =	vld [tilespmem:s2+$0xE0];
	v7 =	vadd.f32 v25, v7;
	v25 =	vadd.f32 v32, v29  }
0x194: {  	v29 =	vadd.f32 v35, v34;
	v32 =	vmul.f32 v47, v5;
	v30 =	vld [tilespmem:s2+$0xFFFFFF70];
	v6 =	vadd.f32 v24, v6  }
0x195: {  	v21 =	vmul.f32 v21, v4;
	v34 =	vld [tilespmem:s2+$0x60];
	v24 =	vadd.f32 v28, v25;
	v25 =	vadd.f32 v26, v43;
	(xrf2) =	vadd.scan.msk.f32 $0xffff, v7  }
0x196: {  	v20 =	vmul.f32 v20, v61;
	v26 =	vadd.f32 v32, v29;
	v7 =	vld [tilespmem:s2+$0xFFFFFFE0];
	v6 =	vadd.f32 v19, v6;
	v42, _, _ =	vpop (xrf2)  }
0x197: {  	v16 =	vmul.f32 v16, v5;
	v28 =	vld [tilespmem:s2+$0xD0];
	v19 =	vadd.f32 v22, v24;
	v21 =	vadd.f32 v21, v25  }
0x198: {  	v20 =	vadd.f32 v20, v26;
	v22 =	vmul.f32 v13, v9;
	v13 =	vld [tilespmem:s2+$0xFFFFFF60];
	(xrf2) =	vadd.scan.msk.f32 $0xffff, v6  }
0x199: {  	v18 =	vmul.f32 v18, v61;
	v6 =	vld [tilespmem:s2+$0x50];
	v17 =	vadd.f32 v17, v19;
	v19 =	vadd.f32 v16, v21;
	v43, _, _ =	vpop (xrf2)  }
0x19a: {  	v15 =	vmul.f32 v15, v10;
	v21 =	vadd.f32 v22, v20;
	v22 =	vmul.f32 v11, v10;
	v11 =	vmovc v31;
	v37 =	vld [tilespmem:s2+$0xFFFFFFD0]  }
0x19b: {  	v24 =	vmul.f32 v12, v9;
	v32 =	vmul.f32 v31, v11;
	v16 =	vld [tilespmem:s2+$0xC0];
	v38 =	vadd.f32 v18, v19;
	(xrf2) =	vadd.scan.msk.f32 $0xffff, v17  }
0x19c: {  	v31 =	vmul.f32 v27, v27;
	v19 =	vmul.f32 v27, v10;
	v35 =	vadd.f32 v15, v21;
	v20 =	vld [tilespmem:s2+$0xFFFFFF50];
	v44, _, _ =	vpop (xrf2)  }
0x19d: {  	v12 =	vmovc v0;
	v17 =	vmul.f32 v33, v10;
	v27 =	vmul.f32 v33, v33;
	v29 =	vld [tilespmem:s2+$0x40];
	v26 =	vadd.f32 v24, v38  }
0x19e: {  	v25 =	vmul.f32 v30, v30;
	v36 =	vmul.f32 v0, v12;
	v15 =	vmovc v30;
	v18 =	vmov v28;
	v21 =	vld [tilespmem:s2+$0xB0];
	(xrf2) =	vadd.scan.msk.f32 $0xffff, v35  }
0x19f: {  	v24 =	vmul.f32 v34, v9;
	v35 =	vmul.f32 v34, v34;
	v40 =	vld [tilespmem:s2+$0x30];
	v0 =	vadd.f32 v22, v26;
	v45, _, _ =	vpop (xrf2)  }
0x1a0: {  	v34 =	vmul.f32 v7, v7;
	v22 =	vmul.f32 v7, v9;
	v26 =	vld [tilespmem:s2+$0xA0]  }
0x1a1: {  	v33 =	vmul.f32 v13, v13;
	v7 =	vmul.f32 v28, v18;
	v38 =	vld [tilespmem:s2+$0x20];
	(xrf2) =	vadd.scan.msk.f32 $0xffff, v0  }
0x1a2: {  	v30 =	vmul.f32 v6, v61;
	v41 =	vmul.f32 v6, v6;
	v0 =	vld [tilespmem:s2+$0x80];
	v6, _, _ =	vpop (xrf2)  }
0x1a3: {  	s18 =	sadd.s32 $0x3, s3;
	v46 =	vmov s3;
	v28 =	vmul.f32 v37, v61;
	v39 =	vmul.f32 v37, v37  }
0x1a4: {  	s23 =	sadd.s32 $0x2, s3;
	v48 =	vmov s18;
	v47 =	vmul.f32 v16, v16;
	v37 =	vmul.f32 v20, v20  }
0x1a5: {  	v49 =	vmov s23;
	v57 =	vmul.f32 v29, v29;
	v50 =	vmul.f32 v21, v21;
	v51, _, _ =	vpop (xrf2)  }
0x1a6: {  	s18 =	sadd.s32 $0x1, s3;
	s3 =	smov.u32 s1;
	vm0 =	veq.s32 v46, v63;
	v52 =	vmul.f32 v40, v40;
	v54 =	vmul.f32 v26, v26;
	v53 =	vld [tilespmem:s2+$0x90]  }
0x1a7: {  	v58 =	vmov s18;
	v56 =	vmul.f32 v38, v38;
	v55 =	vld [tilespmem:s2+$0x10];
	v46 =	vmul.f32 v0, v0  }
0x1a8: {  	vm1 =	veq.s32 v48, v63;
	v42 =	vbroadcast v42, $0xF;
	v43 =	vbroadcast v43, $0xF;
	v59 =	vld [tilespmem:s2+$0xFFFFFF90];
	v48, _, _ =	vpop (xrf2)  }
0x1a9: {  	vm2 =	veq.s32 v49, v63;
	v61 =	vbroadcast v45, $0xF;
	v60 =	vld [tilespmem:s2+$0x0];
	v48 =	vbroadcast v48, $0xF  }
0x1aa: {  	vm3 =	veq.s32 v58, v63;
	v44 =	vbroadcast v44, $0xF;
	v51 =	vbroadcast v51, $0xF;
	v49 =	vld [tilespmem:s2+$0xFFFFFF80]  }
0x1ab: {  	v23 =	vsel vm0, v61, v23;
	v6 =	vbroadcast v6, $0xF;
	v58 =	vld [tilespmem:s2+$0xFFFFFF10];
	v14 =	vsel vm0, v48, v14;
	v45, _, _ =	vpop (xrf2)  }
0x1ac: {  	v23 =	vsel vm3, v44, v23;
	v48 =	vld [tilespmem:s2+$0xFFFFFF00];
	v14 =	vsel vm3, v51, v14;
	v44 =	vbroadcast v45, $0xF  }
0x1ad: {  	v23 =	vsel vm2, v43, v23;
	v45 =	vmul.f32 v53, v53;
	v6 =	vsel vm2, v6, v14  }
0x1ae: {  	v23 =	vsel vm1, v42, v23;
	v43 =	vmul.f32 v60, v60;
	v14 =	vsel vm1, v44, v6  }
0x1af: {  	v51 =	vmul.f32 v55, v55;
	v6 =	vmul.f32 v49, v49  }
0x1b0: {  	v0 =	vmul.f32 v0, v1;
	v61 =	vmul.f32 v59, v59;
	v44 =	vld [tilespmem:s2+$0xFFFFFFA0]  }
0x1b1: {  	v45 =	vadd.f32 v45, v46;
	v63 =	vmul.f32 v58, v58;
	v62 =	vmul.f32 v48, v48  }
0x1b2: {  	v0 =	vadd.f32 $0.0e+00, v0;
	v60 =	vmul.f32 v60, v1;
	v43 =	vadd.f32 v51, v43;
	v42 =	vld [tilespmem:s2+$0xFFFFFF20]  }
0x1b3: {  	v46 =	vmul.f32 v49, v1;
	v54 =	vadd.f32 v54, v45;
	v6 =	vadd.f32 v61, v6  }
0x1b4: {  	v48 =	vmul.f32 v48, v1;
	v51 =	vadd.f32 v63, v62;
	v63 =	vlaneseq.u32  }
0x1b5: {  	v60 =	vadd.f32 $0.0e+00, v60;
	v61 =	vadd.f32 $0.0e+00, v46;
	v46 =	vmul.f32 v44, v44;
	v45 =	vld [tilespmem:s2+$0xFFFFFFB0]  }
0x1b6: {  	v50 =	vadd.f32 v50, v54;
	v49 =	vadd.f32 $0.0e+00, v48;
	v62 =	vmul.f32 v53, v2  }
.Ltmp5:
0x1b7: {  	v54 =	vmul.f32 v42, v42;
	v53 =	vadd.f32 v46, v6;
	v46 =	vld [tilespmem:s2+$0xFFFFFFC0];
	v6 =	vadd.f32 v56, v43;
	(pc) =	sbr.rel @p0 .LBB2_13-.Ltmp5, $4  }
0x1b8: {  	v55 =	vmul.f32 v55, v2;
	v43 =	vadd.f32 v62, v0;
	v0 =	vadd.f32 v47, v50;
	v48 =	vld [tilespmem:s2+$0xFFFFFF30]  }
0x1b9: {  	v50 =	vmul.f32 v59, v2;
	v51 =	vadd.f32 v54, v51;
	v6 =	vadd.f32 v52, v6  }
0x1ba: {  	v52 =	vadd.f32 v55, v60;
	v55 =	vadd.f32 v7, v0;
	v47 =	vld [tilespmem:s2+$0xFFFFFF40];
	v54 =	vmul.f32 v45, v45  }
0x1bb: {  	s1 =	sadd.s32 $0x4, s1;
	v56 =	vmul.f32 v58, v2;
	v50 =	vadd.f32 v50, v61;
	v61 =	vmovc v8;
	v57 =	vadd.f32 v57, v6  }
0x1bc: {  	v0 =	vadd.f32 v54, v53  }
0x1bd: {  	v6 =	vmul.f32 v46, v46;
	v7 =	vadd.f32 v36, v55;
	v62 =	vmul.f32 v40, v4  }
0x1be: {  	v40 =	vmul.f32 v44, v3;
	v56 =	vadd.f32 v56, v49;
	v58 =	vmul.f32 v48, v48  }
0x1bf: {  	v44 =	vmul.f32 v42, v3;
	v41 =	vadd.f32 v41, v57;
	v0 =	vadd.f32 v6, v0  }
0x1c0: {  	v6 =	vmul.f32 v38, v3;
	v7 =	vadd.f32 v32, v7;
	v59 =	vadd.f32 v58, v51  }
0x1c1: {  	v60 =	vmul.f32 v47, v47;
	v35 =	vadd.f32 v35, v41;
	v41 =	vadd.f32 v40, v50  }
0x1c2: {  	v50 =	vadd.f32 v44, v56;
	v0 =	vadd.f32 v39, v0  }
0x1c3: {  	v45 =	vmul.f32 v45, v4;
	v6 =	vadd.f32 v6, v52;
	v32 =	vadd.f32 v60, v59  }
0x1c4: {  	v29 =	vmul.f32 v29, v5;
	v31 =	vadd.f32 v31, v35;
	v0 =	vadd.f32 v34, v0  }
0x1c5: {  	v51 =	vmul.f32 v48, v4;
	(xrf2) =	vadd.scan.msk.f32 $0xffff, v7;
	v7 =	vadd.f32 v45, v41;
	v32 =	vadd.f32 v37, v32  }
0x1c6: {  	v52 =	vmul.f32 v46, v5;
	v6 =	vadd.f32 v62, v6;
	v0 =	vadd.f32 v27, v0  }
0x1c7: {  	v26 =	vmul.f32 v26, v3;
	v53 =	vadd.f32 v51, v50;
	(xrf2) =	vadd.scan.msk.f32 $0xffff, v31;
	v49 =	vadd.f32 v33, v32  }
0x1c8: {  	v54 =	vmul.f32 v47, v5;
	v6 =	vadd.f32 v29, v6;
	(xrf2) =	vadd.scan.msk.f32 $0xffff, v0;
	v0 =	vadd.f32 v52, v7  }
0x1c9: {  	v21 =	vmul.f32 v21, v4;
	v7 =	vadd.f32 v26, v43;
	v25 =	vadd.f32 v25, v49  }
0x1ca: {  	v20 =	vmul.f32 v20, v61;
	v55 =	vadd.f32 v54, v53;
	v6 =	vadd.f32 v30, v6  }
0x1cb: {  	v16 =	vmul.f32 v16, v5;
	v7 =	vadd.f32 v21, v7;
	(xrf2) =	vadd.scan.msk.f32 $0xffff, v25  }
0x1cc: {  	v13 =	vmul.f32 v13, v9;
	v20 =	vadd.f32 v20, v55;
	v6 =	vadd.f32 v24, v6  }
0x1cd: {  	v56 =	vmul.f32 v18, v61;
	v0 =	vadd.f32 v28, v0;
	v7 =	vadd.f32 v16, v7  }
0x1ce: {  	v15 =	vmul.f32 v15, v10;
	v13 =	vadd.f32 v13, v20;
	v6 =	vadd.f32 v19, v6  }
0x1cf: {  	v0 =	vadd.f32 v22, v0;
	v7 =	vadd.f32 v56, v7  }
0x1d0: {  	(xrf2) =	vadd.scan.msk.f32 $0xffff, v6;
	v6 =	vadd.f32 v15, v13  }
0x1d1: {  	v12 =	vmul.f32 v12, v9;
	v11 =	vmul.f32 v11, v10;
	v0 =	vadd.f32 v17, v0  }
0x1d2: {  	v57, _, _ =	vpop (xrf2)  }
0x1d3: {  	(xrf2) =	vadd.scan.msk.f32 $0xffff, v0;
	v0 =	vadd.f32 v12, v7;
	v7, _, _ =	vpop (xrf2)  }
0x1d4: {  	(xrf2) =	vadd.scan.msk.f32 $0xffff, v6;
	v6, _, _ =	vpop (xrf2)  }
0x1d5: {  	v0 =	vadd.f32 v11, v0;
	v11, _, _ =	vpop (xrf2)  }
0x1d6: {  	s31 =	sadd.s32 $0x1, s3;
	v58 =	vmov s3;
	v11 =	vbroadcast v11, $0xF  }
0x1d7: {  	vm0 =	veq.s32 v58, v63;
	v60 =	vmov s31;
	(xrf2) =	vadd.scan.msk.f32 $0xffff, v0;
	v6 =	vbroadcast v6, $0xF  }
0x1d8: {  	vm1 =	veq.s32 v60, v63;
	v11 =	vsel vm0, v11, v23  }
0x1d9: {  	s2 =	sadd.s32 $0x2, s3;
	v7 =	vbroadcast v7, $0xF;
	v6 =	vsel vm1, v6, v11  }
0x1da: {  	s1 =	sadd.s32 $0x3, s3;
	v59 =	vmov s2  }
0x1db: {  	vm2 =	veq.s32 v59, v63;
	v62 =	vbroadcast v57, $0xF;
	v0 =	vmov s1  }
0x1dc: {  	vm3 =	veq.s32 v0, v63;
	v0 =	vsel vm2, v7, v6;
	v6, _, _ =	vpop (xrf2)  }
0x1dd: {  	v0 =	vsel vm3, v62, v0;
	v7, _, _ =	vpop (xrf2)  }
0x1de: {  	v0 =	vmax.f32 v0, $1.000000000e-30;
	v11, _, _ =	vpop (xrf2)  }
0x1df: {  	(erf) = vrcp.f32 v0;
	v0 =	vbroadcast v11, $0xF  }
0x1e0: {  	v7 =	vbroadcast v7, $0xF  }
0x1e1: {  	v6 =	vbroadcast v6, $0xF;
	v11, _, _ =	vpop (xrf2);
	v0 =	vsel vm0, v0, v14  }
0x1e2: {  	v0 =	vsel vm1, v7, v0;
	v7 =	vbroadcast v11, $0xF  }
0x1e3: {  	v0 =	vsel vm2, v6, v0  }
0x1e4: {  	v0 =	vsel vm3, v7, v0  }
0x1e5: {  	v6 =	vand.u32 $0x7FFFFFFF, v0  }
0x1e6: {  	s26 =	sadd.s32 $0x1, s26;
	v7 =	vld [tilespmem:$0x1FFB0]  }
0x1e7: {  	p0 =	sne.s32 s26, $0x8;
	v11 =	vld [tilespmem:$0x1FFC0];
	v0 =	vmul.f32 v6, v0  }
.Ltmp6:
0x1e8: {  	v6 =	vpop (erf);
	(pc) =	sbr.rel @p0 .LBB2_12-.Ltmp6, $4  }
0x1e9: {  	v0 =	vmul.f32 v6, v0  }
0x1ea: {  	s0 =	sadd.s32 s12, s0  }
0x1eb: {  	v6 =	vor.u32 s0, v63;
	vm15 =	vgt.f32 v0, v7  }
0x1ec: {  	s28 =	sadd.s32 $0x800, s28;
	v6 =	vsel vm15, v6, v11;
	v7 =	vsel vm15, v0, v7  }
0x1ed: {  	_ =	swait.ge [sflag:s22], $0x4000  }
0x1ee: {  	[sflag:s22] =	ssyncset.done $0x0  }
0x1ef: {  	s26 =	simm.s32 $0x0;
	s28 =	simm.s32 $0x4200;
	[sflag:s22] =	ssyncadd.s32 $0xFFFFC000  }
.LBB2_16:
0x1f0: {  	v11 =	vld [tilespmem:s28+$0xF0]  }
0x1f1: {  	v0 =	vld [tilespmem:s28+$0x70]  }
0x1f2: {  	[tilespmem:$0x1FFC0] =	vst v6;
	v6 =	vld [tilespmem:s28+$0xFFFFFFF0]  }
0x1f3: {  	v12 =	vld [tilespmem:s28+$0xE0]  }
0x1f4: {  	v15 =	vld [tilespmem:s28+$0xFFFFFF70]  }
0x1f5: {  	[tilespmem:$0x1FFB0] =	vst v7;
	v7 =	vld [tilespmem:s28+$0x60]  }
0x1f6: {  	v14 =	vld [tilespmem:s28+$0xFFFFFFE0]  }
0x1f7: {  	v18 =	vld [tilespmem:s28+$0xD0]  }
0x1f8: {  	v13 =	vld [tilespmem:s28+$0xFFFFFF60]  }
0x1f9: {  	v23 =	vld [tilespmem:s28+$0x50]  }
0x1fa: {  	v37 =	vld [tilespmem:s28+$0xFFFFFFD0]  }
0x1fb: {  	v16 =	vld [tilespmem:s28+$0xC0]  }
0x1fc: {  	v20 =	vld [tilespmem:s28+$0xFFFFFF50]  }
0x1fd: {  	v29 =	vld [tilespmem:s28+$0x40]  }
0x1fe: {  	v21 =	vld [tilespmem:s28+$0xB0];
	v32 =	vmul.f32 v11, v11  }
0x1ff: {  	v26 =	vld [tilespmem:s28+$0xA0];
	v19 =	vmul.f32 v0, v10;
	v31 =	vmul.f32 v0, v0  }
0x200: {  	v38 =	vld [tilespmem:s28+$0x20];
	v17 =	vmul.f32 v6, v10;
	v27 =	vmul.f32 v6, v6  }
0x201: {  	v46 =	vld [tilespmem:s28+$0x10];
	v25 =	vmul.f32 v15, v15;
	v36 =	vmul.f32 v12, v12  }
0x202: {  	v43 =	vld [tilespmem:s28+$0xFFFFFF80];
	v24 =	vmul.f32 v7, v9;
	v35 =	vmul.f32 v7, v7  }
0x203: {  	v48 =	vld [tilespmem:s28+$0xFFFFFF90];
	v22 =	vmul.f32 v14, v9;
	v34 =	vmul.f32 v14, v14  }
0x204: {  	v45 =	vld [tilespmem:s28+$0xFFFFFF00];
	v33 =	vmul.f32 v13, v13;
	v7 =	vmul.f32 v18, v18  }
0x205: {  	v56 =	vld [tilespmem:s28+$0xFFFFFF10];
	v30 =	vmul.f32 v23, v61;
	v41 =	vmul.f32 v23, v23  }
0x206: {  	v0 =	vld [tilespmem:s28+$0x80];
	v28 =	vmul.f32 v37, v61;
	v39 =	vmul.f32 v37, v37  }
0x207: {  	v23 =	vld [tilespmem:s28+$0x0];
	v37 =	vmul.f32 v20, v20;
	v47 =	vmul.f32 v16, v16  }
0x208: {  	v6 =	vld [tilespmem:s28+$0x90];
	v57 =	vmul.f32 v29, v29;
	v50 =	vmul.f32 v21, v21  }
0x209: {  	v49 =	vmul.f32 v26, v26;
	v51 =	vmul.f32 v38, v38  }
0x20a: {  	v44 =	vld [tilespmem:s28+$0xFFFFFFA0];
	v54 =	vmul.f32 v43, v43;
	v55 =	vmul.f32 v46, v46  }
0x20b: {  	v58 =	vmul.f32 v48, v48;
	v59 =	vmul.f32 v45, v45  }
0x20c: {  	v60 =	vmul.f32 v56, v56;
	v40 =	vmul.f32 v23, v23  }
0x20d: {  	v14 =	vimm.f32 $0.0e+00;
	v52 =	vmul.f32 v0, v0;
	v53 =	vmul.f32 v6, v6  }
0x20e: {  	v42 =	vld [tilespmem:s28+$0xFFFFFF20];
	v43 =	vmul.f32 v43, v1;
	v0 =	vmul.f32 v0, v1;
	v55 =	vadd.f32 v55, v40  }
0x20f: {  	v62 =	vmul.f32 v44, v44;
	v40 =	vld [tilespmem:s28+$0x30];
	v52 =	vadd.f32 v53, v52;
	v53 =	vadd.f32 v58, v54  }
0x210: {  	v23 =	vmul.f32 v23, v1;
	v0 =	vadd.f32 $0.0e+00, v0;
	v58 =	vadd.f32 v60, v59  }
0x211: {  	v6 =	vmul.f32 v6, v2;
	v59 =	vadd.f32 $0.0e+00, v43;
	v52 =	vadd.f32 v49, v52  }
0x212: {  	v54 =	vmul.f32 v45, v1;
	v45 =	vld [tilespmem:s28+$0xFFFFFFB0];
	v23 =	vadd.f32 $0.0e+00, v23;
	v53 =	vadd.f32 v62, v53  }
0x213: {  	v60 =	vmul.f32 v42, v42;
	v55 =	vadd.f32 v51, v55;
	v50 =	vadd.f32 v50, v52  }
0x214: {  	v43 =	vadd.f32 v6, v0;
	v0 =	vmul.f32 v46, v2;
	v46 =	vld [tilespmem:s28+$0xFFFFFFC0];
	v62 =	vmul.f32 v40, v40  }
0x215: {  	v51 =	vadd.f32 v60, v58;
	v60 =	vmul.f32 v48, v2;
	v48 =	vld [tilespmem:s28+$0xFFFFFF30];
	v6 =	vadd.f32 v47, v50  }
0x216: {  	v56 =	vmul.f32 v56, v2;
	v49 =	vadd.f32 $0.0e+00, v54;
	v62 =	vadd.f32 v62, v55  }
0x217: {  	s0 =	sshll.u32 s26, $0x4;
	v52 =	vadd.f32 v0, v23;
	v54 =	vmul.f32 v45, v45;
	v47 =	vld [tilespmem:s28+$0xFFFFFF40];
	v55 =	vadd.f32 v7, v6  }
0x218: {  	s1 =	simm.s32 $0x4;
	s2 =	smov.u32 s28;
	s3 =	simm.s32 $0x0;
	v23 =	vimm.f32 $0.0e+00;
	v50 =	vadd.f32 v60, v59;
	v57 =	vadd.f32 v57, v62  }
.LBB2_17:
0x219: {  	p0 =	sne.s32 s1, $0xC;
	v0 =	vadd.f32 v54, v53;
	v6 =	vmul.f32 v46, v46;
	v7 =	vadd.f32 v36, v55  }
0x21a: {  	v36 =	vadd.f32 v56, v49;
	v49 =	vmul.f32 v48, v48;
	v41 =	vadd.f32 v41, v57  }
0x21b: {  	v0 =	vadd.f32 v6, v0;
	v6 =	vmul.f32 v38, v3;
	v7 =	vadd.f32 v32, v7  }
0x21c: {  	v32 =	vadd.f32 v49, v51;
	v38 =	vmul.f32 v47, v47;
	v35 =	vadd.f32 v35, v41  }
0x21d: {  	v0 =	vadd.f32 v39, v0;
	v6 =	vadd.f32 v6, v52;
	v39 =	vmul.f32 v40, v4;
	(xrf2) =	vadd.scan.msk.f32 $0xffff, v7  }
0x21e: {  	v7 =	vadd.f32 v38, v32;
	v32 =	vmul.f32 v44, v3;
	v31 =	vadd.f32 v31, v35  }
0x21f: {  	v29 =	vmul.f32 v29, v5;
	v0 =	vadd.f32 v34, v0;
	v6 =	vadd.f32 v39, v6  }
0x220: {  	s2 =	sadd.s32 $0x200, s2;
	v34 =	vmul.f32 v45, v4;
	v7 =	vadd.f32 v37, v7;
	v32 =	vadd.f32 v32, v50;
	(xrf2) =	vadd.scan.msk.f32 $0xffff, v31  }
0x221: {  	v35 =	vmul.f32 v42, v3;
	v31 =	vld [tilespmem:s2+$0xF0];
	v0 =	vadd.f32 v27, v0;
	v6 =	vadd.f32 v29, v6  }
0x222: {  	v27 =	vld [tilespmem:s2+$0x70];
	v7 =	vadd.f32 v33, v7;
	v29 =	vadd.f32 v34, v32;
	v32 =	vmul.f32 v46, v5  }
0x223: {  	v34 =	vadd.f32 v35, v36;
	v35 =	vmul.f32 v48, v4;
	v33 =	vld [tilespmem:s2+$0xFFFFFFF0];
	v6 =	vadd.f32 v30, v6;
	(xrf2) =	vadd.scan.msk.f32 $0xffff, v0  }
0x224: {  	v26 =	vmul.f32 v26, v3;
	v0 =	vld [tilespmem:s2+$0xE0];
	v7 =	vadd.f32 v25, v7;
	v25 =	vadd.f32 v32, v29  }
0x225: {  	v29 =	vadd.f32 v35, v34;
	v32 =	vmul.f32 v47, v5;
	v30 =	vld [tilespmem:s2+$0xFFFFFF70];
	v6 =	vadd.f32 v24, v6  }
0x226: {  	v21 =	vmul.f32 v21, v4;
	v34 =	vld [tilespmem:s2+$0x60];
	v24 =	vadd.f32 v28, v25;
	v25 =	vadd.f32 v26, v43;
	(xrf2) =	vadd.scan.msk.f32 $0xffff, v7  }
0x227: {  	v20 =	vmul.f32 v20, v61;
	v26 =	vadd.f32 v32, v29;
	v7 =	vld [tilespmem:s2+$0xFFFFFFE0];
	v6 =	vadd.f32 v19, v6;
	v42, _, _ =	vpop (xrf2)  }
0x228: {  	v16 =	vmul.f32 v16, v5;
	v28 =	vld [tilespmem:s2+$0xD0];
	v19 =	vadd.f32 v22, v24;
	v21 =	vadd.f32 v21, v25  }
0x229: {  	v20 =	vadd.f32 v20, v26;
	v22 =	vmul.f32 v13, v9;
	v13 =	vld [tilespmem:s2+$0xFFFFFF60];
	(xrf2) =	vadd.scan.msk.f32 $0xffff, v6  }
0x22a: {  	v18 =	vmul.f32 v18, v61;
	v6 =	vld [tilespmem:s2+$0x50];
	v17 =	vadd.f32 v17, v19;
	v19 =	vadd.f32 v16, v21;
	v43, _, _ =	vpop (xrf2)  }
0x22b: {  	v15 =	vmul.f32 v15, v10;
	v21 =	vadd.f32 v22, v20;
	v22 =	vmul.f32 v11, v10;
	v11 =	vmovc v31;
	v37 =	vld [tilespmem:s2+$0xFFFFFFD0]  }
0x22c: {  	v24 =	vmul.f32 v12, v9;
	v32 =	vmul.f32 v31, v11;
	v16 =	vld [tilespmem:s2+$0xC0];
	v38 =	vadd.f32 v18, v19;
	(xrf2) =	vadd.scan.msk.f32 $0xffff, v17  }
0x22d: {  	v31 =	vmul.f32 v27, v27;
	v19 =	vmul.f32 v27, v10;
	v35 =	vadd.f32 v15, v21;
	v20 =	vld [tilespmem:s2+$0xFFFFFF50];
	v44, _, _ =	vpop (xrf2)  }
0x22e: {  	v12 =	vmovc v0;
	v17 =	vmul.f32 v33, v10;
	v27 =	vmul.f32 v33, v33;
	v29 =	vld [tilespmem:s2+$0x40];
	v26 =	vadd.f32 v24, v38  }
0x22f: {  	v25 =	vmul.f32 v30, v30;
	v36 =	vmul.f32 v0, v12;
	v15 =	vmovc v30;
	v18 =	vmov v28;
	v21 =	vld [tilespmem:s2+$0xB0];
	(xrf2) =	vadd.scan.msk.f32 $0xffff, v35  }
0x230: {  	v24 =	vmul.f32 v34, v9;
	v35 =	vmul.f32 v34, v34;
	v40 =	vld [tilespmem:s2+$0x30];
	v0 =	vadd.f32 v22, v26;
	v45, _, _ =	vpop (xrf2)  }
0x231: {  	v34 =	vmul.f32 v7, v7;
	v22 =	vmul.f32 v7, v9;
	v26 =	vld [tilespmem:s2+$0xA0]  }
0x232: {  	v33 =	vmul.f32 v13, v13;
	v7 =	vmul.f32 v28, v18;
	v38 =	vld [tilespmem:s2+$0x20];
	(xrf2) =	vadd.scan.msk.f32 $0xffff, v0  }
0x233: {  	v30 =	vmul.f32 v6, v61;
	v41 =	vmul.f32 v6, v6;
	v0 =	vld [tilespmem:s2+$0x80];
	v6, _, _ =	vpop (xrf2)  }
0x234: {  	s18 =	sadd.s32 $0x3, s3;
	v46 =	vmov s3;
	v28 =	vmul.f32 v37, v61;
	v39 =	vmul.f32 v37, v37  }
0x235: {  	s23 =	sadd.s32 $0x2, s3;
	v48 =	vmov s18;
	v47 =	vmul.f32 v16, v16;
	v37 =	vmul.f32 v20, v20  }
0x236: {  	v49 =	vmov s23;
	v57 =	vmul.f32 v29, v29;
	v50 =	vmul.f32 v21, v21;
	v51, _, _ =	vpop (xrf2)  }
0x237: {  	s18 =	sadd.s32 $0x1, s3;
	s3 =	smov.u32 s1;
	vm0 =	veq.s32 v46, v63;
	v52 =	vmul.f32 v40, v40;
	v54 =	vmul.f32 v26, v26;
	v53 =	vld [tilespmem:s2+$0x90]  }
0x238: {  	v58 =	vmov s18;
	v56 =	vmul.f32 v38, v38;
	v55 =	vld [tilespmem:s2+$0x10];
	v46 =	vmul.f32 v0, v0  }
0x239: {  	vm1 =	veq.s32 v48, v63;
	v42 =	vbroadcast v42, $0xF;
	v43 =	vbroadcast v43, $0xF;
	v59 =	vld [tilespmem:s2+$0xFFFFFF90];
	v48, _, _ =	vpop (xrf2)  }
0x23a: {  	vm2 =	veq.s32 v49, v63;
	v61 =	vbroadcast v45, $0xF;
	v60 =	vld [tilespmem:s2+$0x0];
	v48 =	vbroadcast v48, $0xF  }
0x23b: {  	vm3 =	veq.s32 v58, v63;
	v44 =	vbroadcast v44, $0xF;
	v51 =	vbroadcast v51, $0xF;
	v49 =	vld [tilespmem:s2+$0xFFFFFF80]  }
0x23c: {  	v23 =	vsel vm0, v61, v23;
	v6 =	vbroadcast v6, $0xF;
	v58 =	vld [tilespmem:s2+$0xFFFFFF10];
	v14 =	vsel vm0, v48, v14;
	v45, _, _ =	vpop (xrf2)  }
0x23d: {  	v23 =	vsel vm3, v44, v23;
	v48 =	vld [tilespmem:s2+$0xFFFFFF00];
	v14 =	vsel vm3, v51, v14;
	v44 =	vbroadcast v45, $0xF  }
0x23e: {  	v23 =	vsel vm2, v43, v23;
	v45 =	vmul.f32 v53, v53;
	v6 =	vsel vm2, v6, v14  }
0x23f: {  	v23 =	vsel vm1, v42, v23;
	v43 =	vmul.f32 v60, v60;
	v14 =	vsel vm1, v44, v6  }
0x240: {  	v51 =	vmul.f32 v55, v55;
	v6 =	vmul.f32 v49, v49  }
0x241: {  	v0 =	vmul.f32 v0, v1;
	v61 =	vmul.f32 v59, v59;
	v44 =	vld [tilespmem:s2+$0xFFFFFFA0]  }
0x242: {  	v45 =	vadd.f32 v45, v46;
	v63 =	vmul.f32 v58, v58;
	v62 =	vmul.f32 v48, v48  }
0x243: {  	v0 =	vadd.f32 $0.0e+00, v0;
	v60 =	vmul.f32 v60, v1;
	v43 =	vadd.f32 v51, v43;
	v42 =	vld [tilespmem:s2+$0xFFFFFF20]  }
0x244: {  	v46 =	vmul.f32 v49, v1;
	v54 =	vadd.f32 v54, v45;
	v6 =	vadd.f32 v61, v6  }
0x245: {  	v48 =	vmul.f32 v48, v1;
	v51 =	vadd.f32 v63, v62;
	v63 =	vlaneseq.u32  }
0x246: {  	v60 =	vadd.f32 $0.0e+00, v60;
	v61 =	vadd.f32 $0.0e+00, v46;
	v46 =	vmul.f32 v44, v44;
	v45 =	vld [tilespmem:s2+$0xFFFFFFB0]  }
0x247: {  	v50 =	vadd.f32 v50, v54;
	v49 =	vadd.f32 $0.0e+00, v48;
	v62 =	vmul.f32 v53, v2  }
.Ltmp7:
0x248: {  	v54 =	vmul.f32 v42, v42;
	v53 =	vadd.f32 v46, v6;
	v46 =	vld [tilespmem:s2+$0xFFFFFFC0];
	v6 =	vadd.f32 v56, v43;
	(pc) =	sbr.rel @p0 .LBB2_17-.Ltmp7, $4  }
0x249: {  	v55 =	vmul.f32 v55, v2;
	v43 =	vadd.f32 v62, v0;
	v0 =	vadd.f32 v47, v50;
	v48 =	vld [tilespmem:s2+$0xFFFFFF30]  }
0x24a: {  	v50 =	vmul.f32 v59, v2;
	v51 =	vadd.f32 v54, v51;
	v6 =	vadd.f32 v52, v6  }
0x24b: {  	v52 =	vadd.f32 v55, v60;
	v55 =	vadd.f32 v7, v0;
	v47 =	vld [tilespmem:s2+$0xFFFFFF40];
	v54 =	vmul.f32 v45, v45  }
0x24c: {  	s1 =	sadd.s32 $0x4, s1;
	v56 =	vmul.f32 v58, v2;
	v50 =	vadd.f32 v50, v61;
	v61 =	vmovc v8;
	v57 =	vadd.f32 v57, v6  }
0x24d: {  	v0 =	vadd.f32 v54, v53  }
0x24e: {  	v6 =	vmul.f32 v46, v46;
	v7 =	vadd.f32 v36, v55;
	v62 =	vmul.f32 v40, v4  }
0x24f: {  	v40 =	vmul.f32 v44, v3;
	v56 =	vadd.f32 v56, v49;
	v58 =	vmul.f32 v48, v48  }
0x250: {  	v44 =	vmul.f32 v42, v3;
	v41 =	vadd.f32 v41, v57;
	v0 =	vadd.f32 v6, v0  }
0x251: {  	v6 =	vmul.f32 v38, v3;
	v7 =	vadd.f32 v32, v7;
	v59 =	vadd.f32 v58, v51  }
0x252: {  	v60 =	vmul.f32 v47, v47;
	v35 =	vadd.f32 v35, v41;
	v41 =	vadd.f32 v40, v50  }
0x253: {  	v50 =	vadd.f32 v44, v56;
	v0 =	vadd.f32 v39, v0  }
0x254: {  	v45 =	vmul.f32 v45, v4;
	v6 =	vadd.f32 v6, v52;
	v32 =	vadd.f32 v60, v59  }
0x255: {  	v29 =	vmul.f32 v29, v5;
	v31 =	vadd.f32 v31, v35;
	v0 =	vadd.f32 v34, v0  }
0x256: {  	v51 =	vmul.f32 v48, v4;
	(xrf2) =	vadd.scan.msk.f32 $0xffff, v7;
	v7 =	vadd.f32 v45, v41;
	v32 =	vadd.f32 v37, v32  }
0x257: {  	v52 =	vmul.f32 v46, v5;
	v6 =	vadd.f32 v62, v6;
	v0 =	vadd.f32 v27, v0  }
0x258: {  	v26 =	vmul.f32 v26, v3;
	v53 =	vadd.f32 v51, v50;
	(xrf2) =	vadd.scan.msk.f32 $0xffff, v31;
	v49 =	vadd.f32 v33, v32  }
0x259: {  	v54 =	vmul.f32 v47, v5;
	v6 =	vadd.f32 v29, v6;
	(xrf2) =	vadd.scan.msk.f32 $0xffff, v0;
	v0 =	vadd.f32 v52, v7  }
0x25a: {  	v21 =	vmul.f32 v21, v4;
	v7 =	vadd.f32 v26, v43;
	v25 =	vadd.f32 v25, v49  }
0x25b: {  	v20 =	vmul.f32 v20, v61;
	v55 =	vadd.f32 v54, v53;
	v6 =	vadd.f32 v30, v6  }
0x25c: {  	v16 =	vmul.f32 v16, v5;
	v7 =	vadd.f32 v21, v7;
	(xrf2) =	vadd.scan.msk.f32 $0xffff, v25  }
0x25d: {  	v13 =	vmul.f32 v13, v9;
	v20 =	vadd.f32 v20, v55;
	v6 =	vadd.f32 v24, v6  }
0x25e: {  	v56 =	vmul.f32 v18, v61;
	v0 =	vadd.f32 v28, v0;
	v7 =	vadd.f32 v16, v7  }
0x25f: {  	v15 =	vmul.f32 v15, v10;
	v13 =	vadd.f32 v13, v20;
	v6 =	vadd.f32 v19, v6  }
0x260: {  	v0 =	vadd.f32 v22, v0;
	v7 =	vadd.f32 v56, v7  }
0x261: {  	(xrf2) =	vadd.scan.msk.f32 $0xffff, v6;
	v6 =	vadd.f32 v15, v13  }
0x262: {  	v12 =	vmul.f32 v12, v9;
	v11 =	vmul.f32 v11, v10;
	v0 =	vadd.f32 v17, v0  }
0x263: {  	v57, _, _ =	vpop (xrf2)  }
0x264: {  	(xrf2) =	vadd.scan.msk.f32 $0xffff, v0;
	v0 =	vadd.f32 v12, v7;
	v7, _, _ =	vpop (xrf2)  }
0x265: {  	(xrf2) =	vadd.scan.msk.f32 $0xffff, v6;
	v6, _, _ =	vpop (xrf2)  }
0x266: {  	v0 =	vadd.f32 v11, v0;
	v11, _, _ =	vpop (xrf2)  }
0x267: {  	s31 =	sadd.s32 $0x1, s3;
	v58 =	vmov s3;
	v11 =	vbroadcast v11, $0xF  }
0x268: {  	vm0 =	veq.s32 v58, v63;
	v60 =	vmov s31;
	(xrf2) =	vadd.scan.msk.f32 $0xffff, v0;
	v6 =	vbroadcast v6, $0xF  }
0x269: {  	vm1 =	veq.s32 v60, v63;
	v11 =	vsel vm0, v11, v23  }
0x26a: {  	s2 =	sadd.s32 $0x2, s3;
	v7 =	vbroadcast v7, $0xF;
	v6 =	vsel vm1, v6, v11  }
0x26b: {  	s1 =	sadd.s32 $0x3, s3;
	v59 =	vmov s2  }
0x26c: {  	vm2 =	veq.s32 v59, v63;
	v62 =	vbroadcast v57, $0xF;
	v0 =	vmov s1  }
0x26d: {  	vm3 =	veq.s32 v0, v63;
	v0 =	vsel vm2, v7, v6;
	v6, _, _ =	vpop (xrf2)  }
0x26e: {  	v0 =	vsel vm3, v62, v0;
	v7, _, _ =	vpop (xrf2)  }
0x26f: {  	v0 =	vmax.f32 v0, $1.000000000e-30;
	v11, _, _ =	vpop (xrf2)  }
0x270: {  	(erf) = vrcp.f32 v0;
	v0 =	vbroadcast v11, $0xF  }
0x271: {  	v7 =	vbroadcast v7, $0xF  }
0x272: {  	v6 =	vbroadcast v6, $0xF;
	v11, _, _ =	vpop (xrf2);
	v0 =	vsel vm0, v0, v14  }
0x273: {  	v0 =	vsel vm1, v7, v0;
	v7 =	vbroadcast v11, $0xF  }
0x274: {  	v0 =	vsel vm2, v6, v0  }
0x275: {  	v0 =	vsel vm3, v7, v0  }
0x276: {  	v6 =	vand.u32 $0x7FFFFFFF, v0  }
0x277: {  	s26 =	sadd.s32 $0x1, s26;
	v7 =	vld [tilespmem:$0x1FFB0]  }
0x278: {  	p0 =	sne.s32 s26, $0x8;
	v11 =	vld [tilespmem:$0x1FFC0];
	v0 =	vmul.f32 v6, v0  }
.Ltmp8:
0x279: {  	v6 =	vpop (erf);
	(pc) =	sbr.rel @p0 .LBB2_16-.Ltmp8, $4  }
0x27a: {  	v0 =	vmul.f32 v6, v0  }
0x27b: {  	s0 =	sadd.s32 s13, s0  }
0x27c: {  	v6 =	vor.u32 s0, v63;
	vm15 =	vgt.f32 v0, v7  }
0x27d: {  	s28 =	sadd.s32 $0x800, s28;
	v6 =	vsel vm15, v6, v11;
	v7 =	vsel vm15, v0, v7  }
0x27e: {  	(xrf0) =	vmax.scan.msk.f32 $0xffff, v7;
	_ =	sdelay $0x5  }
0x27f: {  	v0, _, _ =	vpop (xrf0)  }
0x280: {  	v0 =	vbroadcast v0, $0xF;
	_ =	sdelay $0x1  }
0x281: {  	v1 =	vxor.u32 $0x80000000, v6;
	vm0 =	veq.f32 v7, v0  }
0x282: {  	v1 =	vnsel vm0, $0xFFFFFFFF, v1  }
0x283: {  	(xrf0) =	vmin.scan.msk.u32 $0xffff, v1;
	_ =	sdelay $0x5  }
0x284: {  	v1, _, _ =	vpop (xrf0)  }
0x285: {  	(v2sf) =	vpush v1, $0xF;
	_ =	sdelay $0x7  }
0x286: {  	v0 =	vadd.f32 $0.0e+00, v0;
	_ =	sdelay $0x1  }
0x287: {  	[tilespmem:$0x8100] =	vst v0  }
0x288: {  	[tilespmem:$0x8180] =	vst v0  }
0x289: {  	[tilespmem:$0x8200] =	vst v0  }
0x28a: {  	[tilespmem:$0x8280] =	vst v0  }
0x28b: {  	[tilespmem:$0x8300] =	vst v0  }
0x28c: {  	[tilespmem:$0x8380] =	vst v0;
	s0 =	spop (v2sf)  }
0x28d: {  	[tilespmem:$0x8400] =	vst v0;
	s0 =	sxor.u32 $0x80000000, s0  }
0x28e: {  	[tilespmem:$0x8480] =	vst v0;
	v63 =	vmov s0  }
0x28f: {  	[tilespmem:$0x8500] =	vst v63  }
0x290: {  	[tilespmem:$0x8580] =	vst v63  }
0x291: {  	[tilespmem:$0x8600] =	vst v63  }
0x292: {  	[tilespmem:$0x8680] =	vst v63  }
0x293: {  	[tilespmem:$0x8700] =	vst v63  }
0x294: {  	[tilespmem:$0x8780] =	vst v63  }
0x295: {  	[tilespmem:$0x8800] =	vst v63  }
0x296: {  	s31 =	simm.s32 $0x8100;
	[tilespmem:$0x8880] =	vst v63  }
0x297: {  	[hbm4b:s14+s5] =	stream.linear.scatter [tilespmem:s31], [sflag:$0x3], $0x400, $0x38;
	[tilespmem:$0x8900] =	vst v63  }
0x298: {  	s25 =	sadd.s32 $0x1, s25;
	_ =	swait.ge [sflag:s17], $0x400  }
0x299: {  	p0 =	sne.s32 s25, s16;
	[sflag:s17] =	ssyncset.done $0x0  }
.Ltmp9:
0x29a: {  	[sflag:s17] =	ssyncadd.s32 $0xFFFFFC00;
	(pc) =	sbr.rel @p0 .LBB2_1-.Ltmp9, $4  }
0x29b: {  	[hbm4b:s15+s5] =	stream.linear.scatter [tilespmem:s24], [sflag:$0x3], $0x400, $0x38;
	[tilespmem:$0x8900] =	vst v63  }
0x29c: {  	_ =	swait.ge [sflag:s17], $0x400  }
0x29d: {  	[sflag:s17] =	ssyncset.done $0x0  }
0x29e: {  	[sflag:s17] =	ssyncadd.s32 $0xFFFFFC00  }
0x29f: {  	_ =	sfence.sel $0x180000  }
0x2a0: {  	[bflag:$0x0] =	sbarrier.arrive $0xFFFF  }
0x2a1: {  	_ =	strace $0x90000047  }
0x2a2: {  	s0 =	stileid.u32;
	[bflag:$0x2] =	sbarrier.arrive $0xFFFF  }
0x2a3: {  	p0 =	sne.s32 s0, $0x0;
	s0 =	rddreg [dreg:$0x4]  }
0x2a4: {  	s0 =	sadd.s32 @!p0 $0x100000, s0  }
0x2a5: {  	[sflag:s0] =	ssyncadd.tile.s32 @!p0 $0x1;
	_ =	shalt  }
.Lfunc_end2:
_tile_overlayer_lowered:
.L_overlay_start_2:
0x2a6: {  	(tag) =	ssettag $0x2  }
0x2a7: {  	s0 =	rddreg [dreg:$0x0];
	s2 =	stileid.u32  }
0x2a8: {  	s1 =	rddreg [dreg:$0x1];
	p0 =	sne.s32 s2, $0x0  }
0x2a9: {  	s3 =	rddreg [dreg:$0x2];
	[bflag:$0x3] =	sbarrier.arrive $0xFFFF;
	s2 =	simm.s32 @!p0 $0x1C03  }
0x2aa: {  	[timem:s3], [sflag:s2] =	dma.local @!p0 [hbm:s0], s1  }
0x2ab: {  	s0 =	simm.s32 @!p0 $0x3  }
0x2ac: {  	_ =	swait.ge @!p0 [sflag:s0], s1  }
0x2ad: {  	s1 =	ssub.s32 @!p0 $0x0, s1;
	[sflag:s0] =	ssyncset.done @!p0 $0x0  }
0x2ae: {  	[sflag:s0] =	ssyncadd.s32 @!p0 s1  }
0x2af: {  	[bflag:$0x3] =	sbarrier.arrive $0xFFFF  }
0x2b0: {  	_ =	shalt  }

</sc_bundles>
